<compile_context>
chip_gen: v7x
topology: tpu7x:2x2x1
jax: 0.10.2.dev20260603
libtpu: 0.0.44.dev20260713+nightly
codegen_flags: <defaults>
</compile_context>

<pallas_src>
import jax
import jax.numpy as jnp
from jax import lax
from jax.experimental import pallas as pl
from jax.experimental.pallas import tpu as pltpu
from jax.experimental.pallas import tpu_sc as plsc

VOCAB = 1000000
HIDDEN = 128
B = 1024
S = 200

NC = 2
NS = 16
NW = NC * NS
L = 16
NV = HIDDEN // L

CHUNK = 100
N_TOK = B * S
N_CHUNKS = N_TOK // CHUNK
CHUNKS_PER_W = N_CHUNKS // NW
UNROLL = 2

_GATHER_DNUMS = lax.GatherDimensionNumbers(
    offset_dims=(), collapsed_slice_dims=(0,), start_index_map=(0,))


def _shuffle(v, d):
    idx = (lax.iota(jnp.int32, L) ^ jnp.int32(d))[:, None]
    return lax.gather(v, idx, _GATHER_DNUMS, slice_sizes=(1,),
                      mode=lax.GatherScatterMode.PROMISE_IN_BOUNDS)


def _splat_sum(v):
    for d in (1, 2, 4, 8):
        v = v + _shuffle(v, d)
    return v


def _rsqrt(v):
    i = lax.bitcast_convert_type(v, jnp.int32)
    i = jnp.int32(0x5F3759DF) - (i >> 1)
    r = lax.bitcast_convert_type(i, jnp.float32)
    half_v = 0.5 * v
    for _ in range(3):
        r = r * (1.5 - half_v * r * r)
    return r


def _sc_kernel(ids_hbm, word_hbm, pos_hbm, type_hbm, gamma_hbm, beta_hbm,
               out_hbm, comb_v, rows_v, obuf_v, idx_v, gb_v, trow_v,
               gsem0, gsem1, osem0, osem1):
    wid = lax.axis_index("s") * NC + lax.axis_index("c")
    cbase = wid * CHUNKS_PER_W
    gsem = (gsem0, gsem1)
    osem = (osem0, osem1)

    pltpu.sync_copy(pos_hbm.at[pl.ds(0, S)], comb_v)
    pltpu.sync_copy(type_hbm.at[pl.ds(0, 1)], trow_v)
    pltpu.sync_copy(gamma_hbm, gb_v.at[0])
    pltpu.sync_copy(beta_hbm, gb_v.at[1])

    trow = [trow_v[0, pl.ds(L * j, L)] for j in range(NV)]

    def fold_type(s, carry):
        for j in range(NV):
            comb_v[s, pl.ds(L * j, L)] = comb_v[s, pl.ds(L * j, L)] + trow[j]
        return carry

    lax.fori_loop(0, S, fold_type, 0)

    gam = [gb_v[0, pl.ds(L * j, L)] for j in range(NV)]
    bet = [gb_v[1, pl.ds(L * j, L)] for j in range(NV)]
    inv_h = jnp.float32(1.0 / HIDDEN)

    def fetch(q, buf):
        pltpu.sync_copy(ids_hbm.at[cbase + q], idx_v.at[buf])
        pltpu.async_copy(word_hbm.at[idx_v.at[buf]], rows_v.at[buf],
                         gsem[buf])

    fetch(0, 0)
    fetch(1, 1)

    def do_pair(p, carry):
        for buf in range(2):
            q = 2 * p + buf
            cid = cbase + q
            pltpu.make_async_copy(word_hbm.at[idx_v.at[buf]],
                                  rows_v.at[buf], gsem[buf]).wait()

            @pl.when(p > 0)
            def _():
                pltpu.make_async_copy(obuf_v.at[buf], out_hbm.at[cid - 2],
                                      osem[buf]).wait()

            def token_blk(i, c2):
                for k in range(UNROLL):
                    t = UNROLL * i + k
                    x = [rows_v[buf, t, pl.ds(L * j, L)]
                         + comb_v[buf * CHUNK + t, pl.ds(L * j, L)]
                         for j in range(NV)]
                    s01 = x[0] + x[1]
                    s23 = x[2] + x[3]
                    s45 = x[4] + x[5]
                    s67 = x[6] + x[7]
                    svec = (s01 + s23) + (s45 + s67)
                    m = [xj * xj for xj in x]
                    m01 = m[0] + m[1]
                    m23 = m[2] + m[3]
                    m45 = m[4] + m[5]
                    m67 = m[6] + m[7]
                    mvec = (m01 + m23) + (m45 + m67)
                    total = _splat_sum(svec)
                    ssq = _splat_sum(mvec)
                    mean = total * inv_h
                    var = ssq * inv_h - mean * mean
                    r = _rsqrt(var + jnp.float32(1e-12))
                    for j in range(NV):
                        obuf_v[buf, t, pl.ds(L * j, L)] = (
                            (x[j] - mean) * (gam[j] * r) + bet[j])
                return c2

            lax.fori_loop(0, CHUNK // UNROLL, token_blk, 0)

            pltpu.async_copy(obuf_v.at[buf], out_hbm.at[cid], osem[buf])

            @pl.when(p < CHUNKS_PER_W // 2 - 1)
            def _():
                fetch(q + 2, buf)
        return carry

    lax.fori_loop(0, CHUNKS_PER_W // 2, do_pair, 0)

    for buf in range(2):
        pltpu.make_async_copy(obuf_v.at[buf],
                              out_hbm.at[cbase + CHUNKS_PER_W - 2 + buf],
                              osem[buf]).wait()


@jax.jit
def _run(ids2d, word_emb, pos_emb, type_emb, ln_gamma, ln_beta):
    mesh = plsc.VectorSubcoreMesh(core_axis_name="c", subcore_axis_name="s")
    f = pl.kernel(
        _sc_kernel,
        out_type=jax.ShapeDtypeStruct((N_CHUNKS, CHUNK, HIDDEN), jnp.float32),
        mesh=mesh,
        scratch_types=[
            pltpu.VMEM((S, HIDDEN), jnp.float32),
            pltpu.VMEM((2, CHUNK, HIDDEN), jnp.float32),
            pltpu.VMEM((2, CHUNK, HIDDEN), jnp.float32),
            pltpu.VMEM((2, CHUNK), jnp.int32),
            pltpu.VMEM((2, HIDDEN), jnp.float32),
            pltpu.VMEM((1, HIDDEN), jnp.float32),
            pltpu.SemaphoreType.DMA,
            pltpu.SemaphoreType.DMA,
            pltpu.SemaphoreType.DMA,
            pltpu.SemaphoreType.DMA,
        ],
    )
    return f(ids2d, word_emb, pos_emb, type_emb, ln_gamma, ln_beta)


def kernel(input_ids, word_emb, pos_emb, type_emb, ln_gamma, ln_beta):
    ids2d = input_ids.astype(jnp.int32).reshape(N_CHUNKS, CHUNK)
    out = _run(ids2d, word_emb, pos_emb, type_emb, ln_gamma, ln_beta)
    return out.reshape(B, S, HIDDEN)

# --- scband reference (transcript-rebuilt; emitter-appended) ---
"""Pipeline reference for scband-bert-embedding-85444079386970 (READ-ONLY COPY).

The authoritative reference and input builder live on the scoring server;
editing this copy changes nothing except your own understanding.
"""

import jax, jax.numpy as jnp
import numpy as np

VOCAB = 1000000
HIDDEN = 128
MAX_POS = 512
B = 1024
S = 200

def setup_inputs(seed: int = 0) -> dict:
    key = jax.random.key(seed)
    k1, k2, k3, k4 = jax.random.split(key, 4)
    input_ids = jax.random.randint(k1, (B, S), 0, VOCAB, dtype=jnp.int64) if jax.config.jax_enable_x64 else jax.random.randint(k1, (B, S), 0, VOCAB, dtype=jnp.int32)
    word_emb = jax.random.normal(k2, (VOCAB, HIDDEN), dtype=jnp.float32) * 0.02
    pos_emb = jax.random.normal(k3, (MAX_POS, HIDDEN), dtype=jnp.float32) * 0.02
    type_emb = jax.random.normal(k4, (2, HIDDEN), dtype=jnp.float32) * 0.02
    ln_gamma = jnp.ones((HIDDEN,), dtype=jnp.float32)
    ln_beta = jnp.zeros((HIDDEN,), dtype=jnp.float32)
    return {"input_ids": input_ids, "word_emb": word_emb, "pos_emb": pos_emb, "type_emb": type_emb, "ln_gamma": ln_gamma, "ln_beta": ln_beta}

def reference(input_ids, word_emb, pos_emb, type_emb, ln_gamma, ln_beta):
    b, s = input_ids.shape
    position_ids = jnp.broadcast_to(jnp.arange(s, dtype=input_ids.dtype)[None, :], (b, s))
    token_type_ids = jnp.zeros_like(input_ids)
    we = jnp.take(word_emb, input_ids, axis=0)
    pe = jnp.take(pos_emb, position_ids, axis=0)
    te = jnp.take(type_emb, token_type_ids, axis=0)
    emb = we + pe + te
    mean = jnp.mean(emb, axis=-1, keepdims=True)
    var = jnp.mean(jnp.square(emb - mean), axis=-1, keepdims=True)
    normed = (emb - mean) / jnp.sqrt(var + 1e-12)
    out = normed * ln_gamma + ln_beta
    # dropout is identity in eval mode
    return out

if __name__ == "__main__":
    import jax
    _d = setup_inputs()
    print(jax.jit(kernel)(*tuple(_d.values())))

</pallas_src>

<mosaic_0001>
#map = affine_map<(d0, d1) -> (0, 0)>
#map1 = affine_map<(d0, d1) -> (0)>
#map2 = affine_map<(d0, d1) -> (0, 0, 0)>
module attributes {stable_mosaic.version = 14 : i64} {
  func.func @_sc_kernel(%arg0: i32, %arg1: i32, %arg2: memref<2048x100xi32, #tpu.memory_space<hbm>>, %arg3: memref<1000000x128xf32, #tpu.memory_space<hbm>>, %arg4: memref<512x128xf32, #tpu.memory_space<hbm>>, %arg5: memref<2x128xf32, #tpu.memory_space<hbm>>, %arg6: memref<128xf32, #tpu.memory_space<hbm>>, %arg7: memref<128xf32, #tpu.memory_space<hbm>>, %arg8: memref<2048x100x128xf32, #tpu.memory_space<hbm>>, %arg9: memref<200x128xf32, #tpu.memory_space<vmem>>, %arg10: memref<2x100x128xf32, #tpu.memory_space<vmem>>, %arg11: memref<2x100x128xf32, #tpu.memory_space<vmem>>, %arg12: memref<2x100xi32, #tpu.memory_space<vmem>>, %arg13: memref<2x128xf32, #tpu.memory_space<vmem>>, %arg14: memref<1x128xf32, #tpu.memory_space<vmem>>, %arg15: memref<!tpu.dma_semaphore, #tpu.memory_space<semaphore_mem>>, %arg16: memref<!tpu.dma_semaphore, #tpu.memory_space<semaphore_mem>>, %arg17: memref<!tpu.dma_semaphore, #tpu.memory_space<semaphore_mem>>, %arg18: memref<!tpu.dma_semaphore, #tpu.memory_space<semaphore_mem>>) attributes {dimension_semantics = [#tpu.dimension_semantics<core_parallel>, #tpu.dimension_semantics<subcore_parallel>], iteration_bounds = array<i64: 2, 16>, scalar_prefetch = 0 : i64, scratch_operands = 10 : i64, tpu.core_type = #tpu.core_type<sc_vector_subcore>, window_params = [{transform_indices = #map}, {transform_indices = #map}, {transform_indices = #map}, {transform_indices = #map}, {transform_indices = #map1}, {transform_indices = #map1}, {transform_indices = #map2}]} {
    %mul3A = arith.constant 2 : i32
    %mul3A_0 = arith.muli %arg1, %mul3A : i32
    %add3A = arith.addi %mul3A_0, %arg0 : i32
    %mul3A_1 = arith.constant 64 : i32
    %mul3A_2 = arith.muli %add3A, %mul3A_1 : i32
    "tpu.region"() ({
      %run_scoped3A_208 = tpu.sem_alloc : memref<!tpu.dma_semaphore, #tpu.memory_space<semaphore_mem>>
      %dma_start3A_209 = arith.constant 0 : i32
      %dma_start3A_210 = arith.constant 0 : i32
      %dma_start3A_211 = tpu.memref_slice %arg4[%dma_start3A_209, %dma_start3A_210] : memref<512x128xf32, #tpu.memory_space<hbm>> -> memref<200x128xf32, #tpu.memory_space<hbm>>
      %dma_start3A_212 = arith.constant 0 : i32
      %dma_start3A_213 = arith.constant 0 : i32
      %dma_start3A_214 = tpu.memref_slice %arg4[%dma_start3A_212, %dma_start3A_213] : memref<512x128xf32, #tpu.memory_space<hbm>> -> memref<200x128xf32, #tpu.memory_space<hbm>>
      tpu.enqueue_dma source(%dma_start3A_214 : memref<200x128xf32, #tpu.memory_space<hbm>>) target(%arg9 : memref<200x128xf32, #tpu.memory_space<vmem>>) target_semaphore(%run_scoped3A_208 : memref<!tpu.dma_semaphore, #tpu.memory_space<semaphore_mem>>)
      %dma_wait3A_215 = arith.constant 0 : i32
      %dma_wait3A_216 = arith.constant 0 : i32
      %dma_wait3A_217 = tpu.memref_slice %arg4[%dma_wait3A_215, %dma_wait3A_216] : memref<512x128xf32, #tpu.memory_space<hbm>> -> memref<200x128xf32, #tpu.memory_space<hbm>>
      %dma_wait3A_218 = arith.constant 0 : i32
      %dma_wait3A_219 = arith.constant 0 : i32
      %dma_wait3A_220 = tpu.memref_slice %arg4[%dma_wait3A_218, %dma_wait3A_219] : memref<512x128xf32, #tpu.memory_space<hbm>> -> memref<200x128xf32, #tpu.memory_space<hbm>>
      tpu.wait_dma2 semaphore(%run_scoped3A_208 : memref<!tpu.dma_semaphore, #tpu.memory_space<semaphore_mem>>) src(%dma_wait3A_220 : memref<200x128xf32, #tpu.memory_space<hbm>>) dst(%arg9 : memref<200x128xf32, #tpu.memory_space<vmem>>)
      tpu.yield
    }) : () -> ()
    "tpu.region"() ({
      %run_scoped3A_208 = tpu.sem_alloc : memref<!tpu.dma_semaphore, #tpu.memory_space<semaphore_mem>>
      %dma_start3A_209 = arith.constant 0 : i32
      %dma_start3A_210 = arith.constant 0 : i32
      %dma_start3A_211 = tpu.memref_slice %arg5[%dma_start3A_209, %dma_start3A_210] : memref<2x128xf32, #tpu.memory_space<hbm>> -> memref<1x128xf32, #tpu.memory_space<hbm>>
      %dma_start3A_212 = arith.constant 0 : i32
      %dma_start3A_213 = arith.constant 0 : i32
      %dma_start3A_214 = tpu.memref_slice %arg5[%dma_start3A_212, %dma_start3A_213] : memref<2x128xf32, #tpu.memory_space<hbm>> -> memref<1x128xf32, #tpu.memory_space<hbm>>
      tpu.enqueue_dma source(%dma_start3A_214 : memref<1x128xf32, #tpu.memory_space<hbm>>) target(%arg14 : memref<1x128xf32, #tpu.memory_space<vmem>>) target_semaphore(%run_scoped3A_208 : memref<!tpu.dma_semaphore, #tpu.memory_space<semaphore_mem>>)
      %dma_wait3A_215 = arith.constant 0 : i32
      %dma_wait3A_216 = arith.constant 0 : i32
      %dma_wait3A_217 = tpu.memref_slice %arg5[%dma_wait3A_215, %dma_wait3A_216] : memref<2x128xf32, #tpu.memory_space<hbm>> -> memref<1x128xf32, #tpu.memory_space<hbm>>
      %dma_wait3A_218 = arith.constant 0 : i32
      %dma_wait3A_219 = arith.constant 0 : i32
      %dma_wait3A_220 = tpu.memref_slice %arg5[%dma_wait3A_218, %dma_wait3A_219] : memref<2x128xf32, #tpu.memory_space<hbm>> -> memref<1x128xf32, #tpu.memory_space<hbm>>
      tpu.wait_dma2 semaphore(%run_scoped3A_208 : memref<!tpu.dma_semaphore, #tpu.memory_space<semaphore_mem>>) src(%dma_wait3A_220 : memref<1x128xf32, #tpu.memory_space<hbm>>) dst(%arg14 : memref<1x128xf32, #tpu.memory_space<vmem>>)
      tpu.yield
    }) : () -> ()
    %run_scoped3A = arith.constant 0 : i32
    "tpu.region"() ({
      %run_scoped3A_208 = tpu.sem_alloc : memref<!tpu.dma_semaphore, #tpu.memory_space<semaphore_mem>>
      %dma_start3A_209 = arith.constant 0 : i32
      %dma_start3A_210 = tpu.memref_slice %arg13[%run_scoped3A, %dma_start3A_209] : memref<2x128xf32, #tpu.memory_space<vmem>> -> memref<1x128xf32, #tpu.memory_space<vmem>>
      %dma_start3A_211 = tpu.memref_squeeze %dma_start3A_210 : memref<1x128xf32, #tpu.memory_space<vmem>> -> memref<128xf32, #tpu.memory_space<vmem>>
      %dma_start3A_212 = arith.constant 0 : i32
      %dma_start3A_213 = tpu.memref_slice %arg13[%run_scoped3A, %dma_start3A_212] : memref<2x128xf32, #tpu.memory_space<vmem>> -> memref<1x128xf32, #tpu.memory_space<vmem>>
      %dma_start3A_214 = tpu.memref_squeeze %dma_start3A_213 : memref<1x128xf32, #tpu.memory_space<vmem>> -> memref<128xf32, #tpu.memory_space<vmem>>
      tpu.enqueue_dma source(%arg6 : memref<128xf32, #tpu.memory_space<hbm>>) target(%dma_start3A_214 : memref<128xf32, #tpu.memory_space<vmem>>) target_semaphore(%run_scoped3A_208 : memref<!tpu.dma_semaphore, #tpu.memory_space<semaphore_mem>>)
      %dma_wait3A_215 = arith.constant 0 : i32
      %dma_wait3A_216 = tpu.memref_slice %arg13[%run_scoped3A, %dma_wait3A_215] : memref<2x128xf32, #tpu.memory_space<vmem>> -> memref<1x128xf32, #tpu.memory_space<vmem>>
      %dma_wait3A_217 = tpu.memref_squeeze %dma_wait3A_216 : memref<1x128xf32, #tpu.memory_space<vmem>> -> memref<128xf32, #tpu.memory_space<vmem>>
      %dma_wait3A_218 = arith.constant 0 : i32
      %dma_wait3A_219 = tpu.memref_slice %arg13[%run_scoped3A, %dma_wait3A_218] : memref<2x128xf32, #tpu.memory_space<vmem>> -> memref<1x128xf32, #tpu.memory_space<vmem>>
      %dma_wait3A_220 = tpu.memref_squeeze %dma_wait3A_219 : memref<1x128xf32, #tpu.memory_space<vmem>> -> memref<128xf32, #tpu.memory_space<vmem>>
      tpu.wait_dma2 semaphore(%run_scoped3A_208 : memref<!tpu.dma_semaphore, #tpu.memory_space<semaphore_mem>>) src(%arg6 : memref<128xf32, #tpu.memory_space<hbm>>) dst(%dma_wait3A_220 : memref<128xf32, #tpu.memory_space<vmem>>)
      tpu.yield
    }) : () -> ()
    %run_scoped3A_3 = arith.constant 1 : i32
    "tpu.region"() ({
      %run_scoped3A_208 = tpu.sem_alloc : memref<!tpu.dma_semaphore, #tpu.memory_space<semaphore_mem>>
      %dma_start3A_209 = arith.constant 0 : i32
      %dma_start3A_210 = tpu.memref_slice %arg13[%run_scoped3A_3, %dma_start3A_209] : memref<2x128xf32, #tpu.memory_space<vmem>> -> memref<1x128xf32, #tpu.memory_space<vmem>>
      %dma_start3A_211 = tpu.memref_squeeze %dma_start3A_210 : memref<1x128xf32, #tpu.memory_space<vmem>> -> memref<128xf32, #tpu.memory_space<vmem>>
      %dma_start3A_212 = arith.constant 0 : i32
      %dma_start3A_213 = tpu.memref_slice %arg13[%run_scoped3A_3, %dma_start3A_212] : memref<2x128xf32, #tpu.memory_space<vmem>> -> memref<1x128xf32, #tpu.memory_space<vmem>>
      %dma_start3A_214 = tpu.memref_squeeze %dma_start3A_213 : memref<1x128xf32, #tpu.memory_space<vmem>> -> memref<128xf32, #tpu.memory_space<vmem>>
      tpu.enqueue_dma source(%arg7 : memref<128xf32, #tpu.memory_space<hbm>>) target(%dma_start3A_214 : memref<128xf32, #tpu.memory_space<vmem>>) target_semaphore(%run_scoped3A_208 : memref<!tpu.dma_semaphore, #tpu.memory_space<semaphore_mem>>)
      %dma_wait3A_215 = arith.constant 0 : i32
      %dma_wait3A_216 = tpu.memref_slice %arg13[%run_scoped3A_3, %dma_wait3A_215] : memref<2x128xf32, #tpu.memory_space<vmem>> -> memref<1x128xf32, #tpu.memory_space<vmem>>
      %dma_wait3A_217 = tpu.memref_squeeze %dma_wait3A_216 : memref<1x128xf32, #tpu.memory_space<vmem>> -> memref<128xf32, #tpu.memory_space<vmem>>
      %dma_wait3A_218 = arith.constant 0 : i32
      %dma_wait3A_219 = tpu.memref_slice %arg13[%run_scoped3A_3, %dma_wait3A_218] : memref<2x128xf32, #tpu.memory_space<vmem>> -> memref<1x128xf32, #tpu.memory_space<vmem>>
      %dma_wait3A_220 = tpu.memref_squeeze %dma_wait3A_219 : memref<1x128xf32, #tpu.memory_space<vmem>> -> memref<128xf32, #tpu.memory_space<vmem>>
      tpu.wait_dma2 semaphore(%run_scoped3A_208 : memref<!tpu.dma_semaphore, #tpu.memory_space<semaphore_mem>>) src(%arg7 : memref<128xf32, #tpu.memory_space<hbm>>) dst(%dma_wait3A_220 : memref<128xf32, #tpu.memory_space<vmem>>)
      tpu.yield
    }) : () -> ()
    %get3A = arith.constant 0 : i32
    %get3A_4 = arith.index_cast %get3A : i32 to index
    %get3A_5 = arith.constant 0 : index
    %get3A_6 = tpu.vector_load %arg14[%get3A_4, %get3A_5] {strides = array<i32>} : memref<1x128xf32, #tpu.memory_space<vmem>>, vector<1x16xf32>,
    %get3A_7 = vector.shape_cast %get3A_6 : vector<1x16xf32> to vector<16xf32>
    %get3A_8 = arith.constant 0 : i32
    %get3A_9 = arith.index_cast %get3A_8 : i32 to index
    %get3A_10 = arith.constant 16 : index
    %get3A_11 = tpu.vector_load %arg14[%get3A_9, %get3A_10] {strides = array<i32>} : memref<1x128xf32, #tpu.memory_space<vmem>>, vector<1x16xf32>,
    %get3A_12 = vector.shape_cast %get3A_11 : vector<1x16xf32> to vector<16xf32>
    %get3A_13 = arith.constant 0 : i32
    %get3A_14 = arith.index_cast %get3A_13 : i32 to index
    %get3A_15 = arith.constant 32 : index
    %get3A_16 = tpu.vector_load %arg14[%get3A_14, %get3A_15] {strides = array<i32>} : memref<1x128xf32, #tpu.memory_space<vmem>>, vector<1x16xf32>,
    %get3A_17 = vector.shape_cast %get3A_16 : vector<1x16xf32> to vector<16xf32>
    %get3A_18 = arith.constant 0 : i32
    %get3A_19 = arith.index_cast %get3A_18 : i32 to index
    %get3A_20 = arith.constant 48 : index
    %get3A_21 = tpu.vector_load %arg14[%get3A_19, %get3A_20] {strides = array<i32>} : memref<1x128xf32, #tpu.memory_space<vmem>>, vector<1x16xf32>,
    %get3A_22 = vector.shape_cast %get3A_21 : vector<1x16xf32> to vector<16xf32>
    %get3A_23 = arith.constant 0 : i32
    %get3A_24 = arith.index_cast %get3A_23 : i32 to index
    %get3A_25 = arith.constant 64 : index
    %get3A_26 = tpu.vector_load %arg14[%get3A_24, %get3A_25] {strides = array<i32>} : memref<1x128xf32, #tpu.memory_space<vmem>>, vector<1x16xf32>,
    %get3A_27 = vector.shape_cast %get3A_26 : vector<1x16xf32> to vector<16xf32>
    %get3A_28 = arith.constant 0 : i32
    %get3A_29 = arith.index_cast %get3A_28 : i32 to index
    %get3A_30 = arith.constant 80 : index
    %get3A_31 = tpu.vector_load %arg14[%get3A_29, %get3A_30] {strides = array<i32>} : memref<1x128xf32, #tpu.memory_space<vmem>>, vector<1x16xf32>,
    %get3A_32 = vector.shape_cast %get3A_31 : vector<1x16xf32> to vector<16xf32>
    %get3A_33 = arith.constant 0 : i32
    %get3A_34 = arith.index_cast %get3A_33 : i32 to index
    %get3A_35 = arith.constant 96 : index
    %get3A_36 = tpu.vector_load %arg14[%get3A_34, %get3A_35] {strides = array<i32>} : memref<1x128xf32, #tpu.memory_space<vmem>>, vector<1x16xf32>,
    %get3A_37 = vector.shape_cast %get3A_36 : vector<1x16xf32> to vector<16xf32>
    %get3A_38 = arith.constant 0 : i32
    %get3A_39 = arith.index_cast %get3A_38 : i32 to index
    %get3A_40 = arith.constant 112 : index
    %get3A_41 = tpu.vector_load %arg14[%get3A_39, %get3A_40] {strides = array<i32>} : memref<1x128xf32, #tpu.memory_space<vmem>>, vector<1x16xf32>,
    %get3A_42 = vector.shape_cast %get3A_41 : vector<1x16xf32> to vector<16xf32>
    %scan3A = arith.constant 0 : i32
    %scan3A_43 = arith.constant 0 : i32
    %scan3A_44 = arith.constant 200 : i32
    %scan3A_45 = arith.addi %scan3A_43, %scan3A_44 : i32
    %scan3A_46 = arith.constant 1 : i32
    scf.for %scan3A_208 = %scan3A_43 to %scan3A_45 step %scan3A_46  : i32 {
      %get3A_209 = arith.index_cast %scan3A_208 : i32 to index
      %get3A_210 = arith.constant 0 : index
      %get3A_211 = tpu.vector_load %arg9[%get3A_209, %get3A_210] {strides = array<i32>} : memref<200x128xf32, #tpu.memory_space<vmem>>, vector<1x16xf32>,
      %get3A_212 = vector.shape_cast %get3A_211 : vector<1x16xf32> to vector<16xf32>
      %add3A_213 = arith.addf %get3A_212, %get3A_7 : vector<16xf32>
      %swap3A = arith.index_cast %scan3A_208 : i32 to index
      %swap3A_214 = arith.constant 0 : index
      %swap3A_215 = tpu.vector_load %arg9[%swap3A, %swap3A_214] {strides = array<i32>} : memref<200x128xf32, #tpu.memory_space<vmem>>, vector<1x16xf32>,
      %swap3A_216 = vector.shape_cast %swap3A_215 : vector<1x16xf32> to vector<16xf32>
      %swap3A_217 = vector.shape_cast %add3A_213 : vector<16xf32> to vector<1x16xf32>
      tpu.vector_store %arg9[%swap3A, %swap3A_214], %swap3A_217 {strides = array<i32>} : memref<200x128xf32, #tpu.memory_space<vmem>>, vector<1x16xf32>,
      %get3A_218 = arith.index_cast %scan3A_208 : i32 to index
      %get3A_219 = arith.constant 16 : index
      %get3A_220 = tpu.vector_load %arg9[%get3A_218, %get3A_219] {strides = array<i32>} : memref<200x128xf32, #tpu.memory_space<vmem>>, vector<1x16xf32>,
      %get3A_221 = vector.shape_cast %get3A_220 : vector<1x16xf32> to vector<16xf32>
      %add3A_222 = arith.addf %get3A_221, %get3A_12 : vector<16xf32>
      %swap3A_223 = arith.index_cast %scan3A_208 : i32 to index
      %swap3A_224 = arith.constant 16 : index
      %swap3A_225 = tpu.vector_load %arg9[%swap3A_223, %swap3A_224] {strides = array<i32>} : memref<200x128xf32, #tpu.memory_space<vmem>>, vector<1x16xf32>,
      %swap3A_226 = vector.shape_cast %swap3A_225 : vector<1x16xf32> to vector<16xf32>
      %swap3A_227 = vector.shape_cast %add3A_222 : vector<16xf32> to vector<1x16xf32>
      tpu.vector_store %arg9[%swap3A_223, %swap3A_224], %swap3A_227 {strides = array<i32>} : memref<200x128xf32, #tpu.memory_space<vmem>>, vector<1x16xf32>,
      %get3A_228 = arith.index_cast %scan3A_208 : i32 to index
      %get3A_229 = arith.constant 32 : index
      %get3A_230 = tpu.vector_load %arg9[%get3A_228, %get3A_229] {strides = array<i32>} : memref<200x128xf32, #tpu.memory_space<vmem>>, vector<1x16xf32>,
      %get3A_231 = vector.shape_cast %get3A_230 : vector<1x16xf32> to vector<16xf32>
      %add3A_232 = arith.addf %get3A_231, %get3A_17 : vector<16xf32>
      %swap3A_233 = arith.index_cast %scan3A_208 : i32 to index
      %swap3A_234 = arith.constant 32 : index
      %swap3A_235 = tpu.vector_load %arg9[%swap3A_233, %swap3A_234] {strides = array<i32>} : memref<200x128xf32, #tpu.memory_space<vmem>>, vector<1x16xf32>,
      %swap3A_236 = vector.shape_cast %swap3A_235 : vector<1x16xf32> to vector<16xf32>
      %swap3A_237 = vector.shape_cast %add3A_232 : vector<16xf32> to vector<1x16xf32>
      tpu.vector_store %arg9[%swap3A_233, %swap3A_234], %swap3A_237 {strides = array<i32>} : memref<200x128xf32, #tpu.memory_space<vmem>>, vector<1x16xf32>,
      %get3A_238 = arith.index_cast %scan3A_208 : i32 to index
      %get3A_239 = arith.constant 48 : index
      %get3A_240 = tpu.vector_load %arg9[%get3A_238, %get3A_239] {strides = array<i32>} : memref<200x128xf32, #tpu.memory_space<vmem>>, vector<1x16xf32>,
      %get3A_241 = vector.shape_cast %get3A_240 : vector<1x16xf32> to vector<16xf32>
      %add3A_242 = arith.addf %get3A_241, %get3A_22 : vector<16xf32>
      %swap3A_243 = arith.index_cast %scan3A_208 : i32 to index
      %swap3A_244 = arith.constant 48 : index
      %swap3A_245 = tpu.vector_load %arg9[%swap3A_243, %swap3A_244] {strides = array<i32>} : memref<200x128xf32, #tpu.memory_space<vmem>>, vector<1x16xf32>,
      %swap3A_246 = vector.shape_cast %swap3A_245 : vector<1x16xf32> to vector<16xf32>
      %swap3A_247 = vector.shape_cast %add3A_242 : vector<16xf32> to vector<1x16xf32>
      tpu.vector_store %arg9[%swap3A_243, %swap3A_244], %swap3A_247 {strides = array<i32>} : memref<200x128xf32, #tpu.memory_space<vmem>>, vector<1x16xf32>,
      %get3A_248 = arith.index_cast %scan3A_208 : i32 to index
      %get3A_249 = arith.constant 64 : index
      %get3A_250 = tpu.vector_load %arg9[%get3A_248, %get3A_249] {strides = array<i32>} : memref<200x128xf32, #tpu.memory_space<vmem>>, vector<1x16xf32>,
      %get3A_251 = vector.shape_cast %get3A_250 : vector<1x16xf32> to vector<16xf32>
      %add3A_252 = arith.addf %get3A_251, %get3A_27 : vector<16xf32>
      %swap3A_253 = arith.index_cast %scan3A_208 : i32 to index
      %swap3A_254 = arith.constant 64 : index
      %swap3A_255 = tpu.vector_load %arg9[%swap3A_253, %swap3A_254] {strides = array<i32>} : memref<200x128xf32, #tpu.memory_space<vmem>>, vector<1x16xf32>,
      %swap3A_256 = vector.shape_cast %swap3A_255 : vector<1x16xf32> to vector<16xf32>
      %swap3A_257 = vector.shape_cast %add3A_252 : vector<16xf32> to vector<1x16xf32>
      tpu.vector_store %arg9[%swap3A_253, %swap3A_254], %swap3A_257 {strides = array<i32>} : memref<200x128xf32, #tpu.memory_space<vmem>>, vector<1x16xf32>,
      %get3A_258 = arith.index_cast %scan3A_208 : i32 to index
      %get3A_259 = arith.constant 80 : index
      %get3A_260 = tpu.vector_load %arg9[%get3A_258, %get3A_259] {strides = array<i32>} : memref<200x128xf32, #tpu.memory_space<vmem>>, vector<1x16xf32>,
      %get3A_261 = vector.shape_cast %get3A_260 : vector<1x16xf32> to vector<16xf32>
      %add3A_262 = arith.addf %get3A_261, %get3A_32 : vector<16xf32>
      %swap3A_263 = arith.index_cast %scan3A_208 : i32 to index
      %swap3A_264 = arith.constant 80 : index
      %swap3A_265 = tpu.vector_load %arg9[%swap3A_263, %swap3A_264] {strides = array<i32>} : memref<200x128xf32, #tpu.memory_space<vmem>>, vector<1x16xf32>,
      %swap3A_266 = vector.shape_cast %swap3A_265 : vector<1x16xf32> to vector<16xf32>
      %swap3A_267 = vector.shape_cast %add3A_262 : vector<16xf32> to vector<1x16xf32>
      tpu.vector_store %arg9[%swap3A_263, %swap3A_264], %swap3A_267 {strides = array<i32>} : memref<200x128xf32, #tpu.memory_space<vmem>>, vector<1x16xf32>,
      %get3A_268 = arith.index_cast %scan3A_208 : i32 to index
      %get3A_269 = arith.constant 96 : index
      %get3A_270 = tpu.vector_load %arg9[%get3A_268, %get3A_269] {strides = array<i32>} : memref<200x128xf32, #tpu.memory_space<vmem>>, vector<1x16xf32>,
      %get3A_271 = vector.shape_cast %get3A_270 : vector<1x16xf32> to vector<16xf32>
      %add3A_272 = arith.addf %get3A_271, %get3A_37 : vector<16xf32>
      %swap3A_273 = arith.index_cast %scan3A_208 : i32 to index
      %swap3A_274 = arith.constant 96 : index
      %swap3A_275 = tpu.vector_load %arg9[%swap3A_273, %swap3A_274] {strides = array<i32>} : memref<200x128xf32, #tpu.memory_space<vmem>>, vector<1x16xf32>,
      %swap3A_276 = vector.shape_cast %swap3A_275 : vector<1x16xf32> to vector<16xf32>
      %swap3A_277 = vector.shape_cast %add3A_272 : vector<16xf32> to vector<1x16xf32>
      tpu.vector_store %arg9[%swap3A_273, %swap3A_274], %swap3A_277 {strides = array<i32>} : memref<200x128xf32, #tpu.memory_space<vmem>>, vector<1x16xf32>,
      %get3A_278 = arith.index_cast %scan3A_208 : i32 to index
      %get3A_279 = arith.constant 112 : index
      %get3A_280 = tpu.vector_load %arg9[%get3A_278, %get3A_279] {strides = array<i32>} : memref<200x128xf32, #tpu.memory_space<vmem>>, vector<1x16xf32>,
      %get3A_281 = vector.shape_cast %get3A_280 : vector<1x16xf32> to vector<16xf32>
      %add3A_282 = arith.addf %get3A_281, %get3A_42 : vector<16xf32>
      %swap3A_283 = arith.index_cast %scan3A_208 : i32 to index
      %swap3A_284 = arith.constant 112 : index
      %swap3A_285 = tpu.vector_load %arg9[%swap3A_283, %swap3A_284] {strides = array<i32>} : memref<200x128xf32, #tpu.memory_space<vmem>>, vector<1x16xf32>,
      %swap3A_286 = vector.shape_cast %swap3A_285 : vector<1x16xf32> to vector<16xf32>
      %swap3A_287 = vector.shape_cast %add3A_282 : vector<16xf32> to vector<1x16xf32>
      tpu.vector_store %arg9[%swap3A_283, %swap3A_284], %swap3A_287 {strides = array<i32>} : memref<200x128xf32, #tpu.memory_space<vmem>>, vector<1x16xf32>,
    }
    %scan3A_47 = arith.constant 200 : i32
    %get3A_48 = arith.constant 0 : i32
    %get3A_49 = arith.index_cast %get3A_48 : i32 to index
    %get3A_50 = arith.constant 0 : index
    %get3A_51 = tpu.vector_load %arg13[%get3A_49, %get3A_50] {strides = array<i32>} : memref<2x128xf32, #tpu.memory_space<vmem>>, vector<1x16xf32>,
    %get3A_52 = vector.shape_cast %get3A_51 : vector<1x16xf32> to vector<16xf32>
    %get3A_53 = arith.constant 0 : i32
    %get3A_54 = arith.index_cast %get3A_53 : i32 to index
    %get3A_55 = arith.constant 16 : index
    %get3A_56 = tpu.vector_load %arg13[%get3A_54, %get3A_55] {strides = array<i32>} : memref<2x128xf32, #tpu.memory_space<vmem>>, vector<1x16xf32>,
    %get3A_57 = vector.shape_cast %get3A_56 : vector<1x16xf32> to vector<16xf32>
    %get3A_58 = arith.constant 0 : i32
    %get3A_59 = arith.index_cast %get3A_58 : i32 to index
    %get3A_60 = arith.constant 32 : index
    %get3A_61 = tpu.vector_load %arg13[%get3A_59, %get3A_60] {strides = array<i32>} : memref<2x128xf32, #tpu.memory_space<vmem>>, vector<1x16xf32>,
    %get3A_62 = vector.shape_cast %get3A_61 : vector<1x16xf32> to vector<16xf32>
    %get3A_63 = arith.constant 0 : i32
    %get3A_64 = arith.index_cast %get3A_63 : i32 to index
    %get3A_65 = arith.constant 48 : index
    %get3A_66 = tpu.vector_load %arg13[%get3A_64, %get3A_65] {strides = array<i32>} : memref<2x128xf32, #tpu.memory_space<vmem>>, vector<1x16xf32>,
    %get3A_67 = vector.shape_cast %get3A_66 : vector<1x16xf32> to vector<16xf32>
    %get3A_68 = arith.constant 0 : i32
    %get3A_69 = arith.index_cast %get3A_68 : i32 to index
    %get3A_70 = arith.constant 64 : index
    %get3A_71 = tpu.vector_load %arg13[%get3A_69, %get3A_70] {strides = array<i32>} : memref<2x128xf32, #tpu.memory_space<vmem>>, vector<1x16xf32>,
    %get3A_72 = vector.shape_cast %get3A_71 : vector<1x16xf32> to vector<16xf32>
    %get3A_73 = arith.constant 0 : i32
    %get3A_74 = arith.index_cast %get3A_73 : i32 to index
    %get3A_75 = arith.constant 80 : index
    %get3A_76 = tpu.vector_load %arg13[%get3A_74, %get3A_75] {strides = array<i32>} : memref<2x128xf32, #tpu.memory_space<vmem>>, vector<1x16xf32>,
    %get3A_77 = vector.shape_cast %get3A_76 : vector<1x16xf32> to vector<16xf32>
    %get3A_78 = arith.constant 0 : i32
    %get3A_79 = arith.index_cast %get3A_78 : i32 to index
    %get3A_80 = arith.constant 96 : index
    %get3A_81 = tpu.vector_load %arg13[%get3A_79, %get3A_80] {strides = array<i32>} : memref<2x128xf32, #tpu.memory_space<vmem>>, vector<1x16xf32>,
    %get3A_82 = vector.shape_cast %get3A_81 : vector<1x16xf32> to vector<16xf32>
    %get3A_83 = arith.constant 0 : i32
    %get3A_84 = arith.index_cast %get3A_83 : i32 to index
    %get3A_85 = arith.constant 112 : index
    %get3A_86 = tpu.vector_load %arg13[%get3A_84, %get3A_85] {strides = array<i32>} : memref<2x128xf32, #tpu.memory_space<vmem>>, vector<1x16xf32>,
    %get3A_87 = vector.shape_cast %get3A_86 : vector<1x16xf32> to vector<16xf32>
    %get3A_88 = arith.constant 1 : i32
    %get3A_89 = arith.index_cast %get3A_88 : i32 to index
    %get3A_90 = arith.constant 0 : index
    %get3A_91 = tpu.vector_load %arg13[%get3A_89, %get3A_90] {strides = array<i32>} : memref<2x128xf32, #tpu.memory_space<vmem>>, vector<1x16xf32>,
    %get3A_92 = vector.shape_cast %get3A_91 : vector<1x16xf32> to vector<16xf32>
    %get3A_93 = arith.constant 1 : i32
    %get3A_94 = arith.index_cast %get3A_93 : i32 to index
    %get3A_95 = arith.constant 16 : index
    %get3A_96 = tpu.vector_load %arg13[%get3A_94, %get3A_95] {strides = array<i32>} : memref<2x128xf32, #tpu.memory_space<vmem>>, vector<1x16xf32>,
    %get3A_97 = vector.shape_cast %get3A_96 : vector<1x16xf32> to vector<16xf32>
    %get3A_98 = arith.constant 1 : i32
    %get3A_99 = arith.index_cast %get3A_98 : i32 to index
    %get3A_100 = arith.constant 32 : index
    %get3A_101 = tpu.vector_load %arg13[%get3A_99, %get3A_100] {strides = array<i32>} : memref<2x128xf32, #tpu.memory_space<vmem>>, vector<1x16xf32>,
    %get3A_102 = vector.shape_cast %get3A_101 : vector<1x16xf32> to vector<16xf32>
    %get3A_103 = arith.constant 1 : i32
    %get3A_104 = arith.index_cast %get3A_103 : i32 to index
    %get3A_105 = arith.constant 48 : index
    %get3A_106 = tpu.vector_load %arg13[%get3A_104, %get3A_105] {strides = array<i32>} : memref<2x128xf32, #tpu.memory_space<vmem>>, vector<1x16xf32>,
    %get3A_107 = vector.shape_cast %get3A_106 : vector<1x16xf32> to vector<16xf32>
    %get3A_108 = arith.constant 1 : i32
    %get3A_109 = arith.index_cast %get3A_108 : i32 to index
    %get3A_110 = arith.constant 64 : index
    %get3A_111 = tpu.vector_load %arg13[%get3A_109, %get3A_110] {strides = array<i32>} : memref<2x128xf32, #tpu.memory_space<vmem>>, vector<1x16xf32>,
    %get3A_112 = vector.shape_cast %get3A_111 : vector<1x16xf32> to vector<16xf32>
    %get3A_113 = arith.constant 1 : i32
    %get3A_114 = arith.index_cast %get3A_113 : i32 to index
    %get3A_115 = arith.constant 80 : index
    %get3A_116 = tpu.vector_load %arg13[%get3A_114, %get3A_115] {strides = array<i32>} : memref<2x128xf32, #tpu.memory_space<vmem>>, vector<1x16xf32>,
    %get3A_117 = vector.shape_cast %get3A_116 : vector<1x16xf32> to vector<16xf32>
    %get3A_118 = arith.constant 1 : i32
    %get3A_119 = arith.index_cast %get3A_118 : i32 to index
    %get3A_120 = arith.constant 96 : index
    %get3A_121 = tpu.vector_load %arg13[%get3A_119, %get3A_120] {strides = array<i32>} : memref<2x128xf32, #tpu.memory_space<vmem>>, vector<1x16xf32>,
    %get3A_122 = vector.shape_cast %get3A_121 : vector<1x16xf32> to vector<16xf32>
    %get3A_123 = arith.constant 1 : i32
    %get3A_124 = arith.index_cast %get3A_123 : i32 to index
    %get3A_125 = arith.constant 112 : index
    %get3A_126 = tpu.vector_load %arg13[%get3A_124, %get3A_125] {strides = array<i32>} : memref<2x128xf32, #tpu.memory_space<vmem>>, vector<1x16xf32>,
    %get3A_127 = vector.shape_cast %get3A_126 : vector<1x16xf32> to vector<16xf32>
    %add3A_128 = arith.constant 0 : i32
    %add3A_129 = arith.addi %mul3A_2, %add3A_128 : i32
    %run_scoped3A_130 = arith.constant 0 : i32
    "tpu.region"() ({
      %run_scoped3A_208 = tpu.sem_alloc : memref<!tpu.dma_semaphore, #tpu.memory_space<semaphore_mem>>
      %dma_start3A_209 = arith.constant 0 : i32
      %dma_start3A_210 = tpu.memref_slice %arg12[%run_scoped3A_130, %dma_start3A_209] : memref<2x100xi32, #tpu.memory_space<vmem>> -> memref<1x100xi32, #tpu.memory_space<vmem>>
      %dma_start3A_211 = tpu.memref_squeeze %dma_start3A_210 : memref<1x100xi32, #tpu.memory_space<vmem>> -> memref<100xi32, #tpu.memory_space<vmem>>
      %dma_start3A_212 = arith.constant 0 : i32
      %dma_start3A_213 = tpu.memref_slice %arg2[%add3A_129, %dma_start3A_212] : memref<2048x100xi32, #tpu.memory_space<hbm>> -> memref<1x100xi32, #tpu.memory_space<hbm>>
      %dma_start3A_214 = tpu.memref_squeeze %dma_start3A_213 : memref<1x100xi32, #tpu.memory_space<hbm>> -> memref<100xi32, #tpu.memory_space<hbm>>
      %dma_start3A_215 = arith.constant 0 : i32
      %dma_start3A_216 = tpu.memref_slice %arg12[%run_scoped3A_130, %dma_start3A_215] : memref<2x100xi32, #tpu.memory_space<vmem>> -> memref<1x100xi32, #tpu.memory_space<vmem>>
      %dma_start3A_217 = tpu.memref_squeeze %dma_start3A_216 : memref<1x100xi32, #tpu.memory_space<vmem>> -> memref<100xi32, #tpu.memory_space<vmem>>
      %dma_start3A_218 = arith.constant 0 : i32
      %dma_start3A_219 = tpu.memref_slice %arg2[%add3A_129, %dma_start3A_218] : memref<2048x100xi32, #tpu.memory_space<hbm>> -> memref<1x100xi32, #tpu.memory_space<hbm>>
      %dma_start3A_220 = tpu.memref_squeeze %dma_start3A_219 : memref<1x100xi32, #tpu.memory_space<hbm>> -> memref<100xi32, #tpu.memory_space<hbm>>
      tpu.enqueue_dma source(%dma_start3A_220 : memref<100xi32, #tpu.memory_space<hbm>>) target(%dma_start3A_217 : memref<100xi32, #tpu.memory_space<vmem>>) target_semaphore(%run_scoped3A_208 : memref<!tpu.dma_semaphore, #tpu.memory_space<semaphore_mem>>)
      %dma_wait3A_221 = arith.constant 0 : i32
      %dma_wait3A_222 = tpu.memref_slice %arg12[%run_scoped3A_130, %dma_wait3A_221] : memref<2x100xi32, #tpu.memory_space<vmem>> -> memref<1x100xi32, #tpu.memory_space<vmem>>
      %dma_wait3A_223 = tpu.memref_squeeze %dma_wait3A_222 : memref<1x100xi32, #tpu.memory_space<vmem>> -> memref<100xi32, #tpu.memory_space<vmem>>
      %dma_wait3A_224 = arith.constant 0 : i32
      %dma_wait3A_225 = tpu.memref_slice %arg2[%add3A_129, %dma_wait3A_224] : memref<2048x100xi32, #tpu.memory_space<hbm>> -> memref<1x100xi32, #tpu.memory_space<hbm>>
      %dma_wait3A_226 = tpu.memref_squeeze %dma_wait3A_225 : memref<1x100xi32, #tpu.memory_space<hbm>> -> memref<100xi32, #tpu.memory_space<hbm>>
      %dma_wait3A_227 = arith.constant 0 : i32
      %dma_wait3A_228 = tpu.memref_slice %arg12[%run_scoped3A_130, %dma_wait3A_227] : memref<2x100xi32, #tpu.memory_space<vmem>> -> memref<1x100xi32, #tpu.memory_space<vmem>>
      %dma_wait3A_229 = tpu.memref_squeeze %dma_wait3A_228 : memref<1x100xi32, #tpu.memory_space<vmem>> -> memref<100xi32, #tpu.memory_space<vmem>>
      %dma_wait3A_230 = arith.constant 0 : i32
      %dma_wait3A_231 = tpu.memref_slice %arg2[%add3A_129, %dma_wait3A_230] : memref<2048x100xi32, #tpu.memory_space<hbm>> -> memref<1x100xi32, #tpu.memory_space<hbm>>
      %dma_wait3A_232 = tpu.memref_squeeze %dma_wait3A_231 : memref<1x100xi32, #tpu.memory_space<hbm>> -> memref<100xi32, #tpu.memory_space<hbm>>
      tpu.wait_dma2 semaphore(%run_scoped3A_208 : memref<!tpu.dma_semaphore, #tpu.memory_space<semaphore_mem>>) src(%dma_wait3A_232 : memref<100xi32, #tpu.memory_space<hbm>>) dst(%dma_wait3A_229 : memref<100xi32, #tpu.memory_space<vmem>>)
      tpu.yield
    }) : () -> ()
    %dma_start3A = arith.constant 0 : i32
    %dma_start3A_131 = arith.constant 0 : i32
    %dma_start3A_132 = arith.constant 0 : i32
    %dma_start3A_133 = arith.constant 0 : i32
    %dma_start3A_134 = tpu.memref_slice %arg10[%dma_start3A_131, %dma_start3A_132, %dma_start3A_133] : memref<2x100x128xf32, #tpu.memory_space<vmem>> -> memref<1x100x128xf32, #tpu.memory_space<vmem>>
    %dma_start3A_135 = tpu.memref_squeeze %dma_start3A_134 : memref<1x100x128xf32, #tpu.memory_space<vmem>> -> memref<100x128xf32, #tpu.memory_space<vmem>>
    %dma_start3A_136 = arith.constant 0 : i32
    %dma_start3A_137 = tpu.memref_slice %arg12[%dma_start3A, %dma_start3A_136] : memref<2x100xi32, #tpu.memory_space<vmem>> -> memref<1x100xi32, #tpu.memory_space<vmem>>
    %dma_start3A_138 = tpu.memref_squeeze %dma_start3A_137 : memref<1x100xi32, #tpu.memory_space<vmem>> -> memref<100xi32, #tpu.memory_space<vmem>>
    %dma_start3A_139 = arith.constant 0 : i32
    %dma_start3A_140 = arith.constant 0 : i32
    %dma_start3A_141 = tpu.memref_slice %arg3[%dma_start3A_139, %dma_start3A_140] : memref<1000000x128xf32, #tpu.memory_space<hbm>> -> memref<1000000x128xf32, #tpu.memory_space<hbm>>
    tpu.enqueue_indirect_dma source(%dma_start3A_141 : memref<1000000x128xf32, #tpu.memory_space<hbm>>) target(%dma_start3A_135 : memref<100x128xf32, #tpu.memory_space<vmem>>) offsets(%dma_start3A_138 : memref<100xi32, #tpu.memory_space<vmem>>) semaphore(%arg15 : memref<!tpu.dma_semaphore, #tpu.memory_space<semaphore_mem>>)
    %add3A_142 = arith.constant 1 : i32
    %add3A_143 = arith.addi %mul3A_2, %add3A_142 : i32
    %run_scoped3A_144 = arith.constant 1 : i32
    "tpu.region"() ({
      %run_scoped3A_208 = tpu.sem_alloc : memref<!tpu.dma_semaphore, #tpu.memory_space<semaphore_mem>>
      %dma_start3A_209 = arith.constant 0 : i32
      %dma_start3A_210 = tpu.memref_slice %arg12[%run_scoped3A_144, %dma_start3A_209] : memref<2x100xi32, #tpu.memory_space<vmem>> -> memref<1x100xi32, #tpu.memory_space<vmem>>
      %dma_start3A_211 = tpu.memref_squeeze %dma_start3A_210 : memref<1x100xi32, #tpu.memory_space<vmem>> -> memref<100xi32, #tpu.memory_space<vmem>>
      %dma_start3A_212 = arith.constant 0 : i32
      %dma_start3A_213 = tpu.memref_slice %arg2[%add3A_143, %dma_start3A_212] : memref<2048x100xi32, #tpu.memory_space<hbm>> -> memref<1x100xi32, #tpu.memory_space<hbm>>
      %dma_start3A_214 = tpu.memref_squeeze %dma_start3A_213 : memref<1x100xi32, #tpu.memory_space<hbm>> -> memref<100xi32, #tpu.memory_space<hbm>>
      %dma_start3A_215 = arith.constant 0 : i32
      %dma_start3A_216 = tpu.memref_slice %arg12[%run_scoped3A_144, %dma_start3A_215] : memref<2x100xi32, #tpu.memory_space<vmem>> -> memref<1x100xi32, #tpu.memory_space<vmem>>
      %dma_start3A_217 = tpu.memref_squeeze %dma_start3A_216 : memref<1x100xi32, #tpu.memory_space<vmem>> -> memref<100xi32, #tpu.memory_space<vmem>>
      %dma_start3A_218 = arith.constant 0 : i32
      %dma_start3A_219 = tpu.memref_slice %arg2[%add3A_143, %dma_start3A_218] : memref<2048x100xi32, #tpu.memory_space<hbm>> -> memref<1x100xi32, #tpu.memory_space<hbm>>
      %dma_start3A_220 = tpu.memref_squeeze %dma_start3A_219 : memref<1x100xi32, #tpu.memory_space<hbm>> -> memref<100xi32, #tpu.memory_space<hbm>>
      tpu.enqueue_dma source(%dma_start3A_220 : memref<100xi32, #tpu.memory_space<hbm>>) target(%dma_start3A_217 : memref<100xi32, #tpu.memory_space<vmem>>) target_semaphore(%run_scoped3A_208 : memref<!tpu.dma_semaphore, #tpu.memory_space<semaphore_mem>>)
      %dma_wait3A_221 = arith.constant 0 : i32
      %dma_wait3A_222 = tpu.memref_slice %arg12[%run_scoped3A_144, %dma_wait3A_221] : memref<2x100xi32, #tpu.memory_space<vmem>> -> memref<1x100xi32, #tpu.memory_space<vmem>>
      %dma_wait3A_223 = tpu.memref_squeeze %dma_wait3A_222 : memref<1x100xi32, #tpu.memory_space<vmem>> -> memref<100xi32, #tpu.memory_space<vmem>>
      %dma_wait3A_224 = arith.constant 0 : i32
      %dma_wait3A_225 = tpu.memref_slice %arg2[%add3A_143, %dma_wait3A_224] : memref<2048x100xi32, #tpu.memory_space<hbm>> -> memref<1x100xi32, #tpu.memory_space<hbm>>
      %dma_wait3A_226 = tpu.memref_squeeze %dma_wait3A_225 : memref<1x100xi32, #tpu.memory_space<hbm>> -> memref<100xi32, #tpu.memory_space<hbm>>
      %dma_wait3A_227 = arith.constant 0 : i32
      %dma_wait3A_228 = tpu.memref_slice %arg12[%run_scoped3A_144, %dma_wait3A_227] : memref<2x100xi32, #tpu.memory_space<vmem>> -> memref<1x100xi32, #tpu.memory_space<vmem>>
      %dma_wait3A_229 = tpu.memref_squeeze %dma_wait3A_228 : memref<1x100xi32, #tpu.memory_space<vmem>> -> memref<100xi32, #tpu.memory_space<vmem>>
      %dma_wait3A_230 = arith.constant 0 : i32
      %dma_wait3A_231 = tpu.memref_slice %arg2[%add3A_143, %dma_wait3A_230] : memref<2048x100xi32, #tpu.memory_space<hbm>> -> memref<1x100xi32, #tpu.memory_space<hbm>>
      %dma_wait3A_232 = tpu.memref_squeeze %dma_wait3A_231 : memref<1x100xi32, #tpu.memory_space<hbm>> -> memref<100xi32, #tpu.memory_space<hbm>>
      tpu.wait_dma2 semaphore(%run_scoped3A_208 : memref<!tpu.dma_semaphore, #tpu.memory_space<semaphore_mem>>) src(%dma_wait3A_232 : memref<100xi32, #tpu.memory_space<hbm>>) dst(%dma_wait3A_229 : memref<100xi32, #tpu.memory_space<vmem>>)
      tpu.yield
    }) : () -> ()
    %dma_start3A_145 = arith.constant 1 : i32
    %dma_start3A_146 = arith.constant 1 : i32
    %dma_start3A_147 = arith.constant 0 : i32
    %dma_start3A_148 = arith.constant 0 : i32
    %dma_start3A_149 = tpu.memref_slice %arg10[%dma_start3A_146, %dma_start3A_147, %dma_start3A_148] : memref<2x100x128xf32, #tpu.memory_space<vmem>> -> memref<1x100x128xf32, #tpu.memory_space<vmem>>
    %dma_start3A_150 = tpu.memref_squeeze %dma_start3A_149 : memref<1x100x128xf32, #tpu.memory_space<vmem>> -> memref<100x128xf32, #tpu.memory_space<vmem>>
    %dma_start3A_151 = arith.constant 0 : i32
    %dma_start3A_152 = tpu.memref_slice %arg12[%dma_start3A_145, %dma_start3A_151] : memref<2x100xi32, #tpu.memory_space<vmem>> -> memref<1x100xi32, #tpu.memory_space<vmem>>
    %dma_start3A_153 = tpu.memref_squeeze %dma_start3A_152 : memref<1x100xi32, #tpu.memory_space<vmem>> -> memref<100xi32, #tpu.memory_space<vmem>>
    %dma_start3A_154 = arith.constant 0 : i32
    %dma_start3A_155 = arith.constant 0 : i32
    %dma_start3A_156 = tpu.memref_slice %arg3[%dma_start3A_154, %dma_start3A_155] : memref<1000000x128xf32, #tpu.memory_space<hbm>> -> memref<1000000x128xf32, #tpu.memory_space<hbm>>
    tpu.enqueue_indirect_dma source(%dma_start3A_156 : memref<1000000x128xf32, #tpu.memory_space<hbm>>) target(%dma_start3A_150 : memref<100x128xf32, #tpu.memory_space<vmem>>) offsets(%dma_start3A_153 : memref<100xi32, #tpu.memory_space<vmem>>) semaphore(%arg16 : memref<!tpu.dma_semaphore, #tpu.memory_space<semaphore_mem>>)
    %scan3A_157 = arith.constant 0 : i32
    %scan3A_158 = arith.constant 7.812500e-03 : f32
    %scan3A_159 = arith.constant 0 : i32
    %scan3A_160 = arith.constant 32 : i32
    %scan3A_161 = arith.addi %scan3A_159, %scan3A_160 : i32
    %scan3A_162 = arith.constant 1 : i32
    scf.for %scan3A_208 = %scan3A_159 to %scan3A_161 step %scan3A_162  : i32 {
      %mul3A_209 = arith.constant 2 : i32
      %mul3A_210 = arith.muli %mul3A_209, %scan3A_208 : i32
      %add3A_211 = arith.constant 0 : i32
      %add3A_212 = arith.addi %mul3A_210, %add3A_211 : i32
      %add3A_213 = arith.addi %mul3A_2, %add3A_212 : i32
      %dma_wait3A_214 = arith.constant 0 : i32
      %dma_wait3A_215 = arith.constant 0 : i32
      %dma_wait3A_216 = arith.constant 0 : i32
      %dma_wait3A_217 = arith.constant 0 : i32
      %dma_wait3A_218 = tpu.memref_slice %arg10[%dma_wait3A_215, %dma_wait3A_216, %dma_wait3A_217] : memref<2x100x128xf32, #tpu.memory_space<vmem>> -> memref<1x100x128xf32, #tpu.memory_space<vmem>>
      %dma_wait3A_219 = tpu.memref_squeeze %dma_wait3A_218 : memref<1x100x128xf32, #tpu.memory_space<vmem>> -> memref<100x128xf32, #tpu.memory_space<vmem>>
      %dma_wait3A_220 = arith.constant 0 : i32
      %dma_wait3A_221 = tpu.memref_slice %arg12[%dma_wait3A_214, %dma_wait3A_220] : memref<2x100xi32, #tpu.memory_space<vmem>> -> memref<1x100xi32, #tpu.memory_space<vmem>>
      %dma_wait3A_222 = tpu.memref_squeeze %dma_wait3A_221 : memref<1x100xi32, #tpu.memory_space<vmem>> -> memref<100xi32, #tpu.memory_space<vmem>>
      %dma_wait3A_223 = arith.constant 0 : i32
      %dma_wait3A_224 = arith.constant 0 : i32
      %dma_wait3A_225 = tpu.memref_slice %arg3[%dma_wait3A_223, %dma_wait3A_224] : memref<1000000x128xf32, #tpu.memory_space<hbm>> -> memref<1000000x128xf32, #tpu.memory_space<hbm>>
      tpu.wait_indirect_dma semaphore(%arg15 : memref<!tpu.dma_semaphore, #tpu.memory_space<semaphore_mem>>) src(%dma_wait3A_225 : memref<1000000x128xf32, #tpu.memory_space<hbm>>) dst(%dma_wait3A_219 : memref<100x128xf32, #tpu.memory_space<vmem>>)
      %gt3A = arith.constant 0 : i32
      %gt3A_226 = arith.cmpi sgt, %scan3A_208, %gt3A : i32
      %convert_element_type3A = arith.extui %gt3A_226 : i1 to i32
      %cond3A = arith.constant 0 : i32
      %cond3A_227 = arith.cmpi ne, %convert_element_type3A, %cond3A : i32
      scf.if %cond3A_227 {
        %sub3A_305 = arith.constant 2 : i32
        %sub3A_306 = arith.subi %add3A_213, %sub3A_305 : i32
        %dma_wait3A_307 = arith.constant 0 : i32
        %dma_wait3A_308 = arith.constant 0 : i32
        %dma_wait3A_309 = arith.constant 0 : i32
        %dma_wait3A_310 = tpu.memref_slice %arg11[%dma_wait3A_307, %dma_wait3A_308, %dma_wait3A_309] : memref<2x100x128xf32, #tpu.memory_space<vmem>> -> memref<1x100x128xf32, #tpu.memory_space<vmem>>
        %dma_wait3A_311 = tpu.memref_squeeze %dma_wait3A_310 : memref<1x100x128xf32, #tpu.memory_space<vmem>> -> memref<100x128xf32, #tpu.memory_space<vmem>>
        %dma_wait3A_312 = arith.constant 0 : i32
        %dma_wait3A_313 = arith.constant 0 : i32
        %dma_wait3A_314 = tpu.memref_slice %arg8[%sub3A_306, %dma_wait3A_312, %dma_wait3A_313] : memref<2048x100x128xf32, #tpu.memory_space<hbm>> -> memref<1x100x128xf32, #tpu.memory_space<hbm>>
        %dma_wait3A_315 = tpu.memref_squeeze %dma_wait3A_314 : memref<1x100x128xf32, #tpu.memory_space<hbm>> -> memref<100x128xf32, #tpu.memory_space<hbm>>
        %dma_wait3A_316 = arith.constant 0 : i32
        %dma_wait3A_317 = arith.constant 0 : i32
        %dma_wait3A_318 = tpu.memref_slice %arg8[%sub3A_306, %dma_wait3A_316, %dma_wait3A_317] : memref<2048x100x128xf32, #tpu.memory_space<hbm>> -> memref<1x100x128xf32, #tpu.memory_space<hbm>>
        %dma_wait3A_319 = tpu.memref_squeeze %dma_wait3A_318 : memref<1x100x128xf32, #tpu.memory_space<hbm>> -> memref<100x128xf32, #tpu.memory_space<hbm>>
        %dma_wait3A_320 = arith.constant 0 : i32
        %dma_wait3A_321 = arith.constant 0 : i32
        %dma_wait3A_322 = tpu.memref_slice %arg11[%dma_wait3A_307, %dma_wait3A_320, %dma_wait3A_321] : memref<2x100x128xf32, #tpu.memory_space<vmem>> -> memref<1x100x128xf32, #tpu.memory_space<vmem>>
        %dma_wait3A_323 = tpu.memref_squeeze %dma_wait3A_322 : memref<1x100x128xf32, #tpu.memory_space<vmem>> -> memref<100x128xf32, #tpu.memory_space<vmem>>
        tpu.wait_dma2 semaphore(%arg17 : memref<!tpu.dma_semaphore, #tpu.memory_space<semaphore_mem>>) src(%dma_wait3A_323 : memref<100x128xf32, #tpu.memory_space<vmem>>) dst(%dma_wait3A_319 : memref<100x128xf32, #tpu.memory_space<hbm>>)
      } else {
      }
      %scan3A_228 = arith.constant 0 : i32
      %scan3A_229 = arith.constant 0 : i32
      %scan3A_230 = arith.constant 50 : i32
      %scan3A_231 = arith.addi %scan3A_229, %scan3A_230 : i32
      %scan3A_232 = arith.constant 1 : i32
      scf.for %scan3A_305 = %scan3A_229 to %scan3A_231 step %scan3A_232  : i32 {
        %mul3A_306 = arith.constant 2 : i32
        %mul3A_307 = arith.muli %mul3A_306, %scan3A_305 : i32
        %add3A_308 = arith.constant 0 : i32
        %add3A_309 = arith.addi %mul3A_307, %add3A_308 : i32
        %get3A_310 = arith.constant 0 : i32
        %get3A_311 = arith.index_cast %get3A_310 : i32 to index
        %get3A_312 = arith.index_cast %add3A_309 : i32 to index
        %get3A_313 = arith.constant 0 : index
        %get3A_314 = tpu.vector_load %arg10[%get3A_311, %get3A_312, %get3A_313] {strides = array<i32>} : memref<2x100x128xf32, #tpu.memory_space<vmem>>, vector<1x1x16xf32>,
        %get3A_315 = vector.shape_cast %get3A_314 : vector<1x1x16xf32> to vector<16xf32>
        %add3A_316 = arith.constant 0 : i32
        %add3A_317 = arith.addi %add3A_316, %add3A_309 : i32
        %get3A_318 = arith.index_cast %add3A_317 : i32 to index
        %get3A_319 = arith.constant 0 : index
        %get3A_320 = tpu.vector_load %arg9[%get3A_318, %get3A_319] {strides = array<i32>} : memref<200x128xf32, #tpu.memory_space<vmem>>, vector<1x16xf32>,
        %get3A_321 = vector.shape_cast %get3A_320 : vector<1x16xf32> to vector<16xf32>
        %add3A_322 = arith.addf %get3A_315, %get3A_321 : vector<16xf32>
        %get3A_323 = arith.constant 0 : i32
        %get3A_324 = arith.index_cast %get3A_323 : i32 to index
        %get3A_325 = arith.index_cast %add3A_309 : i32 to index
        %get3A_326 = arith.constant 16 : index
        %get3A_327 = tpu.vector_load %arg10[%get3A_324, %get3A_325, %get3A_326] {strides = array<i32>} : memref<2x100x128xf32, #tpu.memory_space<vmem>>, vector<1x1x16xf32>,
        %get3A_328 = vector.shape_cast %get3A_327 : vector<1x1x16xf32> to vector<16xf32>
        %add3A_329 = arith.constant 0 : i32
        %add3A_330 = arith.addi %add3A_329, %add3A_309 : i32
        %get3A_331 = arith.index_cast %add3A_330 : i32 to index
        %get3A_332 = arith.constant 16 : index
        %get3A_333 = tpu.vector_load %arg9[%get3A_331, %get3A_332] {strides = array<i32>} : memref<200x128xf32, #tpu.memory_space<vmem>>, vector<1x16xf32>,
        %get3A_334 = vector.shape_cast %get3A_333 : vector<1x16xf32> to vector<16xf32>
        %add3A_335 = arith.addf %get3A_328, %get3A_334 : vector<16xf32>
        %get3A_336 = arith.constant 0 : i32
        %get3A_337 = arith.index_cast %get3A_336 : i32 to index
        %get3A_338 = arith.index_cast %add3A_309 : i32 to index
        %get3A_339 = arith.constant 32 : index
        %get3A_340 = tpu.vector_load %arg10[%get3A_337, %get3A_338, %get3A_339] {strides = array<i32>} : memref<2x100x128xf32, #tpu.memory_space<vmem>>, vector<1x1x16xf32>,
        %get3A_341 = vector.shape_cast %get3A_340 : vector<1x1x16xf32> to vector<16xf32>
        %add3A_342 = arith.constant 0 : i32
        %add3A_343 = arith.addi %add3A_342, %add3A_309 : i32
        %get3A_344 = arith.index_cast %add3A_343 : i32 to index
        %get3A_345 = arith.constant 32 : index
        %get3A_346 = tpu.vector_load %arg9[%get3A_344, %get3A_345] {strides = array<i32>} : memref<200x128xf32, #tpu.memory_space<vmem>>, vector<1x16xf32>,
        %get3A_347 = vector.shape_cast %get3A_346 : vector<1x16xf32> to vector<16xf32>
        %add3A_348 = arith.addf %get3A_341, %get3A_347 : vector<16xf32>
        %get3A_349 = arith.constant 0 : i32
        %get3A_350 = arith.index_cast %get3A_349 : i32 to index
        %get3A_351 = arith.index_cast %add3A_309 : i32 to index
        %get3A_352 = arith.constant 48 : index
        %get3A_353 = tpu.vector_load %arg10[%get3A_350, %get3A_351, %get3A_352] {strides = array<i32>} : memref<2x100x128xf32, #tpu.memory_space<vmem>>, vector<1x1x16xf32>,
        %get3A_354 = vector.shape_cast %get3A_353 : vector<1x1x16xf32> to vector<16xf32>
        %add3A_355 = arith.constant 0 : i32
        %add3A_356 = arith.addi %add3A_355, %add3A_309 : i32
        %get3A_357 = arith.index_cast %add3A_356 : i32 to index
        %get3A_358 = arith.constant 48 : index
        %get3A_359 = tpu.vector_load %arg9[%get3A_357, %get3A_358] {strides = array<i32>} : memref<200x128xf32, #tpu.memory_space<vmem>>, vector<1x16xf32>,
        %get3A_360 = vector.shape_cast %get3A_359 : vector<1x16xf32> to vector<16xf32>
        %add3A_361 = arith.addf %get3A_354, %get3A_360 : vector<16xf32>
        %get3A_362 = arith.constant 0 : i32
        %get3A_363 = arith.index_cast %get3A_362 : i32 to index
        %get3A_364 = arith.index_cast %add3A_309 : i32 to index
        %get3A_365 = arith.constant 64 : index
        %get3A_366 = tpu.vector_load %arg10[%get3A_363, %get3A_364, %get3A_365] {strides = array<i32>} : memref<2x100x128xf32, #tpu.memory_space<vmem>>, vector<1x1x16xf32>,
        %get3A_367 = vector.shape_cast %get3A_366 : vector<1x1x16xf32> to vector<16xf32>
        %add3A_368 = arith.constant 0 : i32
        %add3A_369 = arith.addi %add3A_368, %add3A_309 : i32
        %get3A_370 = arith.index_cast %add3A_369 : i32 to index
        %get3A_371 = arith.constant 64 : index
        %get3A_372 = tpu.vector_load %arg9[%get3A_370, %get3A_371] {strides = array<i32>} : memref<200x128xf32, #tpu.memory_space<vmem>>, vector<1x16xf32>,
        %get3A_373 = vector.shape_cast %get3A_372 : vector<1x16xf32> to vector<16xf32>
        %add3A_374 = arith.addf %get3A_367, %get3A_373 : vector<16xf32>
        %get3A_375 = arith.constant 0 : i32
        %get3A_376 = arith.index_cast %get3A_375 : i32 to index
        %get3A_377 = arith.index_cast %add3A_309 : i32 to index
        %get3A_378 = arith.constant 80 : index
        %get3A_379 = tpu.vector_load %arg10[%get3A_376, %get3A_377, %get3A_378] {strides = array<i32>} : memref<2x100x128xf32, #tpu.memory_space<vmem>>, vector<1x1x16xf32>,
        %get3A_380 = vector.shape_cast %get3A_379 : vector<1x1x16xf32> to vector<16xf32>
        %add3A_381 = arith.constant 0 : i32
        %add3A_382 = arith.addi %add3A_381, %add3A_309 : i32
        %get3A_383 = arith.index_cast %add3A_382 : i32 to index
        %get3A_384 = arith.constant 80 : index
        %get3A_385 = tpu.vector_load %arg9[%get3A_383, %get3A_384] {strides = array<i32>} : memref<200x128xf32, #tpu.memory_space<vmem>>, vector<1x16xf32>,
        %get3A_386 = vector.shape_cast %get3A_385 : vector<1x16xf32> to vector<16xf32>
        %add3A_387 = arith.addf %get3A_380, %get3A_386 : vector<16xf32>
        %get3A_388 = arith.constant 0 : i32
        %get3A_389 = arith.index_cast %get3A_388 : i32 to index
        %get3A_390 = arith.index_cast %add3A_309 : i32 to index
        %get3A_391 = arith.constant 96 : index
        %get3A_392 = tpu.vector_load %arg10[%get3A_389, %get3A_390, %get3A_391] {strides = array<i32>} : memref<2x100x128xf32, #tpu.memory_space<vmem>>, vector<1x1x16xf32>,
        %get3A_393 = vector.shape_cast %get3A_392 : vector<1x1x16xf32> to vector<16xf32>
        %add3A_394 = arith.constant 0 : i32
        %add3A_395 = arith.addi %add3A_394, %add3A_309 : i32
        %get3A_396 = arith.index_cast %add3A_395 : i32 to index
        %get3A_397 = arith.constant 96 : index
        %get3A_398 = tpu.vector_load %arg9[%get3A_396, %get3A_397] {strides = array<i32>} : memref<200x128xf32, #tpu.memory_space<vmem>>, vector<1x16xf32>,
        %get3A_399 = vector.shape_cast %get3A_398 : vector<1x16xf32> to vector<16xf32>
        %add3A_400 = arith.addf %get3A_393, %get3A_399 : vector<16xf32>
        %get3A_401 = arith.constant 0 : i32
        %get3A_402 = arith.index_cast %get3A_401 : i32 to index
        %get3A_403 = arith.index_cast %add3A_309 : i32 to index
        %get3A_404 = arith.constant 112 : index
        %get3A_405 = tpu.vector_load %arg10[%get3A_402, %get3A_403, %get3A_404] {strides = array<i32>} : memref<2x100x128xf32, #tpu.memory_space<vmem>>, vector<1x1x16xf32>,
        %get3A_406 = vector.shape_cast %get3A_405 : vector<1x1x16xf32> to vector<16xf32>
        %add3A_407 = arith.constant 0 : i32
        %add3A_408 = arith.addi %add3A_407, %add3A_309 : i32
        %get3A_409 = arith.index_cast %add3A_408 : i32 to index
        %get3A_410 = arith.constant 112 : index
        %get3A_411 = tpu.vector_load %arg9[%get3A_409, %get3A_410] {strides = array<i32>} : memref<200x128xf32, #tpu.memory_space<vmem>>, vector<1x16xf32>,
        %get3A_412 = vector.shape_cast %get3A_411 : vector<1x16xf32> to vector<16xf32>
        %add3A_413 = arith.addf %get3A_406, %get3A_412 : vector<16xf32>
        %add3A_414 = arith.addf %add3A_322, %add3A_335 : vector<16xf32>
        %add3A_415 = arith.addf %add3A_348, %add3A_361 : vector<16xf32>
        %add3A_416 = arith.addf %add3A_374, %add3A_387 : vector<16xf32>
        %add3A_417 = arith.addf %add3A_400, %add3A_413 : vector<16xf32>
        %add3A_418 = arith.addf %add3A_414, %add3A_415 : vector<16xf32>
        %add3A_419 = arith.addf %add3A_416, %add3A_417 : vector<16xf32>
        %add3A_420 = arith.addf %add3A_418, %add3A_419 : vector<16xf32>
        %mul3A_421 = arith.mulf %add3A_322, %add3A_322 : vector<16xf32>
        %mul3A_422 = arith.mulf %add3A_335, %add3A_335 : vector<16xf32>
        %mul3A_423 = arith.mulf %add3A_348, %add3A_348 : vector<16xf32>
        %mul3A_424 = arith.mulf %add3A_361, %add3A_361 : vector<16xf32>
        %mul3A_425 = arith.mulf %add3A_374, %add3A_374 : vector<16xf32>
        %mul3A_426 = arith.mulf %add3A_387, %add3A_387 : vector<16xf32>
        %mul3A_427 = arith.mulf %add3A_400, %add3A_400 : vector<16xf32>
        %mul3A_428 = arith.mulf %add3A_413, %add3A_413 : vector<16xf32>
        %add3A_429 = arith.addf %mul3A_421, %mul3A_422 : vector<16xf32>
        %add3A_430 = arith.addf %mul3A_423, %mul3A_424 : vector<16xf32>
        %add3A_431 = arith.addf %mul3A_425, %mul3A_426 : vector<16xf32>
        %add3A_432 = arith.addf %mul3A_427, %mul3A_428 : vector<16xf32>
        %add3A_433 = arith.addf %add3A_429, %add3A_430 : vector<16xf32>
        %add3A_434 = arith.addf %add3A_431, %add3A_432 : vector<16xf32>
        %add3A_435 = arith.addf %add3A_433, %add3A_434 : vector<16xf32>
        %iota3A = tpu.iota {dimensions = array<i32: 0>} : vector<16xi32>
        %xor3A = arith.constant 1 : i32
        %xor3A_436 = vector.broadcast %xor3A : i32 to vector<16xi32>
        %xor3A_437 = arith.xori %iota3A, %xor3A_436 : vector<16xi32>
        %broadcast_in_dim3A = vector.shape_cast %xor3A_437 : vector<16xi32> to vector<16x1xi32>
        %gather3A = vector.shape_cast %broadcast_in_dim3A : vector<16x1xi32> to vector<16xi32>
        %gather3A_438 = tpu.dynamic_gather %add3A_420[%gather3A] in [0] : vector<16xf32>, vector<16xi32> -> vector<16xf32>
        %add3A_439 = arith.addf %add3A_420, %gather3A_438 : vector<16xf32>
        %iota3A_440 = tpu.iota {dimensions = array<i32: 0>} : vector<16xi32>
        %xor3A_441 = arith.constant 2 : i32
        %xor3A_442 = vector.broadcast %xor3A_441 : i32 to vector<16xi32>
        %xor3A_443 = arith.xori %iota3A_440, %xor3A_442 : vector<16xi32>
        %broadcast_in_dim3A_444 = vector.shape_cast %xor3A_443 : vector<16xi32> to vector<16x1xi32>
        %gather3A_445 = vector.shape_cast %broadcast_in_dim3A_444 : vector<16x1xi32> to vector<16xi32>
        %gather3A_446 = tpu.dynamic_gather %add3A_439[%gather3A_445] in [0] : vector<16xf32>, vector<16xi32> -> vector<16xf32>
        %add3A_447 = arith.addf %add3A_439, %gather3A_446 : vector<16xf32>
        %iota3A_448 = tpu.iota {dimensions = array<i32: 0>} : vector<16xi32>
        %xor3A_449 = arith.constant 4 : i32
        %xor3A_450 = vector.broadcast %xor3A_449 : i32 to vector<16xi32>
        %xor3A_451 = arith.xori %iota3A_448, %xor3A_450 : vector<16xi32>
        %broadcast_in_dim3A_452 = vector.shape_cast %xor3A_451 : vector<16xi32> to vector<16x1xi32>
        %gather3A_453 = vector.shape_cast %broadcast_in_dim3A_452 : vector<16x1xi32> to vector<16xi32>
        %gather3A_454 = tpu.dynamic_gather %add3A_447[%gather3A_453] in [0] : vector<16xf32>, vector<16xi32> -> vector<16xf32>
        %add3A_455 = arith.addf %add3A_447, %gather3A_454 : vector<16xf32>
        %iota3A_456 = tpu.iota {dimensions = array<i32: 0>} : vector<16xi32>
        %xor3A_457 = arith.constant 8 : i32
        %xor3A_458 = vector.broadcast %xor3A_457 : i32 to vector<16xi32>
        %xor3A_459 = arith.xori %iota3A_456, %xor3A_458 : vector<16xi32>
        %broadcast_in_dim3A_460 = vector.shape_cast %xor3A_459 : vector<16xi32> to vector<16x1xi32>
        %gather3A_461 = vector.shape_cast %broadcast_in_dim3A_460 : vector<16x1xi32> to vector<16xi32>
        %gather3A_462 = tpu.dynamic_gather %add3A_455[%gather3A_461] in [0] : vector<16xf32>, vector<16xi32> -> vector<16xf32>
        %add3A_463 = arith.addf %add3A_455, %gather3A_462 : vector<16xf32>
        %iota3A_464 = tpu.iota {dimensions = array<i32: 0>} : vector<16xi32>
        %xor3A_465 = arith.constant 1 : i32
        %xor3A_466 = vector.broadcast %xor3A_465 : i32 to vector<16xi32>
        %xor3A_467 = arith.xori %iota3A_464, %xor3A_466 : vector<16xi32>
        %broadcast_in_dim3A_468 = vector.shape_cast %xor3A_467 : vector<16xi32> to vector<16x1xi32>
        %gather3A_469 = vector.shape_cast %broadcast_in_dim3A_468 : vector<16x1xi32> to vector<16xi32>
        %gather3A_470 = tpu.dynamic_gather %add3A_435[%gather3A_469] in [0] : vector<16xf32>, vector<16xi32> -> vector<16xf32>
        %add3A_471 = arith.addf %add3A_435, %gather3A_470 : vector<16xf32>
        %iota3A_472 = tpu.iota {dimensions = array<i32: 0>} : vector<16xi32>
        %xor3A_473 = arith.constant 2 : i32
        %xor3A_474 = vector.broadcast %xor3A_473 : i32 to vector<16xi32>
        %xor3A_475 = arith.xori %iota3A_472, %xor3A_474 : vector<16xi32>
        %broadcast_in_dim3A_476 = vector.shape_cast %xor3A_475 : vector<16xi32> to vector<16x1xi32>
        %gather3A_477 = vector.shape_cast %broadcast_in_dim3A_476 : vector<16x1xi32> to vector<16xi32>
        %gather3A_478 = tpu.dynamic_gather %add3A_471[%gather3A_477] in [0] : vector<16xf32>, vector<16xi32> -> vector<16xf32>
        %add3A_479 = arith.addf %add3A_471, %gather3A_478 : vector<16xf32>
        %iota3A_480 = tpu.iota {dimensions = array<i32: 0>} : vector<16xi32>
        %xor3A_481 = arith.constant 4 : i32
        %xor3A_482 = vector.broadcast %xor3A_481 : i32 to vector<16xi32>
        %xor3A_483 = arith.xori %iota3A_480, %xor3A_482 : vector<16xi32>
        %broadcast_in_dim3A_484 = vector.shape_cast %xor3A_483 : vector<16xi32> to vector<16x1xi32>
        %gather3A_485 = vector.shape_cast %broadcast_in_dim3A_484 : vector<16x1xi32> to vector<16xi32>
        %gather3A_486 = tpu.dynamic_gather %add3A_479[%gather3A_485] in [0] : vector<16xf32>, vector<16xi32> -> vector<16xf32>
        %add3A_487 = arith.addf %add3A_479, %gather3A_486 : vector<16xf32>
        %iota3A_488 = tpu.iota {dimensions = array<i32: 0>} : vector<16xi32>
        %xor3A_489 = arith.constant 8 : i32
        %xor3A_490 = vector.broadcast %xor3A_489 : i32 to vector<16xi32>
        %xor3A_491 = arith.xori %iota3A_488, %xor3A_490 : vector<16xi32>
        %broadcast_in_dim3A_492 = vector.shape_cast %xor3A_491 : vector<16xi32> to vector<16x1xi32>
        %gather3A_493 = vector.shape_cast %broadcast_in_dim3A_492 : vector<16x1xi32> to vector<16xi32>
        %gather3A_494 = tpu.dynamic_gather %add3A_487[%gather3A_493] in [0] : vector<16xf32>, vector<16xi32> -> vector<16xf32>
        %add3A_495 = arith.addf %add3A_487, %gather3A_494 : vector<16xf32>
        %mul3A_496 = vector.broadcast %scan3A_158 : f32 to vector<16xf32>
        %mul3A_497 = arith.mulf %add3A_463, %mul3A_496 : vector<16xf32>
        %mul3A_498 = vector.broadcast %scan3A_158 : f32 to vector<16xf32>
        %mul3A_499 = arith.mulf %add3A_495, %mul3A_498 : vector<16xf32>
        %mul3A_500 = arith.mulf %mul3A_497, %mul3A_497 : vector<16xf32>
        %sub3A_501 = arith.subf %mul3A_499, %mul3A_500 : vector<16xf32>
        %add3A_502 = arith.constant 9.99999996E-13 : f32
        %add3A_503 = vector.broadcast %add3A_502 : f32 to vector<16xf32>
        %add3A_504 = arith.addf %sub3A_501, %add3A_503 : vector<16xf32>
        %bitcast_convert_type3A = tpu.bitcast %add3A_504 : vector<16xf32> -> vector<16xi32>
        %shift_right_arithmetic3A = arith.constant 1 : i32
        %shift_right_arithmetic3A_505 = vector.broadcast %shift_right_arithmetic3A : i32 to vector<16xi32>
        %shift_right_arithmetic3A_506 = arith.shrsi %bitcast_convert_type3A, %shift_right_arithmetic3A_505 : vector<16xi32>
        %sub3A_507 = arith.constant 1597463007 : i32
        %sub3A_508 = vector.broadcast %sub3A_507 : i32 to vector<16xi32>
        %sub3A_509 = arith.subi %sub3A_508, %shift_right_arithmetic3A_506 : vector<16xi32>
        %bitcast_convert_type3A_510 = tpu.bitcast %sub3A_509 : vector<16xi32> -> vector<16xf32>
        %mul3A_511 = arith.constant 5.000000e-01 : f32
        %mul3A_512 = vector.broadcast %mul3A_511 : f32 to vector<16xf32>
        %mul3A_513 = arith.mulf %mul3A_512, %add3A_504 : vector<16xf32>
        %mul3A_514 = arith.mulf %mul3A_513, %bitcast_convert_type3A_510 : vector<16xf32>
        %mul3A_515 = arith.mulf %mul3A_514, %bitcast_convert_type3A_510 : vector<16xf32>
        %sub3A_516 = arith.constant 1.500000e+00 : f32
        %sub3A_517 = vector.broadcast %sub3A_516 : f32 to vector<16xf32>
        %sub3A_518 = arith.subf %sub3A_517, %mul3A_515 : vector<16xf32>
        %mul3A_519 = arith.mulf %bitcast_convert_type3A_510, %sub3A_518 : vector<16xf32>
        %mul3A_520 = arith.mulf %mul3A_513, %mul3A_519 : vector<16xf32>
        %mul3A_521 = arith.mulf %mul3A_520, %mul3A_519 : vector<16xf32>
        %sub3A_522 = arith.constant 1.500000e+00 : f32
        %sub3A_523 = vector.broadcast %sub3A_522 : f32 to vector<16xf32>
        %sub3A_524 = arith.subf %sub3A_523, %mul3A_521 : vector<16xf32>
        %mul3A_525 = arith.mulf %mul3A_519, %sub3A_524 : vector<16xf32>
        %mul3A_526 = arith.mulf %mul3A_513, %mul3A_525 : vector<16xf32>
        %mul3A_527 = arith.mulf %mul3A_526, %mul3A_525 : vector<16xf32>
        %sub3A_528 = arith.constant 1.500000e+00 : f32
        %sub3A_529 = vector.broadcast %sub3A_528 : f32 to vector<16xf32>
        %sub3A_530 = arith.subf %sub3A_529, %mul3A_527 : vector<16xf32>
        %mul3A_531 = arith.mulf %mul3A_525, %sub3A_530 : vector<16xf32>
        %sub3A_532 = arith.subf %add3A_322, %mul3A_497 : vector<16xf32>
        %mul3A_533 = arith.mulf %get3A_52, %mul3A_531 : vector<16xf32>
        %mul3A_534 = arith.mulf %sub3A_532, %mul3A_533 : vector<16xf32>
        %add3A_535 = arith.addf %mul3A_534, %get3A_92 : vector<16xf32>
        %swap3A = arith.constant 0 : i32
        %swap3A_536 = arith.index_cast %swap3A : i32 to index
        %swap3A_537 = arith.index_cast %add3A_309 : i32 to index
        %swap3A_538 = arith.constant 0 : index
        %swap3A_539 = tpu.vector_load %arg11[%swap3A_536, %swap3A_537, %swap3A_538] {strides = array<i32>} : memref<2x100x128xf32, #tpu.memory_space<vmem>>, vector<1x1x16xf32>,
        %swap3A_540 = vector.shape_cast %swap3A_539 : vector<1x1x16xf32> to vector<16xf32>
        %swap3A_541 = vector.shape_cast %add3A_535 : vector<16xf32> to vector<1x1x16xf32>
        tpu.vector_store %arg11[%swap3A_536, %swap3A_537, %swap3A_538], %swap3A_541 {strides = array<i32>} : memref<2x100x128xf32, #tpu.memory_space<vmem>>, vector<1x1x16xf32>,
        %sub3A_542 = arith.subf %add3A_335, %mul3A_497 : vector<16xf32>
        %mul3A_543 = arith.mulf %get3A_57, %mul3A_531 : vector<16xf32>
        %mul3A_544 = arith.mulf %sub3A_542, %mul3A_543 : vector<16xf32>
        %add3A_545 = arith.addf %mul3A_544, %get3A_97 : vector<16xf32>
        %swap3A_546 = arith.constant 0 : i32
        %swap3A_547 = arith.index_cast %swap3A_546 : i32 to index
        %swap3A_548 = arith.index_cast %add3A_309 : i32 to index
        %swap3A_549 = arith.constant 16 : index
        %swap3A_550 = tpu.vector_load %arg11[%swap3A_547, %swap3A_548, %swap3A_549] {strides = array<i32>} : memref<2x100x128xf32, #tpu.memory_space<vmem>>, vector<1x1x16xf32>,
        %swap3A_551 = vector.shape_cast %swap3A_550 : vector<1x1x16xf32> to vector<16xf32>
        %swap3A_552 = vector.shape_cast %add3A_545 : vector<16xf32> to vector<1x1x16xf32>
        tpu.vector_store %arg11[%swap3A_547, %swap3A_548, %swap3A_549], %swap3A_552 {strides = array<i32>} : memref<2x100x128xf32, #tpu.memory_space<vmem>>, vector<1x1x16xf32>,
        %sub3A_553 = arith.subf %add3A_348, %mul3A_497 : vector<16xf32>
        %mul3A_554 = arith.mulf %get3A_62, %mul3A_531 : vector<16xf32>
        %mul3A_555 = arith.mulf %sub3A_553, %mul3A_554 : vector<16xf32>
        %add3A_556 = arith.addf %mul3A_555, %get3A_102 : vector<16xf32>
        %swap3A_557 = arith.constant 0 : i32
        %swap3A_558 = arith.index_cast %swap3A_557 : i32 to index
        %swap3A_559 = arith.index_cast %add3A_309 : i32 to index
        %swap3A_560 = arith.constant 32 : index
        %swap3A_561 = tpu.vector_load %arg11[%swap3A_558, %swap3A_559, %swap3A_560] {strides = array<i32>} : memref<2x100x128xf32, #tpu.memory_space<vmem>>, vector<1x1x16xf32>,
        %swap3A_562 = vector.shape_cast %swap3A_561 : vector<1x1x16xf32> to vector<16xf32>
        %swap3A_563 = vector.shape_cast %add3A_556 : vector<16xf32> to vector<1x1x16xf32>
        tpu.vector_store %arg11[%swap3A_558, %swap3A_559, %swap3A_560], %swap3A_563 {strides = array<i32>} : memref<2x100x128xf32, #tpu.memory_space<vmem>>, vector<1x1x16xf32>,
        %sub3A_564 = arith.subf %add3A_361, %mul3A_497 : vector<16xf32>
        %mul3A_565 = arith.mulf %get3A_67, %mul3A_531 : vector<16xf32>
        %mul3A_566 = arith.mulf %sub3A_564, %mul3A_565 : vector<16xf32>
        %add3A_567 = arith.addf %mul3A_566, %get3A_107 : vector<16xf32>
        %swap3A_568 = arith.constant 0 : i32
        %swap3A_569 = arith.index_cast %swap3A_568 : i32 to index
        %swap3A_570 = arith.index_cast %add3A_309 : i32 to index
        %swap3A_571 = arith.constant 48 : index
        %swap3A_572 = tpu.vector_load %arg11[%swap3A_569, %swap3A_570, %swap3A_571] {strides = array<i32>} : memref<2x100x128xf32, #tpu.memory_space<vmem>>, vector<1x1x16xf32>,
        %swap3A_573 = vector.shape_cast %swap3A_572 : vector<1x1x16xf32> to vector<16xf32>
        %swap3A_574 = vector.shape_cast %add3A_567 : vector<16xf32> to vector<1x1x16xf32>
        tpu.vector_store %arg11[%swap3A_569, %swap3A_570, %swap3A_571], %swap3A_574 {strides = array<i32>} : memref<2x100x128xf32, #tpu.memory_space<vmem>>, vector<1x1x16xf32>,
        %sub3A_575 = arith.subf %add3A_374, %mul3A_497 : vector<16xf32>
        %mul3A_576 = arith.mulf %get3A_72, %mul3A_531 : vector<16xf32>
        %mul3A_577 = arith.mulf %sub3A_575, %mul3A_576 : vector<16xf32>
        %add3A_578 = arith.addf %mul3A_577, %get3A_112 : vector<16xf32>
        %swap3A_579 = arith.constant 0 : i32
        %swap3A_580 = arith.index_cast %swap3A_579 : i32 to index
        %swap3A_581 = arith.index_cast %add3A_309 : i32 to index
        %swap3A_582 = arith.constant 64 : index
        %swap3A_583 = tpu.vector_load %arg11[%swap3A_580, %swap3A_581, %swap3A_582] {strides = array<i32>} : memref<2x100x128xf32, #tpu.memory_space<vmem>>, vector<1x1x16xf32>,
        %swap3A_584 = vector.shape_cast %swap3A_583 : vector<1x1x16xf32> to vector<16xf32>
        %swap3A_585 = vector.shape_cast %add3A_578 : vector<16xf32> to vector<1x1x16xf32>
        tpu.vector_store %arg11[%swap3A_580, %swap3A_581, %swap3A_582], %swap3A_585 {strides = array<i32>} : memref<2x100x128xf32, #tpu.memory_space<vmem>>, vector<1x1x16xf32>,
        %sub3A_586 = arith.subf %add3A_387, %mul3A_497 : vector<16xf32>
        %mul3A_587 = arith.mulf %get3A_77, %mul3A_531 : vector<16xf32>
        %mul3A_588 = arith.mulf %sub3A_586, %mul3A_587 : vector<16xf32>
        %add3A_589 = arith.addf %mul3A_588, %get3A_117 : vector<16xf32>
        %swap3A_590 = arith.constant 0 : i32
        %swap3A_591 = arith.index_cast %swap3A_590 : i32 to index
        %swap3A_592 = arith.index_cast %add3A_309 : i32 to index
        %swap3A_593 = arith.constant 80 : index
        %swap3A_594 = tpu.vector_load %arg11[%swap3A_591, %swap3A_592, %swap3A_593] {strides = array<i32>} : memref<2x100x128xf32, #tpu.memory_space<vmem>>, vector<1x1x16xf32>,
        %swap3A_595 = vector.shape_cast %swap3A_594 : vector<1x1x16xf32> to vector<16xf32>
        %swap3A_596 = vector.shape_cast %add3A_589 : vector<16xf32> to vector<1x1x16xf32>
        tpu.vector_store %arg11[%swap3A_591, %swap3A_592, %swap3A_593], %swap3A_596 {strides = array<i32>} : memref<2x100x128xf32, #tpu.memory_space<vmem>>, vector<1x1x16xf32>,
        %sub3A_597 = arith.subf %add3A_400, %mul3A_497 : vector<16xf32>
        %mul3A_598 = arith.mulf %get3A_82, %mul3A_531 : vector<16xf32>
        %mul3A_599 = arith.mulf %sub3A_597, %mul3A_598 : vector<16xf32>
        %add3A_600 = arith.addf %mul3A_599, %get3A_122 : vector<16xf32>
        %swap3A_601 = arith.constant 0 : i32
        %swap3A_602 = arith.index_cast %swap3A_601 : i32 to index
        %swap3A_603 = arith.index_cast %add3A_309 : i32 to index
        %swap3A_604 = arith.constant 96 : index
        %swap3A_605 = tpu.vector_load %arg11[%swap3A_602, %swap3A_603, %swap3A_604] {strides = array<i32>} : memref<2x100x128xf32, #tpu.memory_space<vmem>>, vector<1x1x16xf32>,
        %swap3A_606 = vector.shape_cast %swap3A_605 : vector<1x1x16xf32> to vector<16xf32>
        %swap3A_607 = vector.shape_cast %add3A_600 : vector<16xf32> to vector<1x1x16xf32>
        tpu.vector_store %arg11[%swap3A_602, %swap3A_603, %swap3A_604], %swap3A_607 {strides = array<i32>} : memref<2x100x128xf32, #tpu.memory_space<vmem>>, vector<1x1x16xf32>,
        %sub3A_608 = arith.subf %add3A_413, %mul3A_497 : vector<16xf32>
        %mul3A_609 = arith.mulf %get3A_87, %mul3A_531 : vector<16xf32>
        %mul3A_610 = arith.mulf %sub3A_608, %mul3A_609 : vector<16xf32>
        %add3A_611 = arith.addf %mul3A_610, %get3A_127 : vector<16xf32>
        %swap3A_612 = arith.constant 0 : i32
        %swap3A_613 = arith.index_cast %swap3A_612 : i32 to index
        %swap3A_614 = arith.index_cast %add3A_309 : i32 to index
        %swap3A_615 = arith.constant 112 : index
        %swap3A_616 = tpu.vector_load %arg11[%swap3A_613, %swap3A_614, %swap3A_615] {strides = array<i32>} : memref<2x100x128xf32, #tpu.memory_space<vmem>>, vector<1x1x16xf32>,
        %swap3A_617 = vector.shape_cast %swap3A_616 : vector<1x1x16xf32> to vector<16xf32>
        %swap3A_618 = vector.shape_cast %add3A_611 : vector<16xf32> to vector<1x1x16xf32>
        tpu.vector_store %arg11[%swap3A_613, %swap3A_614, %swap3A_615], %swap3A_618 {strides = array<i32>} : memref<2x100x128xf32, #tpu.memory_space<vmem>>, vector<1x1x16xf32>,
        %mul3A_619 = arith.constant 2 : i32
        %mul3A_620 = arith.muli %mul3A_619, %scan3A_305 : i32
        %add3A_621 = arith.constant 1 : i32
        %add3A_622 = arith.addi %mul3A_620, %add3A_621 : i32
        %get3A_623 = arith.constant 0 : i32
        %get3A_624 = arith.index_cast %get3A_623 : i32 to index
        %get3A_625 = arith.index_cast %add3A_622 : i32 to index
        %get3A_626 = arith.constant 0 : index
        %get3A_627 = tpu.vector_load %arg10[%get3A_624, %get3A_625, %get3A_626] {strides = array<i32>} : memref<2x100x128xf32, #tpu.memory_space<vmem>>, vector<1x1x16xf32>,
        %get3A_628 = vector.shape_cast %get3A_627 : vector<1x1x16xf32> to vector<16xf32>
        %add3A_629 = arith.constant 0 : i32
        %add3A_630 = arith.addi %add3A_629, %add3A_622 : i32
        %get3A_631 = arith.index_cast %add3A_630 : i32 to index
        %get3A_632 = arith.constant 0 : index
        %get3A_633 = tpu.vector_load %arg9[%get3A_631, %get3A_632] {strides = array<i32>} : memref<200x128xf32, #tpu.memory_space<vmem>>, vector<1x16xf32>,
        %get3A_634 = vector.shape_cast %get3A_633 : vector<1x16xf32> to vector<16xf32>
        %add3A_635 = arith.addf %get3A_628, %get3A_634 : vector<16xf32>
        %get3A_636 = arith.constant 0 : i32
        %get3A_637 = arith.index_cast %get3A_636 : i32 to index
        %get3A_638 = arith.index_cast %add3A_622 : i32 to index
        %get3A_639 = arith.constant 16 : index
        %get3A_640 = tpu.vector_load %arg10[%get3A_637, %get3A_638, %get3A_639] {strides = array<i32>} : memref<2x100x128xf32, #tpu.memory_space<vmem>>, vector<1x1x16xf32>,
        %get3A_641 = vector.shape_cast %get3A_640 : vector<1x1x16xf32> to vector<16xf32>
        %add3A_642 = arith.constant 0 : i32
        %add3A_643 = arith.addi %add3A_642, %add3A_622 : i32
        %get3A_644 = arith.index_cast %add3A_643 : i32 to index
        %get3A_645 = arith.constant 16 : index
        %get3A_646 = tpu.vector_load %arg9[%get3A_644, %get3A_645] {strides = array<i32>} : memref<200x128xf32, #tpu.memory_space<vmem>>, vector<1x16xf32>,
        %get3A_647 = vector.shape_cast %get3A_646 : vector<1x16xf32> to vector<16xf32>
        %add3A_648 = arith.addf %get3A_641, %get3A_647 : vector<16xf32>
        %get3A_649 = arith.constant 0 : i32
        %get3A_650 = arith.index_cast %get3A_649 : i32 to index
        %get3A_651 = arith.index_cast %add3A_622 : i32 to index
        %get3A_652 = arith.constant 32 : index
        %get3A_653 = tpu.vector_load %arg10[%get3A_650, %get3A_651, %get3A_652] {strides = array<i32>} : memref<2x100x128xf32, #tpu.memory_space<vmem>>, vector<1x1x16xf32>,
        %get3A_654 = vector.shape_cast %get3A_653 : vector<1x1x16xf32> to vector<16xf32>
        %add3A_655 = arith.constant 0 : i32
        %add3A_656 = arith.addi %add3A_655, %add3A_622 : i32
        %get3A_657 = arith.index_cast %add3A_656 : i32 to index
        %get3A_658 = arith.constant 32 : index
        %get3A_659 = tpu.vector_load %arg9[%get3A_657, %get3A_658] {strides = array<i32>} : memref<200x128xf32, #tpu.memory_space<vmem>>, vector<1x16xf32>,
        %get3A_660 = vector.shape_cast %get3A_659 : vector<1x16xf32> to vector<16xf32>
        %add3A_661 = arith.addf %get3A_654, %get3A_660 : vector<16xf32>
        %get3A_662 = arith.constant 0 : i32
        %get3A_663 = arith.index_cast %get3A_662 : i32 to index
        %get3A_664 = arith.index_cast %add3A_622 : i32 to index
        %get3A_665 = arith.constant 48 : index
        %get3A_666 = tpu.vector_load %arg10[%get3A_663, %get3A_664, %get3A_665] {strides = array<i32>} : memref<2x100x128xf32, #tpu.memory_space<vmem>>, vector<1x1x16xf32>,
        %get3A_667 = vector.shape_cast %get3A_666 : vector<1x1x16xf32> to vector<16xf32>
        %add3A_668 = arith.constant 0 : i32
        %add3A_669 = arith.addi %add3A_668, %add3A_622 : i32
        %get3A_670 = arith.index_cast %add3A_669 : i32 to index
        %get3A_671 = arith.constant 48 : index
        %get3A_672 = tpu.vector_load %arg9[%get3A_670, %get3A_671] {strides = array<i32>} : memref<200x128xf32, #tpu.memory_space<vmem>>, vector<1x16xf32>,
        %get3A_673 = vector.shape_cast %get3A_672 : vector<1x16xf32> to vector<16xf32>
        %add3A_674 = arith.addf %get3A_667, %get3A_673 : vector<16xf32>
        %get3A_675 = arith.constant 0 : i32
        %get3A_676 = arith.index_cast %get3A_675 : i32 to index
        %get3A_677 = arith.index_cast %add3A_622 : i32 to index
        %get3A_678 = arith.constant 64 : index
        %get3A_679 = tpu.vector_load %arg10[%get3A_676, %get3A_677, %get3A_678] {strides = array<i32>} : memref<2x100x128xf32, #tpu.memory_space<vmem>>, vector<1x1x16xf32>,
        %get3A_680 = vector.shape_cast %get3A_679 : vector<1x1x16xf32> to vector<16xf32>
        %add3A_681 = arith.constant 0 : i32
        %add3A_682 = arith.addi %add3A_681, %add3A_622 : i32
        %get3A_683 = arith.index_cast %add3A_682 : i32 to index
        %get3A_684 = arith.constant 64 : index
        %get3A_685 = tpu.vector_load %arg9[%get3A_683, %get3A_684] {strides = array<i32>} : memref<200x128xf32, #tpu.memory_space<vmem>>, vector<1x16xf32>,
        %get3A_686 = vector.shape_cast %get3A_685 : vector<1x16xf32> to vector<16xf32>
        %add3A_687 = arith.addf %get3A_680, %get3A_686 : vector<16xf32>
        %get3A_688 = arith.constant 0 : i32
        %get3A_689 = arith.index_cast %get3A_688 : i32 to index
        %get3A_690 = arith.index_cast %add3A_622 : i32 to index
        %get3A_691 = arith.constant 80 : index
        %get3A_692 = tpu.vector_load %arg10[%get3A_689, %get3A_690, %get3A_691] {strides = array<i32>} : memref<2x100x128xf32, #tpu.memory_space<vmem>>, vector<1x1x16xf32>,
        %get3A_693 = vector.shape_cast %get3A_692 : vector<1x1x16xf32> to vector<16xf32>
        %add3A_694 = arith.constant 0 : i32
        %add3A_695 = arith.addi %add3A_694, %add3A_622 : i32
        %get3A_696 = arith.index_cast %add3A_695 : i32 to index
        %get3A_697 = arith.constant 80 : index
        %get3A_698 = tpu.vector_load %arg9[%get3A_696, %get3A_697] {strides = array<i32>} : memref<200x128xf32, #tpu.memory_space<vmem>>, vector<1x16xf32>,
        %get3A_699 = vector.shape_cast %get3A_698 : vector<1x16xf32> to vector<16xf32>
        %add3A_700 = arith.addf %get3A_693, %get3A_699 : vector<16xf32>
        %get3A_701 = arith.constant 0 : i32
        %get3A_702 = arith.index_cast %get3A_701 : i32 to index
        %get3A_703 = arith.index_cast %add3A_622 : i32 to index
        %get3A_704 = arith.constant 96 : index
        %get3A_705 = tpu.vector_load %arg10[%get3A_702, %get3A_703, %get3A_704] {strides = array<i32>} : memref<2x100x128xf32, #tpu.memory_space<vmem>>, vector<1x1x16xf32>,
        %get3A_706 = vector.shape_cast %get3A_705 : vector<1x1x16xf32> to vector<16xf32>
        %add3A_707 = arith.constant 0 : i32
        %add3A_708 = arith.addi %add3A_707, %add3A_622 : i32
        %get3A_709 = arith.index_cast %add3A_708 : i32 to index
        %get3A_710 = arith.constant 96 : index
        %get3A_711 = tpu.vector_load %arg9[%get3A_709, %get3A_710] {strides = array<i32>} : memref<200x128xf32, #tpu.memory_space<vmem>>, vector<1x16xf32>,
        %get3A_712 = vector.shape_cast %get3A_711 : vector<1x16xf32> to vector<16xf32>
        %add3A_713 = arith.addf %get3A_706, %get3A_712 : vector<16xf32>
        %get3A_714 = arith.constant 0 : i32
        %get3A_715 = arith.index_cast %get3A_714 : i32 to index
        %get3A_716 = arith.index_cast %add3A_622 : i32 to index
        %get3A_717 = arith.constant 112 : index
        %get3A_718 = tpu.vector_load %arg10[%get3A_715, %get3A_716, %get3A_717] {strides = array<i32>} : memref<2x100x128xf32, #tpu.memory_space<vmem>>, vector<1x1x16xf32>,
        %get3A_719 = vector.shape_cast %get3A_718 : vector<1x1x16xf32> to vector<16xf32>
        %add3A_720 = arith.constant 0 : i32
        %add3A_721 = arith.addi %add3A_720, %add3A_622 : i32
        %get3A_722 = arith.index_cast %add3A_721 : i32 to index
        %get3A_723 = arith.constant 112 : index
        %get3A_724 = tpu.vector_load %arg9[%get3A_722, %get3A_723] {strides = array<i32>} : memref<200x128xf32, #tpu.memory_space<vmem>>, vector<1x16xf32>,
        %get3A_725 = vector.shape_cast %get3A_724 : vector<1x16xf32> to vector<16xf32>
        %add3A_726 = arith.addf %get3A_719, %get3A_725 : vector<16xf32>
        %add3A_727 = arith.addf %add3A_635, %add3A_648 : vector<16xf32>
        %add3A_728 = arith.addf %add3A_661, %add3A_674 : vector<16xf32>
        %add3A_729 = arith.addf %add3A_687, %add3A_700 : vector<16xf32>
        %add3A_730 = arith.addf %add3A_713, %add3A_726 : vector<16xf32>
        %add3A_731 = arith.addf %add3A_727, %add3A_728 : vector<16xf32>
        %add3A_732 = arith.addf %add3A_729, %add3A_730 : vector<16xf32>
        %add3A_733 = arith.addf %add3A_731, %add3A_732 : vector<16xf32>
        %mul3A_734 = arith.mulf %add3A_635, %add3A_635 : vector<16xf32>
        %mul3A_735 = arith.mulf %add3A_648, %add3A_648 : vector<16xf32>
        %mul3A_736 = arith.mulf %add3A_661, %add3A_661 : vector<16xf32>
        %mul3A_737 = arith.mulf %add3A_674, %add3A_674 : vector<16xf32>
        %mul3A_738 = arith.mulf %add3A_687, %add3A_687 : vector<16xf32>
        %mul3A_739 = arith.mulf %add3A_700, %add3A_700 : vector<16xf32>
        %mul3A_740 = arith.mulf %add3A_713, %add3A_713 : vector<16xf32>
        %mul3A_741 = arith.mulf %add3A_726, %add3A_726 : vector<16xf32>
        %add3A_742 = arith.addf %mul3A_734, %mul3A_735 : vector<16xf32>
        %add3A_743 = arith.addf %mul3A_736, %mul3A_737 : vector<16xf32>
        %add3A_744 = arith.addf %mul3A_738, %mul3A_739 : vector<16xf32>
        %add3A_745 = arith.addf %mul3A_740, %mul3A_741 : vector<16xf32>
        %add3A_746 = arith.addf %add3A_742, %add3A_743 : vector<16xf32>
        %add3A_747 = arith.addf %add3A_744, %add3A_745 : vector<16xf32>
        %add3A_748 = arith.addf %add3A_746, %add3A_747 : vector<16xf32>
        %iota3A_749 = tpu.iota {dimensions = array<i32: 0>} : vector<16xi32>
        %xor3A_750 = arith.constant 1 : i32
        %xor3A_751 = vector.broadcast %xor3A_750 : i32 to vector<16xi32>
        %xor3A_752 = arith.xori %iota3A_749, %xor3A_751 : vector<16xi32>
        %broadcast_in_dim3A_753 = vector.shape_cast %xor3A_752 : vector<16xi32> to vector<16x1xi32>
        %gather3A_754 = vector.shape_cast %broadcast_in_dim3A_753 : vector<16x1xi32> to vector<16xi32>
        %gather3A_755 = tpu.dynamic_gather %add3A_733[%gather3A_754] in [0] : vector<16xf32>, vector<16xi32> -> vector<16xf32>
        %add3A_756 = arith.addf %add3A_733, %gather3A_755 : vector<16xf32>
        %iota3A_757 = tpu.iota {dimensions = array<i32: 0>} : vector<16xi32>
        %xor3A_758 = arith.constant 2 : i32
        %xor3A_759 = vector.broadcast %xor3A_758 : i32 to vector<16xi32>
        %xor3A_760 = arith.xori %iota3A_757, %xor3A_759 : vector<16xi32>
        %broadcast_in_dim3A_761 = vector.shape_cast %xor3A_760 : vector<16xi32> to vector<16x1xi32>
        %gather3A_762 = vector.shape_cast %broadcast_in_dim3A_761 : vector<16x1xi32> to vector<16xi32>
        %gather3A_763 = tpu.dynamic_gather %add3A_756[%gather3A_762] in [0] : vector<16xf32>, vector<16xi32> -> vector<16xf32>
        %add3A_764 = arith.addf %add3A_756, %gather3A_763 : vector<16xf32>
        %iota3A_765 = tpu.iota {dimensions = array<i32: 0>} : vector<16xi32>
        %xor3A_766 = arith.constant 4 : i32
        %xor3A_767 = vector.broadcast %xor3A_766 : i32 to vector<16xi32>
        %xor3A_768 = arith.xori %iota3A_765, %xor3A_767 : vector<16xi32>
        %broadcast_in_dim3A_769 = vector.shape_cast %xor3A_768 : vector<16xi32> to vector<16x1xi32>
        %gather3A_770 = vector.shape_cast %broadcast_in_dim3A_769 : vector<16x1xi32> to vector<16xi32>
        %gather3A_771 = tpu.dynamic_gather %add3A_764[%gather3A_770] in [0] : vector<16xf32>, vector<16xi32> -> vector<16xf32>
        %add3A_772 = arith.addf %add3A_764, %gather3A_771 : vector<16xf32>
        %iota3A_773 = tpu.iota {dimensions = array<i32: 0>} : vector<16xi32>
        %xor3A_774 = arith.constant 8 : i32
        %xor3A_775 = vector.broadcast %xor3A_774 : i32 to vector<16xi32>
        %xor3A_776 = arith.xori %iota3A_773, %xor3A_775 : vector<16xi32>
        %broadcast_in_dim3A_777 = vector.shape_cast %xor3A_776 : vector<16xi32> to vector<16x1xi32>
        %gather3A_778 = vector.shape_cast %broadcast_in_dim3A_777 : vector<16x1xi32> to vector<16xi32>
        %gather3A_779 = tpu.dynamic_gather %add3A_772[%gather3A_778] in [0] : vector<16xf32>, vector<16xi32> -> vector<16xf32>
        %add3A_780 = arith.addf %add3A_772, %gather3A_779 : vector<16xf32>
        %iota3A_781 = tpu.iota {dimensions = array<i32: 0>} : vector<16xi32>
        %xor3A_782 = arith.constant 1 : i32
        %xor3A_783 = vector.broadcast %xor3A_782 : i32 to vector<16xi32>
        %xor3A_784 = arith.xori %iota3A_781, %xor3A_783 : vector<16xi32>
        %broadcast_in_dim3A_785 = vector.shape_cast %xor3A_784 : vector<16xi32> to vector<16x1xi32>
        %gather3A_786 = vector.shape_cast %broadcast_in_dim3A_785 : vector<16x1xi32> to vector<16xi32>
        %gather3A_787 = tpu.dynamic_gather %add3A_748[%gather3A_786] in [0] : vector<16xf32>, vector<16xi32> -> vector<16xf32>
        %add3A_788 = arith.addf %add3A_748, %gather3A_787 : vector<16xf32>
        %iota3A_789 = tpu.iota {dimensions = array<i32: 0>} : vector<16xi32>
        %xor3A_790 = arith.constant 2 : i32
        %xor3A_791 = vector.broadcast %xor3A_790 : i32 to vector<16xi32>
        %xor3A_792 = arith.xori %iota3A_789, %xor3A_791 : vector<16xi32>
        %broadcast_in_dim3A_793 = vector.shape_cast %xor3A_792 : vector<16xi32> to vector<16x1xi32>
        %gather3A_794 = vector.shape_cast %broadcast_in_dim3A_793 : vector<16x1xi32> to vector<16xi32>
        %gather3A_795 = tpu.dynamic_gather %add3A_788[%gather3A_794] in [0] : vector<16xf32>, vector<16xi32> -> vector<16xf32>
        %add3A_796 = arith.addf %add3A_788, %gather3A_795 : vector<16xf32>
        %iota3A_797 = tpu.iota {dimensions = array<i32: 0>} : vector<16xi32>
        %xor3A_798 = arith.constant 4 : i32
        %xor3A_799 = vector.broadcast %xor3A_798 : i32 to vector<16xi32>
        %xor3A_800 = arith.xori %iota3A_797, %xor3A_799 : vector<16xi32>
        %broadcast_in_dim3A_801 = vector.shape_cast %xor3A_800 : vector<16xi32> to vector<16x1xi32>
        %gather3A_802 = vector.shape_cast %broadcast_in_dim3A_801 : vector<16x1xi32> to vector<16xi32>
        %gather3A_803 = tpu.dynamic_gather %add3A_796[%gather3A_802] in [0] : vector<16xf32>, vector<16xi32> -> vector<16xf32>
        %add3A_804 = arith.addf %add3A_796, %gather3A_803 : vector<16xf32>
        %iota3A_805 = tpu.iota {dimensions = array<i32: 0>} : vector<16xi32>
        %xor3A_806 = arith.constant 8 : i32
        %xor3A_807 = vector.broadcast %xor3A_806 : i32 to vector<16xi32>
        %xor3A_808 = arith.xori %iota3A_805, %xor3A_807 : vector<16xi32>
        %broadcast_in_dim3A_809 = vector.shape_cast %xor3A_808 : vector<16xi32> to vector<16x1xi32>
        %gather3A_810 = vector.shape_cast %broadcast_in_dim3A_809 : vector<16x1xi32> to vector<16xi32>
        %gather3A_811 = tpu.dynamic_gather %add3A_804[%gather3A_810] in [0] : vector<16xf32>, vector<16xi32> -> vector<16xf32>
        %add3A_812 = arith.addf %add3A_804, %gather3A_811 : vector<16xf32>
        %mul3A_813 = vector.broadcast %scan3A_158 : f32 to vector<16xf32>
        %mul3A_814 = arith.mulf %add3A_780, %mul3A_813 : vector<16xf32>
        %mul3A_815 = vector.broadcast %scan3A_158 : f32 to vector<16xf32>
        %mul3A_816 = arith.mulf %add3A_812, %mul3A_815 : vector<16xf32>
        %mul3A_817 = arith.mulf %mul3A_814, %mul3A_814 : vector<16xf32>
        %sub3A_818 = arith.subf %mul3A_816, %mul3A_817 : vector<16xf32>
        %add3A_819 = arith.constant 9.99999996E-13 : f32
        %add3A_820 = vector.broadcast %add3A_819 : f32 to vector<16xf32>
        %add3A_821 = arith.addf %sub3A_818, %add3A_820 : vector<16xf32>
        %bitcast_convert_type3A_822 = tpu.bitcast %add3A_821 : vector<16xf32> -> vector<16xi32>
        %shift_right_arithmetic3A_823 = arith.constant 1 : i32
        %shift_right_arithmetic3A_824 = vector.broadcast %shift_right_arithmetic3A_823 : i32 to vector<16xi32>
        %shift_right_arithmetic3A_825 = arith.shrsi %bitcast_convert_type3A_822, %shift_right_arithmetic3A_824 : vector<16xi32>
        %sub3A_826 = arith.constant 1597463007 : i32
        %sub3A_827 = vector.broadcast %sub3A_826 : i32 to vector<16xi32>
        %sub3A_828 = arith.subi %sub3A_827, %shift_right_arithmetic3A_825 : vector<16xi32>
        %bitcast_convert_type3A_829 = tpu.bitcast %sub3A_828 : vector<16xi32> -> vector<16xf32>
        %mul3A_830 = arith.constant 5.000000e-01 : f32
        %mul3A_831 = vector.broadcast %mul3A_830 : f32 to vector<16xf32>
        %mul3A_832 = arith.mulf %mul3A_831, %add3A_821 : vector<16xf32>
        %mul3A_833 = arith.mulf %mul3A_832, %bitcast_convert_type3A_829 : vector<16xf32>
        %mul3A_834 = arith.mulf %mul3A_833, %bitcast_convert_type3A_829 : vector<16xf32>
        %sub3A_835 = arith.constant 1.500000e+00 : f32
        %sub3A_836 = vector.broadcast %sub3A_835 : f32 to vector<16xf32>
        %sub3A_837 = arith.subf %sub3A_836, %mul3A_834 : vector<16xf32>
        %mul3A_838 = arith.mulf %bitcast_convert_type3A_829, %sub3A_837 : vector<16xf32>
        %mul3A_839 = arith.mulf %mul3A_832, %mul3A_838 : vector<16xf32>
        %mul3A_840 = arith.mulf %mul3A_839, %mul3A_838 : vector<16xf32>
        %sub3A_841 = arith.constant 1.500000e+00 : f32
        %sub3A_842 = vector.broadcast %sub3A_841 : f32 to vector<16xf32>
        %sub3A_843 = arith.subf %sub3A_842, %mul3A_840 : vector<16xf32>
        %mul3A_844 = arith.mulf %mul3A_838, %sub3A_843 : vector<16xf32>
        %mul3A_845 = arith.mulf %mul3A_832, %mul3A_844 : vector<16xf32>
        %mul3A_846 = arith.mulf %mul3A_845, %mul3A_844 : vector<16xf32>
        %sub3A_847 = arith.constant 1.500000e+00 : f32
        %sub3A_848 = vector.broadcast %sub3A_847 : f32 to vector<16xf32>
        %sub3A_849 = arith.subf %sub3A_848, %mul3A_846 : vector<16xf32>
        %mul3A_850 = arith.mulf %mul3A_844, %sub3A_849 : vector<16xf32>
        %sub3A_851 = arith.subf %add3A_635, %mul3A_814 : vector<16xf32>
        %mul3A_852 = arith.mulf %get3A_52, %mul3A_850 : vector<16xf32>
        %mul3A_853 = arith.mulf %sub3A_851, %mul3A_852 : vector<16xf32>
        %add3A_854 = arith.addf %mul3A_853, %get3A_92 : vector<16xf32>
        %swap3A_855 = arith.constant 0 : i32
        %swap3A_856 = arith.index_cast %swap3A_855 : i32 to index
        %swap3A_857 = arith.index_cast %add3A_622 : i32 to index
        %swap3A_858 = arith.constant 0 : index
        %swap3A_859 = tpu.vector_load %arg11[%swap3A_856, %swap3A_857, %swap3A_858] {strides = array<i32>} : memref<2x100x128xf32, #tpu.memory_space<vmem>>, vector<1x1x16xf32>,
        %swap3A_860 = vector.shape_cast %swap3A_859 : vector<1x1x16xf32> to vector<16xf32>
        %swap3A_861 = vector.shape_cast %add3A_854 : vector<16xf32> to vector<1x1x16xf32>
        tpu.vector_store %arg11[%swap3A_856, %swap3A_857, %swap3A_858], %swap3A_861 {strides = array<i32>} : memref<2x100x128xf32, #tpu.memory_space<vmem>>, vector<1x1x16xf32>,
        %sub3A_862 = arith.subf %add3A_648, %mul3A_814 : vector<16xf32>
        %mul3A_863 = arith.mulf %get3A_57, %mul3A_850 : vector<16xf32>
        %mul3A_864 = arith.mulf %sub3A_862, %mul3A_863 : vector<16xf32>
        %add3A_865 = arith.addf %mul3A_864, %get3A_97 : vector<16xf32>
        %swap3A_866 = arith.constant 0 : i32
        %swap3A_867 = arith.index_cast %swap3A_866 : i32 to index
        %swap3A_868 = arith.index_cast %add3A_622 : i32 to index
        %swap3A_869 = arith.constant 16 : index
        %swap3A_870 = tpu.vector_load %arg11[%swap3A_867, %swap3A_868, %swap3A_869] {strides = array<i32>} : memref<2x100x128xf32, #tpu.memory_space<vmem>>, vector<1x1x16xf32>,
        %swap3A_871 = vector.shape_cast %swap3A_870 : vector<1x1x16xf32> to vector<16xf32>
        %swap3A_872 = vector.shape_cast %add3A_865 : vector<16xf32> to vector<1x1x16xf32>
        tpu.vector_store %arg11[%swap3A_867, %swap3A_868, %swap3A_869], %swap3A_872 {strides = array<i32>} : memref<2x100x128xf32, #tpu.memory_space<vmem>>, vector<1x1x16xf32>,
        %sub3A_873 = arith.subf %add3A_661, %mul3A_814 : vector<16xf32>
        %mul3A_874 = arith.mulf %get3A_62, %mul3A_850 : vector<16xf32>
        %mul3A_875 = arith.mulf %sub3A_873, %mul3A_874 : vector<16xf32>
        %add3A_876 = arith.addf %mul3A_875, %get3A_102 : vector<16xf32>
        %swap3A_877 = arith.constant 0 : i32
        %swap3A_878 = arith.index_cast %swap3A_877 : i32 to index
        %swap3A_879 = arith.index_cast %add3A_622 : i32 to index
        %swap3A_880 = arith.constant 32 : index
        %swap3A_881 = tpu.vector_load %arg11[%swap3A_878, %swap3A_879, %swap3A_880] {strides = array<i32>} : memref<2x100x128xf32, #tpu.memory_space<vmem>>, vector<1x1x16xf32>,
        %swap3A_882 = vector.shape_cast %swap3A_881 : vector<1x1x16xf32> to vector<16xf32>
        %swap3A_883 = vector.shape_cast %add3A_876 : vector<16xf32> to vector<1x1x16xf32>
        tpu.vector_store %arg11[%swap3A_878, %swap3A_879, %swap3A_880], %swap3A_883 {strides = array<i32>} : memref<2x100x128xf32, #tpu.memory_space<vmem>>, vector<1x1x16xf32>,
        %sub3A_884 = arith.subf %add3A_674, %mul3A_814 : vector<16xf32>
        %mul3A_885 = arith.mulf %get3A_67, %mul3A_850 : vector<16xf32>
        %mul3A_886 = arith.mulf %sub3A_884, %mul3A_885 : vector<16xf32>
        %add3A_887 = arith.addf %mul3A_886, %get3A_107 : vector<16xf32>
        %swap3A_888 = arith.constant 0 : i32
        %swap3A_889 = arith.index_cast %swap3A_888 : i32 to index
        %swap3A_890 = arith.index_cast %add3A_622 : i32 to index
        %swap3A_891 = arith.constant 48 : index
        %swap3A_892 = tpu.vector_load %arg11[%swap3A_889, %swap3A_890, %swap3A_891] {strides = array<i32>} : memref<2x100x128xf32, #tpu.memory_space<vmem>>, vector<1x1x16xf32>,
        %swap3A_893 = vector.shape_cast %swap3A_892 : vector<1x1x16xf32> to vector<16xf32>
        %swap3A_894 = vector.shape_cast %add3A_887 : vector<16xf32> to vector<1x1x16xf32>
        tpu.vector_store %arg11[%swap3A_889, %swap3A_890, %swap3A_891], %swap3A_894 {strides = array<i32>} : memref<2x100x128xf32, #tpu.memory_space<vmem>>, vector<1x1x16xf32>,
        %sub3A_895 = arith.subf %add3A_687, %mul3A_814 : vector<16xf32>
        %mul3A_896 = arith.mulf %get3A_72, %mul3A_850 : vector<16xf32>
        %mul3A_897 = arith.mulf %sub3A_895, %mul3A_896 : vector<16xf32>
        %add3A_898 = arith.addf %mul3A_897, %get3A_112 : vector<16xf32>
        %swap3A_899 = arith.constant 0 : i32
        %swap3A_900 = arith.index_cast %swap3A_899 : i32 to index
        %swap3A_901 = arith.index_cast %add3A_622 : i32 to index
        %swap3A_902 = arith.constant 64 : index
        %swap3A_903 = tpu.vector_load %arg11[%swap3A_900, %swap3A_901, %swap3A_902] {strides = array<i32>} : memref<2x100x128xf32, #tpu.memory_space<vmem>>, vector<1x1x16xf32>,
        %swap3A_904 = vector.shape_cast %swap3A_903 : vector<1x1x16xf32> to vector<16xf32>
        %swap3A_905 = vector.shape_cast %add3A_898 : vector<16xf32> to vector<1x1x16xf32>
        tpu.vector_store %arg11[%swap3A_900, %swap3A_901, %swap3A_902], %swap3A_905 {strides = array<i32>} : memref<2x100x128xf32, #tpu.memory_space<vmem>>, vector<1x1x16xf32>,
        %sub3A_906 = arith.subf %add3A_700, %mul3A_814 : vector<16xf32>
        %mul3A_907 = arith.mulf %get3A_77, %mul3A_850 : vector<16xf32>
        %mul3A_908 = arith.mulf %sub3A_906, %mul3A_907 : vector<16xf32>
        %add3A_909 = arith.addf %mul3A_908, %get3A_117 : vector<16xf32>
        %swap3A_910 = arith.constant 0 : i32
        %swap3A_911 = arith.index_cast %swap3A_910 : i32 to index
        %swap3A_912 = arith.index_cast %add3A_622 : i32 to index
        %swap3A_913 = arith.constant 80 : index
        %swap3A_914 = tpu.vector_load %arg11[%swap3A_911, %swap3A_912, %swap3A_913] {strides = array<i32>} : memref<2x100x128xf32, #tpu.memory_space<vmem>>, vector<1x1x16xf32>,
        %swap3A_915 = vector.shape_cast %swap3A_914 : vector<1x1x16xf32> to vector<16xf32>
        %swap3A_916 = vector.shape_cast %add3A_909 : vector<16xf32> to vector<1x1x16xf32>
        tpu.vector_store %arg11[%swap3A_911, %swap3A_912, %swap3A_913], %swap3A_916 {strides = array<i32>} : memref<2x100x128xf32, #tpu.memory_space<vmem>>, vector<1x1x16xf32>,
        %sub3A_917 = arith.subf %add3A_713, %mul3A_814 : vector<16xf32>
        %mul3A_918 = arith.mulf %get3A_82, %mul3A_850 : vector<16xf32>
        %mul3A_919 = arith.mulf %sub3A_917, %mul3A_918 : vector<16xf32>
        %add3A_920 = arith.addf %mul3A_919, %get3A_122 : vector<16xf32>
        %swap3A_921 = arith.constant 0 : i32
        %swap3A_922 = arith.index_cast %swap3A_921 : i32 to index
        %swap3A_923 = arith.index_cast %add3A_622 : i32 to index
        %swap3A_924 = arith.constant 96 : index
        %swap3A_925 = tpu.vector_load %arg11[%swap3A_922, %swap3A_923, %swap3A_924] {strides = array<i32>} : memref<2x100x128xf32, #tpu.memory_space<vmem>>, vector<1x1x16xf32>,
        %swap3A_926 = vector.shape_cast %swap3A_925 : vector<1x1x16xf32> to vector<16xf32>
        %swap3A_927 = vector.shape_cast %add3A_920 : vector<16xf32> to vector<1x1x16xf32>
        tpu.vector_store %arg11[%swap3A_922, %swap3A_923, %swap3A_924], %swap3A_927 {strides = array<i32>} : memref<2x100x128xf32, #tpu.memory_space<vmem>>, vector<1x1x16xf32>,
        %sub3A_928 = arith.subf %add3A_726, %mul3A_814 : vector<16xf32>
        %mul3A_929 = arith.mulf %get3A_87, %mul3A_850 : vector<16xf32>
        %mul3A_930 = arith.mulf %sub3A_928, %mul3A_929 : vector<16xf32>
        %add3A_931 = arith.addf %mul3A_930, %get3A_127 : vector<16xf32>
        %swap3A_932 = arith.constant 0 : i32
        %swap3A_933 = arith.index_cast %swap3A_932 : i32 to index
        %swap3A_934 = arith.index_cast %add3A_622 : i32 to index
        %swap3A_935 = arith.constant 112 : index
        %swap3A_936 = tpu.vector_load %arg11[%swap3A_933, %swap3A_934, %swap3A_935] {strides = array<i32>} : memref<2x100x128xf32, #tpu.memory_space<vmem>>, vector<1x1x16xf32>,
        %swap3A_937 = vector.shape_cast %swap3A_936 : vector<1x1x16xf32> to vector<16xf32>
        %swap3A_938 = vector.shape_cast %add3A_931 : vector<16xf32> to vector<1x1x16xf32>
        tpu.vector_store %arg11[%swap3A_933, %swap3A_934, %swap3A_935], %swap3A_938 {strides = array<i32>} : memref<2x100x128xf32, #tpu.memory_space<vmem>>, vector<1x1x16xf32>,
      }
      %scan3A_233 = arith.constant 50 : i32
      %dma_start3A_234 = arith.constant 0 : i32
      %dma_start3A_235 = arith.constant 0 : i32
      %dma_start3A_236 = arith.constant 0 : i32
      %dma_start3A_237 = tpu.memref_slice %arg11[%dma_start3A_234, %dma_start3A_235, %dma_start3A_236] : memref<2x100x128xf32, #tpu.memory_space<vmem>> -> memref<1x100x128xf32, #tpu.memory_space<vmem>>
      %dma_start3A_238 = tpu.memref_squeeze %dma_start3A_237 : memref<1x100x128xf32, #tpu.memory_space<vmem>> -> memref<100x128xf32, #tpu.memory_space<vmem>>
      %dma_start3A_239 = arith.constant 0 : i32
      %dma_start3A_240 = arith.constant 0 : i32
      %dma_start3A_241 = tpu.memref_slice %arg8[%add3A_213, %dma_start3A_239, %dma_start3A_240] : memref<2048x100x128xf32, #tpu.memory_space<hbm>> -> memref<1x100x128xf32, #tpu.memory_space<hbm>>
      %dma_start3A_242 = tpu.memref_squeeze %dma_start3A_241 : memref<1x100x128xf32, #tpu.memory_space<hbm>> -> memref<100x128xf32, #tpu.memory_space<hbm>>
      %dma_start3A_243 = arith.constant 0 : i32
      %dma_start3A_244 = arith.constant 0 : i32
      %dma_start3A_245 = tpu.memref_slice %arg8[%add3A_213, %dma_start3A_243, %dma_start3A_244] : memref<2048x100x128xf32, #tpu.memory_space<hbm>> -> memref<1x100x128xf32, #tpu.memory_space<hbm>>
      %dma_start3A_246 = tpu.memref_squeeze %dma_start3A_245 : memref<1x100x128xf32, #tpu.memory_space<hbm>> -> memref<100x128xf32, #tpu.memory_space<hbm>>
      %dma_start3A_247 = arith.constant 0 : i32
      %dma_start3A_248 = arith.constant 0 : i32
      %dma_start3A_249 = tpu.memref_slice %arg11[%dma_start3A_234, %dma_start3A_247, %dma_start3A_248] : memref<2x100x128xf32, #tpu.memory_space<vmem>> -> memref<1x100x128xf32, #tpu.memory_space<vmem>>
      %dma_start3A_250 = tpu.memref_squeeze %dma_start3A_249 : memref<1x100x128xf32, #tpu.memory_space<vmem>> -> memref<100x128xf32, #tpu.memory_space<vmem>>
      tpu.enqueue_dma source(%dma_start3A_250 : memref<100x128xf32, #tpu.memory_space<vmem>>) target(%dma_start3A_246 : memref<100x128xf32, #tpu.memory_space<hbm>>) target_semaphore(%arg17 : memref<!tpu.dma_semaphore, #tpu.memory_space<semaphore_mem>>)
      %lt3A = arith.constant 31 : i32
      %lt3A_251 = arith.cmpi slt, %scan3A_208, %lt3A : i32
      %convert_element_type3A_252 = arith.extui %lt3A_251 : i1 to i32
      %cond3A_253 = arith.constant 0 : i32
      %cond3A_254 = arith.cmpi ne, %convert_element_type3A_252, %cond3A_253 : i32
      scf.if %cond3A_254 {
        %add3A_305 = arith.constant 2 : i32
        %add3A_306 = arith.addi %add3A_212, %add3A_305 : i32
        %add3A_307 = arith.addi %mul3A_2, %add3A_306 : i32
        %run_scoped3A_308 = arith.constant 0 : i32
        "tpu.region"() ({
          %run_scoped3A_321 = tpu.sem_alloc : memref<!tpu.dma_semaphore, #tpu.memory_space<semaphore_mem>>
          %dma_start3A_322 = arith.constant 0 : i32
          %dma_start3A_323 = tpu.memref_slice %arg12[%run_scoped3A_308, %dma_start3A_322] : memref<2x100xi32, #tpu.memory_space<vmem>> -> memref<1x100xi32, #tpu.memory_space<vmem>>
          %dma_start3A_324 = tpu.memref_squeeze %dma_start3A_323 : memref<1x100xi32, #tpu.memory_space<vmem>> -> memref<100xi32, #tpu.memory_space<vmem>>
          %dma_start3A_325 = arith.constant 0 : i32
          %dma_start3A_326 = tpu.memref_slice %arg2[%add3A_307, %dma_start3A_325] : memref<2048x100xi32, #tpu.memory_space<hbm>> -> memref<1x100xi32, #tpu.memory_space<hbm>>
          %dma_start3A_327 = tpu.memref_squeeze %dma_start3A_326 : memref<1x100xi32, #tpu.memory_space<hbm>> -> memref<100xi32, #tpu.memory_space<hbm>>
          %dma_start3A_328 = arith.constant 0 : i32
          %dma_start3A_329 = tpu.memref_slice %arg12[%run_scoped3A_308, %dma_start3A_328] : memref<2x100xi32, #tpu.memory_space<vmem>> -> memref<1x100xi32, #tpu.memory_space<vmem>>
          %dma_start3A_330 = tpu.memref_squeeze %dma_start3A_329 : memref<1x100xi32, #tpu.memory_space<vmem>> -> memref<100xi32, #tpu.memory_space<vmem>>
          %dma_start3A_331 = arith.constant 0 : i32
          %dma_start3A_332 = tpu.memref_slice %arg2[%add3A_307, %dma_start3A_331] : memref<2048x100xi32, #tpu.memory_space<hbm>> -> memref<1x100xi32, #tpu.memory_space<hbm>>
          %dma_start3A_333 = tpu.memref_squeeze %dma_start3A_332 : memref<1x100xi32, #tpu.memory_space<hbm>> -> memref<100xi32, #tpu.memory_space<hbm>>
          tpu.enqueue_dma source(%dma_start3A_333 : memref<100xi32, #tpu.memory_space<hbm>>) target(%dma_start3A_330 : memref<100xi32, #tpu.memory_space<vmem>>) target_semaphore(%run_scoped3A_321 : memref<!tpu.dma_semaphore, #tpu.memory_space<semaphore_mem>>)
          %dma_wait3A_334 = arith.constant 0 : i32
          %dma_wait3A_335 = tpu.memref_slice %arg12[%run_scoped3A_308, %dma_wait3A_334] : memref<2x100xi32, #tpu.memory_space<vmem>> -> memref<1x100xi32, #tpu.memory_space<vmem>>
          %dma_wait3A_336 = tpu.memref_squeeze %dma_wait3A_335 : memref<1x100xi32, #tpu.memory_space<vmem>> -> memref<100xi32, #tpu.memory_space<vmem>>
          %dma_wait3A_337 = arith.constant 0 : i32
          %dma_wait3A_338 = tpu.memref_slice %arg2[%add3A_307, %dma_wait3A_337] : memref<2048x100xi32, #tpu.memory_space<hbm>> -> memref<1x100xi32, #tpu.memory_space<hbm>>
          %dma_wait3A_339 = tpu.memref_squeeze %dma_wait3A_338 : memref<1x100xi32, #tpu.memory_space<hbm>> -> memref<100xi32, #tpu.memory_space<hbm>>
          %dma_wait3A_340 = arith.constant 0 : i32
          %dma_wait3A_341 = tpu.memref_slice %arg12[%run_scoped3A_308, %dma_wait3A_340] : memref<2x100xi32, #tpu.memory_space<vmem>> -> memref<1x100xi32, #tpu.memory_space<vmem>>
          %dma_wait3A_342 = tpu.memref_squeeze %dma_wait3A_341 : memref<1x100xi32, #tpu.memory_space<vmem>> -> memref<100xi32, #tpu.memory_space<vmem>>
          %dma_wait3A_343 = arith.constant 0 : i32
          %dma_wait3A_344 = tpu.memref_slice %arg2[%add3A_307, %dma_wait3A_343] : memref<2048x100xi32, #tpu.memory_space<hbm>> -> memref<1x100xi32, #tpu.memory_space<hbm>>
          %dma_wait3A_345 = tpu.memref_squeeze %dma_wait3A_344 : memref<1x100xi32, #tpu.memory_space<hbm>> -> memref<100xi32, #tpu.memory_space<hbm>>
          tpu.wait_dma2 semaphore(%run_scoped3A_321 : memref<!tpu.dma_semaphore, #tpu.memory_space<semaphore_mem>>) src(%dma_wait3A_345 : memref<100xi32, #tpu.memory_space<hbm>>) dst(%dma_wait3A_342 : memref<100xi32, #tpu.memory_space<vmem>>)
          tpu.yield
        }) : () -> ()
        %dma_start3A_309 = arith.constant 0 : i32
        %dma_start3A_310 = arith.constant 0 : i32
        %dma_start3A_311 = arith.constant 0 : i32
        %dma_start3A_312 = arith.constant 0 : i32
        %dma_start3A_313 = tpu.memref_slice %arg10[%dma_start3A_310, %dma_start3A_311, %dma_start3A_312] : memref<2x100x128xf32, #tpu.memory_space<vmem>> -> memref<1x100x128xf32, #tpu.memory_space<vmem>>
        %dma_start3A_314 = tpu.memref_squeeze %dma_start3A_313 : memref<1x100x128xf32, #tpu.memory_space<vmem>> -> memref<100x128xf32, #tpu.memory_space<vmem>>
        %dma_start3A_315 = arith.constant 0 : i32
        %dma_start3A_316 = tpu.memref_slice %arg12[%dma_start3A_309, %dma_start3A_315] : memref<2x100xi32, #tpu.memory_space<vmem>> -> memref<1x100xi32, #tpu.memory_space<vmem>>
        %dma_start3A_317 = tpu.memref_squeeze %dma_start3A_316 : memref<1x100xi32, #tpu.memory_space<vmem>> -> memref<100xi32, #tpu.memory_space<vmem>>
        %dma_start3A_318 = arith.constant 0 : i32
        %dma_start3A_319 = arith.constant 0 : i32
        %dma_start3A_320 = tpu.memref_slice %arg3[%dma_start3A_318, %dma_start3A_319] : memref<1000000x128xf32, #tpu.memory_space<hbm>> -> memref<1000000x128xf32, #tpu.memory_space<hbm>>
        tpu.enqueue_indirect_dma source(%dma_start3A_320 : memref<1000000x128xf32, #tpu.memory_space<hbm>>) target(%dma_start3A_314 : memref<100x128xf32, #tpu.memory_space<vmem>>) offsets(%dma_start3A_317 : memref<100xi32, #tpu.memory_space<vmem>>) semaphore(%arg15 : memref<!tpu.dma_semaphore, #tpu.memory_space<semaphore_mem>>)
      } else {
      }
      %mul3A_255 = arith.constant 2 : i32
      %mul3A_256 = arith.muli %mul3A_255, %scan3A_208 : i32
      %add3A_257 = arith.constant 1 : i32
      %add3A_258 = arith.addi %mul3A_256, %add3A_257 : i32
      %add3A_259 = arith.addi %mul3A_2, %add3A_258 : i32
      %dma_wait3A_260 = arith.constant 1 : i32
      %dma_wait3A_261 = arith.constant 1 : i32
      %dma_wait3A_262 = arith.constant 0 : i32
      %dma_wait3A_263 = arith.constant 0 : i32
      %dma_wait3A_264 = tpu.memref_slice %arg10[%dma_wait3A_261, %dma_wait3A_262, %dma_wait3A_263] : memref<2x100x128xf32, #tpu.memory_space<vmem>> -> memref<1x100x128xf32, #tpu.memory_space<vmem>>
      %dma_wait3A_265 = tpu.memref_squeeze %dma_wait3A_264 : memref<1x100x128xf32, #tpu.memory_space<vmem>> -> memref<100x128xf32, #tpu.memory_space<vmem>>
      %dma_wait3A_266 = arith.constant 0 : i32
      %dma_wait3A_267 = tpu.memref_slice %arg12[%dma_wait3A_260, %dma_wait3A_266] : memref<2x100xi32, #tpu.memory_space<vmem>> -> memref<1x100xi32, #tpu.memory_space<vmem>>
      %dma_wait3A_268 = tpu.memref_squeeze %dma_wait3A_267 : memref<1x100xi32, #tpu.memory_space<vmem>> -> memref<100xi32, #tpu.memory_space<vmem>>
      %dma_wait3A_269 = arith.constant 0 : i32
      %dma_wait3A_270 = arith.constant 0 : i32
      %dma_wait3A_271 = tpu.memref_slice %arg3[%dma_wait3A_269, %dma_wait3A_270] : memref<1000000x128xf32, #tpu.memory_space<hbm>> -> memref<1000000x128xf32, #tpu.memory_space<hbm>>
      tpu.wait_indirect_dma semaphore(%arg16 : memref<!tpu.dma_semaphore, #tpu.memory_space<semaphore_mem>>) src(%dma_wait3A_271 : memref<1000000x128xf32, #tpu.memory_space<hbm>>) dst(%dma_wait3A_265 : memref<100x128xf32, #tpu.memory_space<vmem>>)
      %gt3A_272 = arith.constant 0 : i32
      %gt3A_273 = arith.cmpi sgt, %scan3A_208, %gt3A_272 : i32
      %convert_element_type3A_274 = arith.extui %gt3A_273 : i1 to i32
      %cond3A_275 = arith.constant 0 : i32
      %cond3A_276 = arith.cmpi ne, %convert_element_type3A_274, %cond3A_275 : i32
      scf.if %cond3A_276 {
        %sub3A_305 = arith.constant 2 : i32
        %sub3A_306 = arith.subi %add3A_259, %sub3A_305 : i32
        %dma_wait3A_307 = arith.constant 1 : i32
        %dma_wait3A_308 = arith.constant 0 : i32
        %dma_wait3A_309 = arith.constant 0 : i32
        %dma_wait3A_310 = tpu.memref_slice %arg11[%dma_wait3A_307, %dma_wait3A_308, %dma_wait3A_309] : memref<2x100x128xf32, #tpu.memory_space<vmem>> -> memref<1x100x128xf32, #tpu.memory_space<vmem>>
        %dma_wait3A_311 = tpu.memref_squeeze %dma_wait3A_310 : memref<1x100x128xf32, #tpu.memory_space<vmem>> -> memref<100x128xf32, #tpu.memory_space<vmem>>
        %dma_wait3A_312 = arith.constant 0 : i32
        %dma_wait3A_313 = arith.constant 0 : i32
        %dma_wait3A_314 = tpu.memref_slice %arg8[%sub3A_306, %dma_wait3A_312, %dma_wait3A_313] : memref<2048x100x128xf32, #tpu.memory_space<hbm>> -> memref<1x100x128xf32, #tpu.memory_space<hbm>>
        %dma_wait3A_315 = tpu.memref_squeeze %dma_wait3A_314 : memref<1x100x128xf32, #tpu.memory_space<hbm>> -> memref<100x128xf32, #tpu.memory_space<hbm>>
        %dma_wait3A_316 = arith.constant 0 : i32
        %dma_wait3A_317 = arith.constant 0 : i32
        %dma_wait3A_318 = tpu.memref_slice %arg8[%sub3A_306, %dma_wait3A_316, %dma_wait3A_317] : memref<2048x100x128xf32, #tpu.memory_space<hbm>> -> memref<1x100x128xf32, #tpu.memory_space<hbm>>
        %dma_wait3A_319 = tpu.memref_squeeze %dma_wait3A_318 : memref<1x100x128xf32, #tpu.memory_space<hbm>> -> memref<100x128xf32, #tpu.memory_space<hbm>>
        %dma_wait3A_320 = arith.constant 0 : i32
        %dma_wait3A_321 = arith.constant 0 : i32
        %dma_wait3A_322 = tpu.memref_slice %arg11[%dma_wait3A_307, %dma_wait3A_320, %dma_wait3A_321] : memref<2x100x128xf32, #tpu.memory_space<vmem>> -> memref<1x100x128xf32, #tpu.memory_space<vmem>>
        %dma_wait3A_323 = tpu.memref_squeeze %dma_wait3A_322 : memref<1x100x128xf32, #tpu.memory_space<vmem>> -> memref<100x128xf32, #tpu.memory_space<vmem>>
        tpu.wait_dma2 semaphore(%arg18 : memref<!tpu.dma_semaphore, #tpu.memory_space<semaphore_mem>>) src(%dma_wait3A_323 : memref<100x128xf32, #tpu.memory_space<vmem>>) dst(%dma_wait3A_319 : memref<100x128xf32, #tpu.memory_space<hbm>>)
      } else {
      }
      %scan3A_277 = arith.constant 0 : i32
      %scan3A_278 = arith.constant 0 : i32
      %scan3A_279 = arith.constant 50 : i32
      %scan3A_280 = arith.addi %scan3A_278, %scan3A_279 : i32
      %scan3A_281 = arith.constant 1 : i32
      scf.for %scan3A_305 = %scan3A_278 to %scan3A_280 step %scan3A_281  : i32 {
        %mul3A_306 = arith.constant 2 : i32
        %mul3A_307 = arith.muli %mul3A_306, %scan3A_305 : i32
        %add3A_308 = arith.constant 0 : i32
        %add3A_309 = arith.addi %mul3A_307, %add3A_308 : i32
        %get3A_310 = arith.constant 1 : i32
        %get3A_311 = arith.index_cast %get3A_310 : i32 to index
        %get3A_312 = arith.index_cast %add3A_309 : i32 to index
        %get3A_313 = arith.constant 0 : index
        %get3A_314 = tpu.vector_load %arg10[%get3A_311, %get3A_312, %get3A_313] {strides = array<i32>} : memref<2x100x128xf32, #tpu.memory_space<vmem>>, vector<1x1x16xf32>,
        %get3A_315 = vector.shape_cast %get3A_314 : vector<1x1x16xf32> to vector<16xf32>
        %add3A_316 = arith.constant 100 : i32
        %add3A_317 = arith.addi %add3A_316, %add3A_309 : i32
        %get3A_318 = arith.index_cast %add3A_317 : i32 to index
        %get3A_319 = arith.constant 0 : index
        %get3A_320 = tpu.vector_load %arg9[%get3A_318, %get3A_319] {strides = array<i32>} : memref<200x128xf32, #tpu.memory_space<vmem>>, vector<1x16xf32>,
        %get3A_321 = vector.shape_cast %get3A_320 : vector<1x16xf32> to vector<16xf32>
        %add3A_322 = arith.addf %get3A_315, %get3A_321 : vector<16xf32>
        %get3A_323 = arith.constant 1 : i32
        %get3A_324 = arith.index_cast %get3A_323 : i32 to index
        %get3A_325 = arith.index_cast %add3A_309 : i32 to index
        %get3A_326 = arith.constant 16 : index
        %get3A_327 = tpu.vector_load %arg10[%get3A_324, %get3A_325, %get3A_326] {strides = array<i32>} : memref<2x100x128xf32, #tpu.memory_space<vmem>>, vector<1x1x16xf32>,
        %get3A_328 = vector.shape_cast %get3A_327 : vector<1x1x16xf32> to vector<16xf32>
        %add3A_329 = arith.constant 100 : i32
        %add3A_330 = arith.addi %add3A_329, %add3A_309 : i32
        %get3A_331 = arith.index_cast %add3A_330 : i32 to index
        %get3A_332 = arith.constant 16 : index
        %get3A_333 = tpu.vector_load %arg9[%get3A_331, %get3A_332] {strides = array<i32>} : memref<200x128xf32, #tpu.memory_space<vmem>>, vector<1x16xf32>,
        %get3A_334 = vector.shape_cast %get3A_333 : vector<1x16xf32> to vector<16xf32>
        %add3A_335 = arith.addf %get3A_328, %get3A_334 : vector<16xf32>
        %get3A_336 = arith.constant 1 : i32
        %get3A_337 = arith.index_cast %get3A_336 : i32 to index
        %get3A_338 = arith.index_cast %add3A_309 : i32 to index
        %get3A_339 = arith.constant 32 : index
        %get3A_340 = tpu.vector_load %arg10[%get3A_337, %get3A_338, %get3A_339] {strides = array<i32>} : memref<2x100x128xf32, #tpu.memory_space<vmem>>, vector<1x1x16xf32>,
        %get3A_341 = vector.shape_cast %get3A_340 : vector<1x1x16xf32> to vector<16xf32>
        %add3A_342 = arith.constant 100 : i32
        %add3A_343 = arith.addi %add3A_342, %add3A_309 : i32
        %get3A_344 = arith.index_cast %add3A_343 : i32 to index
        %get3A_345 = arith.constant 32 : index
        %get3A_346 = tpu.vector_load %arg9[%get3A_344, %get3A_345] {strides = array<i32>} : memref<200x128xf32, #tpu.memory_space<vmem>>, vector<1x16xf32>,
        %get3A_347 = vector.shape_cast %get3A_346 : vector<1x16xf32> to vector<16xf32>
        %add3A_348 = arith.addf %get3A_341, %get3A_347 : vector<16xf32>
        %get3A_349 = arith.constant 1 : i32
        %get3A_350 = arith.index_cast %get3A_349 : i32 to index
        %get3A_351 = arith.index_cast %add3A_309 : i32 to index
        %get3A_352 = arith.constant 48 : index
        %get3A_353 = tpu.vector_load %arg10[%get3A_350, %get3A_351, %get3A_352] {strides = array<i32>} : memref<2x100x128xf32, #tpu.memory_space<vmem>>, vector<1x1x16xf32>,
        %get3A_354 = vector.shape_cast %get3A_353 : vector<1x1x16xf32> to vector<16xf32>
        %add3A_355 = arith.constant 100 : i32
        %add3A_356 = arith.addi %add3A_355, %add3A_309 : i32
        %get3A_357 = arith.index_cast %add3A_356 : i32 to index
        %get3A_358 = arith.constant 48 : index
        %get3A_359 = tpu.vector_load %arg9[%get3A_357, %get3A_358] {strides = array<i32>} : memref<200x128xf32, #tpu.memory_space<vmem>>, vector<1x16xf32>,
        %get3A_360 = vector.shape_cast %get3A_359 : vector<1x16xf32> to vector<16xf32>
        %add3A_361 = arith.addf %get3A_354, %get3A_360 : vector<16xf32>
        %get3A_362 = arith.constant 1 : i32
        %get3A_363 = arith.index_cast %get3A_362 : i32 to index
        %get3A_364 = arith.index_cast %add3A_309 : i32 to index
        %get3A_365 = arith.constant 64 : index
        %get3A_366 = tpu.vector_load %arg10[%get3A_363, %get3A_364, %get3A_365] {strides = array<i32>} : memref<2x100x128xf32, #tpu.memory_space<vmem>>, vector<1x1x16xf32>,
        %get3A_367 = vector.shape_cast %get3A_366 : vector<1x1x16xf32> to vector<16xf32>
        %add3A_368 = arith.constant 100 : i32
        %add3A_369 = arith.addi %add3A_368, %add3A_309 : i32
        %get3A_370 = arith.index_cast %add3A_369 : i32 to index
        %get3A_371 = arith.constant 64 : index
        %get3A_372 = tpu.vector_load %arg9[%get3A_370, %get3A_371] {strides = array<i32>} : memref<200x128xf32, #tpu.memory_space<vmem>>, vector<1x16xf32>,
        %get3A_373 = vector.shape_cast %get3A_372 : vector<1x16xf32> to vector<16xf32>
        %add3A_374 = arith.addf %get3A_367, %get3A_373 : vector<16xf32>
        %get3A_375 = arith.constant 1 : i32
        %get3A_376 = arith.index_cast %get3A_375 : i32 to index
        %get3A_377 = arith.index_cast %add3A_309 : i32 to index
        %get3A_378 = arith.constant 80 : index
        %get3A_379 = tpu.vector_load %arg10[%get3A_376, %get3A_377, %get3A_378] {strides = array<i32>} : memref<2x100x128xf32, #tpu.memory_space<vmem>>, vector<1x1x16xf32>,
        %get3A_380 = vector.shape_cast %get3A_379 : vector<1x1x16xf32> to vector<16xf32>
        %add3A_381 = arith.constant 100 : i32
        %add3A_382 = arith.addi %add3A_381, %add3A_309 : i32
        %get3A_383 = arith.index_cast %add3A_382 : i32 to index
        %get3A_384 = arith.constant 80 : index
        %get3A_385 = tpu.vector_load %arg9[%get3A_383, %get3A_384] {strides = array<i32>} : memref<200x128xf32, #tpu.memory_space<vmem>>, vector<1x16xf32>,
        %get3A_386 = vector.shape_cast %get3A_385 : vector<1x16xf32> to vector<16xf32>
        %add3A_387 = arith.addf %get3A_380, %get3A_386 : vector<16xf32>
        %get3A_388 = arith.constant 1 : i32
        %get3A_389 = arith.index_cast %get3A_388 : i32 to index
        %get3A_390 = arith.index_cast %add3A_309 : i32 to index
        %get3A_391 = arith.constant 96 : index
        %get3A_392 = tpu.vector_load %arg10[%get3A_389, %get3A_390, %get3A_391] {strides = array<i32>} : memref<2x100x128xf32, #tpu.memory_space<vmem>>, vector<1x1x16xf32>,
        %get3A_393 = vector.shape_cast %get3A_392 : vector<1x1x16xf32> to vector<16xf32>
        %add3A_394 = arith.constant 100 : i32
        %add3A_395 = arith.addi %add3A_394, %add3A_309 : i32
        %get3A_396 = arith.index_cast %add3A_395 : i32 to index
        %get3A_397 = arith.constant 96 : index
        %get3A_398 = tpu.vector_load %arg9[%get3A_396, %get3A_397] {strides = array<i32>} : memref<200x128xf32, #tpu.memory_space<vmem>>, vector<1x16xf32>,
        %get3A_399 = vector.shape_cast %get3A_398 : vector<1x16xf32> to vector<16xf32>
        %add3A_400 = arith.addf %get3A_393, %get3A_399 : vector<16xf32>
        %get3A_401 = arith.constant 1 : i32
        %get3A_402 = arith.index_cast %get3A_401 : i32 to index
        %get3A_403 = arith.index_cast %add3A_309 : i32 to index
        %get3A_404 = arith.constant 112 : index
        %get3A_405 = tpu.vector_load %arg10[%get3A_402, %get3A_403, %get3A_404] {strides = array<i32>} : memref<2x100x128xf32, #tpu.memory_space<vmem>>, vector<1x1x16xf32>,
        %get3A_406 = vector.shape_cast %get3A_405 : vector<1x1x16xf32> to vector<16xf32>
        %add3A_407 = arith.constant 100 : i32
        %add3A_408 = arith.addi %add3A_407, %add3A_309 : i32
        %get3A_409 = arith.index_cast %add3A_408 : i32 to index
        %get3A_410 = arith.constant 112 : index
        %get3A_411 = tpu.vector_load %arg9[%get3A_409, %get3A_410] {strides = array<i32>} : memref<200x128xf32, #tpu.memory_space<vmem>>, vector<1x16xf32>,
        %get3A_412 = vector.shape_cast %get3A_411 : vector<1x16xf32> to vector<16xf32>
        %add3A_413 = arith.addf %get3A_406, %get3A_412 : vector<16xf32>
        %add3A_414 = arith.addf %add3A_322, %add3A_335 : vector<16xf32>
        %add3A_415 = arith.addf %add3A_348, %add3A_361 : vector<16xf32>
        %add3A_416 = arith.addf %add3A_374, %add3A_387 : vector<16xf32>
        %add3A_417 = arith.addf %add3A_400, %add3A_413 : vector<16xf32>
        %add3A_418 = arith.addf %add3A_414, %add3A_415 : vector<16xf32>
        %add3A_419 = arith.addf %add3A_416, %add3A_417 : vector<16xf32>
        %add3A_420 = arith.addf %add3A_418, %add3A_419 : vector<16xf32>
        %mul3A_421 = arith.mulf %add3A_322, %add3A_322 : vector<16xf32>
        %mul3A_422 = arith.mulf %add3A_335, %add3A_335 : vector<16xf32>
        %mul3A_423 = arith.mulf %add3A_348, %add3A_348 : vector<16xf32>
        %mul3A_424 = arith.mulf %add3A_361, %add3A_361 : vector<16xf32>
        %mul3A_425 = arith.mulf %add3A_374, %add3A_374 : vector<16xf32>
        %mul3A_426 = arith.mulf %add3A_387, %add3A_387 : vector<16xf32>
        %mul3A_427 = arith.mulf %add3A_400, %add3A_400 : vector<16xf32>
        %mul3A_428 = arith.mulf %add3A_413, %add3A_413 : vector<16xf32>
        %add3A_429 = arith.addf %mul3A_421, %mul3A_422 : vector<16xf32>
        %add3A_430 = arith.addf %mul3A_423, %mul3A_424 : vector<16xf32>
        %add3A_431 = arith.addf %mul3A_425, %mul3A_426 : vector<16xf32>
        %add3A_432 = arith.addf %mul3A_427, %mul3A_428 : vector<16xf32>
        %add3A_433 = arith.addf %add3A_429, %add3A_430 : vector<16xf32>
        %add3A_434 = arith.addf %add3A_431, %add3A_432 : vector<16xf32>
        %add3A_435 = arith.addf %add3A_433, %add3A_434 : vector<16xf32>
        %iota3A = tpu.iota {dimensions = array<i32: 0>} : vector<16xi32>
        %xor3A = arith.constant 1 : i32
        %xor3A_436 = vector.broadcast %xor3A : i32 to vector<16xi32>
        %xor3A_437 = arith.xori %iota3A, %xor3A_436 : vector<16xi32>
        %broadcast_in_dim3A = vector.shape_cast %xor3A_437 : vector<16xi32> to vector<16x1xi32>
        %gather3A = vector.shape_cast %broadcast_in_dim3A : vector<16x1xi32> to vector<16xi32>
        %gather3A_438 = tpu.dynamic_gather %add3A_420[%gather3A] in [0] : vector<16xf32>, vector<16xi32> -> vector<16xf32>
        %add3A_439 = arith.addf %add3A_420, %gather3A_438 : vector<16xf32>
        %iota3A_440 = tpu.iota {dimensions = array<i32: 0>} : vector<16xi32>
        %xor3A_441 = arith.constant 2 : i32
        %xor3A_442 = vector.broadcast %xor3A_441 : i32 to vector<16xi32>
        %xor3A_443 = arith.xori %iota3A_440, %xor3A_442 : vector<16xi32>
        %broadcast_in_dim3A_444 = vector.shape_cast %xor3A_443 : vector<16xi32> to vector<16x1xi32>
        %gather3A_445 = vector.shape_cast %broadcast_in_dim3A_444 : vector<16x1xi32> to vector<16xi32>
        %gather3A_446 = tpu.dynamic_gather %add3A_439[%gather3A_445] in [0] : vector<16xf32>, vector<16xi32> -> vector<16xf32>
        %add3A_447 = arith.addf %add3A_439, %gather3A_446 : vector<16xf32>
        %iota3A_448 = tpu.iota {dimensions = array<i32: 0>} : vector<16xi32>
        %xor3A_449 = arith.constant 4 : i32
        %xor3A_450 = vector.broadcast %xor3A_449 : i32 to vector<16xi32>
        %xor3A_451 = arith.xori %iota3A_448, %xor3A_450 : vector<16xi32>
        %broadcast_in_dim3A_452 = vector.shape_cast %xor3A_451 : vector<16xi32> to vector<16x1xi32>
        %gather3A_453 = vector.shape_cast %broadcast_in_dim3A_452 : vector<16x1xi32> to vector<16xi32>
        %gather3A_454 = tpu.dynamic_gather %add3A_447[%gather3A_453] in [0] : vector<16xf32>, vector<16xi32> -> vector<16xf32>
        %add3A_455 = arith.addf %add3A_447, %gather3A_454 : vector<16xf32>
        %iota3A_456 = tpu.iota {dimensions = array<i32: 0>} : vector<16xi32>
        %xor3A_457 = arith.constant 8 : i32
        %xor3A_458 = vector.broadcast %xor3A_457 : i32 to vector<16xi32>
        %xor3A_459 = arith.xori %iota3A_456, %xor3A_458 : vector<16xi32>
        %broadcast_in_dim3A_460 = vector.shape_cast %xor3A_459 : vector<16xi32> to vector<16x1xi32>
        %gather3A_461 = vector.shape_cast %broadcast_in_dim3A_460 : vector<16x1xi32> to vector<16xi32>
        %gather3A_462 = tpu.dynamic_gather %add3A_455[%gather3A_461] in [0] : vector<16xf32>, vector<16xi32> -> vector<16xf32>
        %add3A_463 = arith.addf %add3A_455, %gather3A_462 : vector<16xf32>
        %iota3A_464 = tpu.iota {dimensions = array<i32: 0>} : vector<16xi32>
        %xor3A_465 = arith.constant 1 : i32
        %xor3A_466 = vector.broadcast %xor3A_465 : i32 to vector<16xi32>
        %xor3A_467 = arith.xori %iota3A_464, %xor3A_466 : vector<16xi32>
        %broadcast_in_dim3A_468 = vector.shape_cast %xor3A_467 : vector<16xi32> to vector<16x1xi32>
        %gather3A_469 = vector.shape_cast %broadcast_in_dim3A_468 : vector<16x1xi32> to vector<16xi32>
        %gather3A_470 = tpu.dynamic_gather %add3A_435[%gather3A_469] in [0] : vector<16xf32>, vector<16xi32> -> vector<16xf32>
        %add3A_471 = arith.addf %add3A_435, %gather3A_470 : vector<16xf32>
        %iota3A_472 = tpu.iota {dimensions = array<i32: 0>} : vector<16xi32>
        %xor3A_473 = arith.constant 2 : i32
        %xor3A_474 = vector.broadcast %xor3A_473 : i32 to vector<16xi32>
        %xor3A_475 = arith.xori %iota3A_472, %xor3A_474 : vector<16xi32>
        %broadcast_in_dim3A_476 = vector.shape_cast %xor3A_475 : vector<16xi32> to vector<16x1xi32>
        %gather3A_477 = vector.shape_cast %broadcast_in_dim3A_476 : vector<16x1xi32> to vector<16xi32>
        %gather3A_478 = tpu.dynamic_gather %add3A_471[%gather3A_477] in [0] : vector<16xf32>, vector<16xi32> -> vector<16xf32>
        %add3A_479 = arith.addf %add3A_471, %gather3A_478 : vector<16xf32>
        %iota3A_480 = tpu.iota {dimensions = array<i32: 0>} : vector<16xi32>
        %xor3A_481 = arith.constant 4 : i32
        %xor3A_482 = vector.broadcast %xor3A_481 : i32 to vector<16xi32>
        %xor3A_483 = arith.xori %iota3A_480, %xor3A_482 : vector<16xi32>
        %broadcast_in_dim3A_484 = vector.shape_cast %xor3A_483 : vector<16xi32> to vector<16x1xi32>
        %gather3A_485 = vector.shape_cast %broadcast_in_dim3A_484 : vector<16x1xi32> to vector<16xi32>
        %gather3A_486 = tpu.dynamic_gather %add3A_479[%gather3A_485] in [0] : vector<16xf32>, vector<16xi32> -> vector<16xf32>
        %add3A_487 = arith.addf %add3A_479, %gather3A_486 : vector<16xf32>
        %iota3A_488 = tpu.iota {dimensions = array<i32: 0>} : vector<16xi32>
        %xor3A_489 = arith.constant 8 : i32
        %xor3A_490 = vector.broadcast %xor3A_489 : i32 to vector<16xi32>
        %xor3A_491 = arith.xori %iota3A_488, %xor3A_490 : vector<16xi32>
        %broadcast_in_dim3A_492 = vector.shape_cast %xor3A_491 : vector<16xi32> to vector<16x1xi32>
        %gather3A_493 = vector.shape_cast %broadcast_in_dim3A_492 : vector<16x1xi32> to vector<16xi32>
        %gather3A_494 = tpu.dynamic_gather %add3A_487[%gather3A_493] in [0] : vector<16xf32>, vector<16xi32> -> vector<16xf32>
        %add3A_495 = arith.addf %add3A_487, %gather3A_494 : vector<16xf32>
        %mul3A_496 = vector.broadcast %scan3A_158 : f32 to vector<16xf32>
        %mul3A_497 = arith.mulf %add3A_463, %mul3A_496 : vector<16xf32>
        %mul3A_498 = vector.broadcast %scan3A_158 : f32 to vector<16xf32>
        %mul3A_499 = arith.mulf %add3A_495, %mul3A_498 : vector<16xf32>
        %mul3A_500 = arith.mulf %mul3A_497, %mul3A_497 : vector<16xf32>
        %sub3A_501 = arith.subf %mul3A_499, %mul3A_500 : vector<16xf32>
        %add3A_502 = arith.constant 9.99999996E-13 : f32
        %add3A_503 = vector.broadcast %add3A_502 : f32 to vector<16xf32>
        %add3A_504 = arith.addf %sub3A_501, %add3A_503 : vector<16xf32>
        %bitcast_convert_type3A = tpu.bitcast %add3A_504 : vector<16xf32> -> vector<16xi32>
        %shift_right_arithmetic3A = arith.constant 1 : i32
        %shift_right_arithmetic3A_505 = vector.broadcast %shift_right_arithmetic3A : i32 to vector<16xi32>
        %shift_right_arithmetic3A_506 = arith.shrsi %bitcast_convert_type3A, %shift_right_arithmetic3A_505 : vector<16xi32>
        %sub3A_507 = arith.constant 1597463007 : i32
        %sub3A_508 = vector.broadcast %sub3A_507 : i32 to vector<16xi32>
        %sub3A_509 = arith.subi %sub3A_508, %shift_right_arithmetic3A_506 : vector<16xi32>
        %bitcast_convert_type3A_510 = tpu.bitcast %sub3A_509 : vector<16xi32> -> vector<16xf32>
        %mul3A_511 = arith.constant 5.000000e-01 : f32
        %mul3A_512 = vector.broadcast %mul3A_511 : f32 to vector<16xf32>
        %mul3A_513 = arith.mulf %mul3A_512, %add3A_504 : vector<16xf32>
        %mul3A_514 = arith.mulf %mul3A_513, %bitcast_convert_type3A_510 : vector<16xf32>
        %mul3A_515 = arith.mulf %mul3A_514, %bitcast_convert_type3A_510 : vector<16xf32>
        %sub3A_516 = arith.constant 1.500000e+00 : f32
        %sub3A_517 = vector.broadcast %sub3A_516 : f32 to vector<16xf32>
        %sub3A_518 = arith.subf %sub3A_517, %mul3A_515 : vector<16xf32>
        %mul3A_519 = arith.mulf %bitcast_convert_type3A_510, %sub3A_518 : vector<16xf32>
        %mul3A_520 = arith.mulf %mul3A_513, %mul3A_519 : vector<16xf32>
        %mul3A_521 = arith.mulf %mul3A_520, %mul3A_519 : vector<16xf32>
        %sub3A_522 = arith.constant 1.500000e+00 : f32
        %sub3A_523 = vector.broadcast %sub3A_522 : f32 to vector<16xf32>
        %sub3A_524 = arith.subf %sub3A_523, %mul3A_521 : vector<16xf32>
        %mul3A_525 = arith.mulf %mul3A_519, %sub3A_524 : vector<16xf32>
        %mul3A_526 = arith.mulf %mul3A_513, %mul3A_525 : vector<16xf32>
        %mul3A_527 = arith.mulf %mul3A_526, %mul3A_525 : vector<16xf32>
        %sub3A_528 = arith.constant 1.500000e+00 : f32
        %sub3A_529 = vector.broadcast %sub3A_528 : f32 to vector<16xf32>
        %sub3A_530 = arith.subf %sub3A_529, %mul3A_527 : vector<16xf32>
        %mul3A_531 = arith.mulf %mul3A_525, %sub3A_530 : vector<16xf32>
        %sub3A_532 = arith.subf %add3A_322, %mul3A_497 : vector<16xf32>
        %mul3A_533 = arith.mulf %get3A_52, %mul3A_531 : vector<16xf32>
        %mul3A_534 = arith.mulf %sub3A_532, %mul3A_533 : vector<16xf32>
        %add3A_535 = arith.addf %mul3A_534, %get3A_92 : vector<16xf32>
        %swap3A = arith.constant 1 : i32
        %swap3A_536 = arith.index_cast %swap3A : i32 to index
        %swap3A_537 = arith.index_cast %add3A_309 : i32 to index
        %swap3A_538 = arith.constant 0 : index
        %swap3A_539 = tpu.vector_load %arg11[%swap3A_536, %swap3A_537, %swap3A_538] {strides = array<i32>} : memref<2x100x128xf32, #tpu.memory_space<vmem>>, vector<1x1x16xf32>,
        %swap3A_540 = vector.shape_cast %swap3A_539 : vector<1x1x16xf32> to vector<16xf32>
        %swap3A_541 = vector.shape_cast %add3A_535 : vector<16xf32> to vector<1x1x16xf32>
        tpu.vector_store %arg11[%swap3A_536, %swap3A_537, %swap3A_538], %swap3A_541 {strides = array<i32>} : memref<2x100x128xf32, #tpu.memory_space<vmem>>, vector<1x1x16xf32>,
        %sub3A_542 = arith.subf %add3A_335, %mul3A_497 : vector<16xf32>
        %mul3A_543 = arith.mulf %get3A_57, %mul3A_531 : vector<16xf32>
        %mul3A_544 = arith.mulf %sub3A_542, %mul3A_543 : vector<16xf32>
        %add3A_545 = arith.addf %mul3A_544, %get3A_97 : vector<16xf32>
        %swap3A_546 = arith.constant 1 : i32
        %swap3A_547 = arith.index_cast %swap3A_546 : i32 to index
        %swap3A_548 = arith.index_cast %add3A_309 : i32 to index
        %swap3A_549 = arith.constant 16 : index
        %swap3A_550 = tpu.vector_load %arg11[%swap3A_547, %swap3A_548, %swap3A_549] {strides = array<i32>} : memref<2x100x128xf32, #tpu.memory_space<vmem>>, vector<1x1x16xf32>,
        %swap3A_551 = vector.shape_cast %swap3A_550 : vector<1x1x16xf32> to vector<16xf32>
        %swap3A_552 = vector.shape_cast %add3A_545 : vector<16xf32> to vector<1x1x16xf32>
        tpu.vector_store %arg11[%swap3A_547, %swap3A_548, %swap3A_549], %swap3A_552 {strides = array<i32>} : memref<2x100x128xf32, #tpu.memory_space<vmem>>, vector<1x1x16xf32>,
        %sub3A_553 = arith.subf %add3A_348, %mul3A_497 : vector<16xf32>
        %mul3A_554 = arith.mulf %get3A_62, %mul3A_531 : vector<16xf32>
        %mul3A_555 = arith.mulf %sub3A_553, %mul3A_554 : vector<16xf32>
        %add3A_556 = arith.addf %mul3A_555, %get3A_102 : vector<16xf32>
        %swap3A_557 = arith.constant 1 : i32
        %swap3A_558 = arith.index_cast %swap3A_557 : i32 to index
        %swap3A_559 = arith.index_cast %add3A_309 : i32 to index
        %swap3A_560 = arith.constant 32 : index
        %swap3A_561 = tpu.vector_load %arg11[%swap3A_558, %swap3A_559, %swap3A_560] {strides = array<i32>} : memref<2x100x128xf32, #tpu.memory_space<vmem>>, vector<1x1x16xf32>,
        %swap3A_562 = vector.shape_cast %swap3A_561 : vector<1x1x16xf32> to vector<16xf32>
        %swap3A_563 = vector.shape_cast %add3A_556 : vector<16xf32> to vector<1x1x16xf32>
        tpu.vector_store %arg11[%swap3A_558, %swap3A_559, %swap3A_560], %swap3A_563 {strides = array<i32>} : memref<2x100x128xf32, #tpu.memory_space<vmem>>, vector<1x1x16xf32>,
        %sub3A_564 = arith.subf %add3A_361, %mul3A_497 : vector<16xf32>
        %mul3A_565 = arith.mulf %get3A_67, %mul3A_531 : vector<16xf32>
        %mul3A_566 = arith.mulf %sub3A_564, %mul3A_565 : vector<16xf32>
        %add3A_567 = arith.addf %mul3A_566, %get3A_107 : vector<16xf32>
        %swap3A_568 = arith.constant 1 : i32
        %swap3A_569 = arith.index_cast %swap3A_568 : i32 to index
        %swap3A_570 = arith.index_cast %add3A_309 : i32 to index
        %swap3A_571 = arith.constant 48 : index
        %swap3A_572 = tpu.vector_load %arg11[%swap3A_569, %swap3A_570, %swap3A_571] {strides = array<i32>} : memref<2x100x128xf32, #tpu.memory_space<vmem>>, vector<1x1x16xf32>,
        %swap3A_573 = vector.shape_cast %swap3A_572 : vector<1x1x16xf32> to vector<16xf32>
        %swap3A_574 = vector.shape_cast %add3A_567 : vector<16xf32> to vector<1x1x16xf32>
        tpu.vector_store %arg11[%swap3A_569, %swap3A_570, %swap3A_571], %swap3A_574 {strides = array<i32>} : memref<2x100x128xf32, #tpu.memory_space<vmem>>, vector<1x1x16xf32>,
        %sub3A_575 = arith.subf %add3A_374, %mul3A_497 : vector<16xf32>
        %mul3A_576 = arith.mulf %get3A_72, %mul3A_531 : vector<16xf32>
        %mul3A_577 = arith.mulf %sub3A_575, %mul3A_576 : vector<16xf32>
        %add3A_578 = arith.addf %mul3A_577, %get3A_112 : vector<16xf32>
        %swap3A_579 = arith.constant 1 : i32
        %swap3A_580 = arith.index_cast %swap3A_579 : i32 to index
        %swap3A_581 = arith.index_cast %add3A_309 : i32 to index
        %swap3A_582 = arith.constant 64 : index
        %swap3A_583 = tpu.vector_load %arg11[%swap3A_580, %swap3A_581, %swap3A_582] {strides = array<i32>} : memref<2x100x128xf32, #tpu.memory_space<vmem>>, vector<1x1x16xf32>,
        %swap3A_584 = vector.shape_cast %swap3A_583 : vector<1x1x16xf32> to vector<16xf32>
        %swap3A_585 = vector.shape_cast %add3A_578 : vector<16xf32> to vector<1x1x16xf32>
        tpu.vector_store %arg11[%swap3A_580, %swap3A_581, %swap3A_582], %swap3A_585 {strides = array<i32>} : memref<2x100x128xf32, #tpu.memory_space<vmem>>, vector<1x1x16xf32>,
        %sub3A_586 = arith.subf %add3A_387, %mul3A_497 : vector<16xf32>
        %mul3A_587 = arith.mulf %get3A_77, %mul3A_531 : vector<16xf32>
        %mul3A_588 = arith.mulf %sub3A_586, %mul3A_587 : vector<16xf32>
        %add3A_589 = arith.addf %mul3A_588, %get3A_117 : vector<16xf32>
        %swap3A_590 = arith.constant 1 : i32
        %swap3A_591 = arith.index_cast %swap3A_590 : i32 to index
        %swap3A_592 = arith.index_cast %add3A_309 : i32 to index
        %swap3A_593 = arith.constant 80 : index
        %swap3A_594 = tpu.vector_load %arg11[%swap3A_591, %swap3A_592, %swap3A_593] {strides = array<i32>} : memref<2x100x128xf32, #tpu.memory_space<vmem>>, vector<1x1x16xf32>,
        %swap3A_595 = vector.shape_cast %swap3A_594 : vector<1x1x16xf32> to vector<16xf32>
        %swap3A_596 = vector.shape_cast %add3A_589 : vector<16xf32> to vector<1x1x16xf32>
        tpu.vector_store %arg11[%swap3A_591, %swap3A_592, %swap3A_593], %swap3A_596 {strides = array<i32>} : memref<2x100x128xf32, #tpu.memory_space<vmem>>, vector<1x1x16xf32>,
        %sub3A_597 = arith.subf %add3A_400, %mul3A_497 : vector<16xf32>
        %mul3A_598 = arith.mulf %get3A_82, %mul3A_531 : vector<16xf32>
        %mul3A_599 = arith.mulf %sub3A_597, %mul3A_598 : vector<16xf32>
        %add3A_600 = arith.addf %mul3A_599, %get3A_122 : vector<16xf32>
        %swap3A_601 = arith.constant 1 : i32
        %swap3A_602 = arith.index_cast %swap3A_601 : i32 to index
        %swap3A_603 = arith.index_cast %add3A_309 : i32 to index
        %swap3A_604 = arith.constant 96 : index
        %swap3A_605 = tpu.vector_load %arg11[%swap3A_602, %swap3A_603, %swap3A_604] {strides = array<i32>} : memref<2x100x128xf32, #tpu.memory_space<vmem>>, vector<1x1x16xf32>,
        %swap3A_606 = vector.shape_cast %swap3A_605 : vector<1x1x16xf32> to vector<16xf32>
        %swap3A_607 = vector.shape_cast %add3A_600 : vector<16xf32> to vector<1x1x16xf32>
        tpu.vector_store %arg11[%swap3A_602, %swap3A_603, %swap3A_604], %swap3A_607 {strides = array<i32>} : memref<2x100x128xf32, #tpu.memory_space<vmem>>, vector<1x1x16xf32>,
        %sub3A_608 = arith.subf %add3A_413, %mul3A_497 : vector<16xf32>
        %mul3A_609 = arith.mulf %get3A_87, %mul3A_531 : vector<16xf32>
        %mul3A_610 = arith.mulf %sub3A_608, %mul3A_609 : vector<16xf32>
        %add3A_611 = arith.addf %mul3A_610, %get3A_127 : vector<16xf32>
        %swap3A_612 = arith.constant 1 : i32
        %swap3A_613 = arith.index_cast %swap3A_612 : i32 to index
        %swap3A_614 = arith.index_cast %add3A_309 : i32 to index
        %swap3A_615 = arith.constant 112 : index
        %swap3A_616 = tpu.vector_load %arg11[%swap3A_613, %swap3A_614, %swap3A_615] {strides = array<i32>} : memref<2x100x128xf32, #tpu.memory_space<vmem>>, vector<1x1x16xf32>,
        %swap3A_617 = vector.shape_cast %swap3A_616 : vector<1x1x16xf32> to vector<16xf32>
        %swap3A_618 = vector.shape_cast %add3A_611 : vector<16xf32> to vector<1x1x16xf32>
        tpu.vector_store %arg11[%swap3A_613, %swap3A_614, %swap3A_615], %swap3A_618 {strides = array<i32>} : memref<2x100x128xf32, #tpu.memory_space<vmem>>, vector<1x1x16xf32>,
        %mul3A_619 = arith.constant 2 : i32
        %mul3A_620 = arith.muli %mul3A_619, %scan3A_305 : i32
        %add3A_621 = arith.constant 1 : i32
        %add3A_622 = arith.addi %mul3A_620, %add3A_621 : i32
        %get3A_623 = arith.constant 1 : i32
        %get3A_624 = arith.index_cast %get3A_623 : i32 to index
        %get3A_625 = arith.index_cast %add3A_622 : i32 to index
        %get3A_626 = arith.constant 0 : index
        %get3A_627 = tpu.vector_load %arg10[%get3A_624, %get3A_625, %get3A_626] {strides = array<i32>} : memref<2x100x128xf32, #tpu.memory_space<vmem>>, vector<1x1x16xf32>,
        %get3A_628 = vector.shape_cast %get3A_627 : vector<1x1x16xf32> to vector<16xf32>
        %add3A_629 = arith.constant 100 : i32
        %add3A_630 = arith.addi %add3A_629, %add3A_622 : i32
        %get3A_631 = arith.index_cast %add3A_630 : i32 to index
        %get3A_632 = arith.constant 0 : index
        %get3A_633 = tpu.vector_load %arg9[%get3A_631, %get3A_632] {strides = array<i32>} : memref<200x128xf32, #tpu.memory_space<vmem>>, vector<1x16xf32>,
        %get3A_634 = vector.shape_cast %get3A_633 : vector<1x16xf32> to vector<16xf32>
        %add3A_635 = arith.addf %get3A_628, %get3A_634 : vector<16xf32>
        %get3A_636 = arith.constant 1 : i32
        %get3A_637 = arith.index_cast %get3A_636 : i32 to index
        %get3A_638 = arith.index_cast %add3A_622 : i32 to index
        %get3A_639 = arith.constant 16 : index
        %get3A_640 = tpu.vector_load %arg10[%get3A_637, %get3A_638, %get3A_639] {strides = array<i32>} : memref<2x100x128xf32, #tpu.memory_space<vmem>>, vector<1x1x16xf32>,
        %get3A_641 = vector.shape_cast %get3A_640 : vector<1x1x16xf32> to vector<16xf32>
        %add3A_642 = arith.constant 100 : i32
        %add3A_643 = arith.addi %add3A_642, %add3A_622 : i32
        %get3A_644 = arith.index_cast %add3A_643 : i32 to index
        %get3A_645 = arith.constant 16 : index
        %get3A_646 = tpu.vector_load %arg9[%get3A_644, %get3A_645] {strides = array<i32>} : memref<200x128xf32, #tpu.memory_space<vmem>>, vector<1x16xf32>,
        %get3A_647 = vector.shape_cast %get3A_646 : vector<1x16xf32> to vector<16xf32>
        %add3A_648 = arith.addf %get3A_641, %get3A_647 : vector<16xf32>
        %get3A_649 = arith.constant 1 : i32
        %get3A_650 = arith.index_cast %get3A_649 : i32 to index
        %get3A_651 = arith.index_cast %add3A_622 : i32 to index
        %get3A_652 = arith.constant 32 : index
        %get3A_653 = tpu.vector_load %arg10[%get3A_650, %get3A_651, %get3A_652] {strides = array<i32>} : memref<2x100x128xf32, #tpu.memory_space<vmem>>, vector<1x1x16xf32>,
        %get3A_654 = vector.shape_cast %get3A_653 : vector<1x1x16xf32> to vector<16xf32>
        %add3A_655 = arith.constant 100 : i32
        %add3A_656 = arith.addi %add3A_655, %add3A_622 : i32
        %get3A_657 = arith.index_cast %add3A_656 : i32 to index
        %get3A_658 = arith.constant 32 : index
        %get3A_659 = tpu.vector_load %arg9[%get3A_657, %get3A_658] {strides = array<i32>} : memref<200x128xf32, #tpu.memory_space<vmem>>, vector<1x16xf32>,
        %get3A_660 = vector.shape_cast %get3A_659 : vector<1x16xf32> to vector<16xf32>
        %add3A_661 = arith.addf %get3A_654, %get3A_660 : vector<16xf32>
        %get3A_662 = arith.constant 1 : i32
        %get3A_663 = arith.index_cast %get3A_662 : i32 to index
        %get3A_664 = arith.index_cast %add3A_622 : i32 to index
        %get3A_665 = arith.constant 48 : index
        %get3A_666 = tpu.vector_load %arg10[%get3A_663, %get3A_664, %get3A_665] {strides = array<i32>} : memref<2x100x128xf32, #tpu.memory_space<vmem>>, vector<1x1x16xf32>,
        %get3A_667 = vector.shape_cast %get3A_666 : vector<1x1x16xf32> to vector<16xf32>
        %add3A_668 = arith.constant 100 : i32
        %add3A_669 = arith.addi %add3A_668, %add3A_622 : i32
        %get3A_670 = arith.index_cast %add3A_669 : i32 to index
        %get3A_671 = arith.constant 48 : index
        %get3A_672 = tpu.vector_load %arg9[%get3A_670, %get3A_671] {strides = array<i32>} : memref<200x128xf32, #tpu.memory_space<vmem>>, vector<1x16xf32>,
        %get3A_673 = vector.shape_cast %get3A_672 : vector<1x16xf32> to vector<16xf32>
        %add3A_674 = arith.addf %get3A_667, %get3A_673 : vector<16xf32>
        %get3A_675 = arith.constant 1 : i32
        %get3A_676 = arith.index_cast %get3A_675 : i32 to index
        %get3A_677 = arith.index_cast %add3A_622 : i32 to index
        %get3A_678 = arith.constant 64 : index
        %get3A_679 = tpu.vector_load %arg10[%get3A_676, %get3A_677, %get3A_678] {strides = array<i32>} : memref<2x100x128xf32, #tpu.memory_space<vmem>>, vector<1x1x16xf32>,
        %get3A_680 = vector.shape_cast %get3A_679 : vector<1x1x16xf32> to vector<16xf32>
        %add3A_681 = arith.constant 100 : i32
        %add3A_682 = arith.addi %add3A_681, %add3A_622 : i32
        %get3A_683 = arith.index_cast %add3A_682 : i32 to index
        %get3A_684 = arith.constant 64 : index
        %get3A_685 = tpu.vector_load %arg9[%get3A_683, %get3A_684] {strides = array<i32>} : memref<200x128xf32, #tpu.memory_space<vmem>>, vector<1x16xf32>,
        %get3A_686 = vector.shape_cast %get3A_685 : vector<1x16xf32> to vector<16xf32>
        %add3A_687 = arith.addf %get3A_680, %get3A_686 : vector<16xf32>
        %get3A_688 = arith.constant 1 : i32
        %get3A_689 = arith.index_cast %get3A_688 : i32 to index
        %get3A_690 = arith.index_cast %add3A_622 : i32 to index
        %get3A_691 = arith.constant 80 : index
        %get3A_692 = tpu.vector_load %arg10[%get3A_689, %get3A_690, %get3A_691] {strides = array<i32>} : memref<2x100x128xf32, #tpu.memory_space<vmem>>, vector<1x1x16xf32>,
        %get3A_693 = vector.shape_cast %get3A_692 : vector<1x1x16xf32> to vector<16xf32>
        %add3A_694 = arith.constant 100 : i32
        %add3A_695 = arith.addi %add3A_694, %add3A_622 : i32
        %get3A_696 = arith.index_cast %add3A_695 : i32 to index
        %get3A_697 = arith.constant 80 : index
        %get3A_698 = tpu.vector_load %arg9[%get3A_696, %get3A_697] {strides = array<i32>} : memref<200x128xf32, #tpu.memory_space<vmem>>, vector<1x16xf32>,
        %get3A_699 = vector.shape_cast %get3A_698 : vector<1x16xf32> to vector<16xf32>
        %add3A_700 = arith.addf %get3A_693, %get3A_699 : vector<16xf32>
        %get3A_701 = arith.constant 1 : i32
        %get3A_702 = arith.index_cast %get3A_701 : i32 to index
        %get3A_703 = arith.index_cast %add3A_622 : i32 to index
        %get3A_704 = arith.constant 96 : index
        %get3A_705 = tpu.vector_load %arg10[%get3A_702, %get3A_703, %get3A_704] {strides = array<i32>} : memref<2x100x128xf32, #tpu.memory_space<vmem>>, vector<1x1x16xf32>,
        %get3A_706 = vector.shape_cast %get3A_705 : vector<1x1x16xf32> to vector<16xf32>
        %add3A_707 = arith.constant 100 : i32
        %add3A_708 = arith.addi %add3A_707, %add3A_622 : i32
        %get3A_709 = arith.index_cast %add3A_708 : i32 to index
        %get3A_710 = arith.constant 96 : index
        %get3A_711 = tpu.vector_load %arg9[%get3A_709, %get3A_710] {strides = array<i32>} : memref<200x128xf32, #tpu.memory_space<vmem>>, vector<1x16xf32>,
        %get3A_712 = vector.shape_cast %get3A_711 : vector<1x16xf32> to vector<16xf32>
        %add3A_713 = arith.addf %get3A_706, %get3A_712 : vector<16xf32>
        %get3A_714 = arith.constant 1 : i32
        %get3A_715 = arith.index_cast %get3A_714 : i32 to index
        %get3A_716 = arith.index_cast %add3A_622 : i32 to index
        %get3A_717 = arith.constant 112 : index
        %get3A_718 = tpu.vector_load %arg10[%get3A_715, %get3A_716, %get3A_717] {strides = array<i32>} : memref<2x100x128xf32, #tpu.memory_space<vmem>>, vector<1x1x16xf32>,
        %get3A_719 = vector.shape_cast %get3A_718 : vector<1x1x16xf32> to vector<16xf32>
        %add3A_720 = arith.constant 100 : i32
        %add3A_721 = arith.addi %add3A_720, %add3A_622 : i32
        %get3A_722 = arith.index_cast %add3A_721 : i32 to index
        %get3A_723 = arith.constant 112 : index
        %get3A_724 = tpu.vector_load %arg9[%get3A_722, %get3A_723] {strides = array<i32>} : memref<200x128xf32, #tpu.memory_space<vmem>>, vector<1x16xf32>,
        %get3A_725 = vector.shape_cast %get3A_724 : vector<1x16xf32> to vector<16xf32>
        %add3A_726 = arith.addf %get3A_719, %get3A_725 : vector<16xf32>
        %add3A_727 = arith.addf %add3A_635, %add3A_648 : vector<16xf32>
        %add3A_728 = arith.addf %add3A_661, %add3A_674 : vector<16xf32>
        %add3A_729 = arith.addf %add3A_687, %add3A_700 : vector<16xf32>
        %add3A_730 = arith.addf %add3A_713, %add3A_726 : vector<16xf32>
        %add3A_731 = arith.addf %add3A_727, %add3A_728 : vector<16xf32>
        %add3A_732 = arith.addf %add3A_729, %add3A_730 : vector<16xf32>
        %add3A_733 = arith.addf %add3A_731, %add3A_732 : vector<16xf32>
        %mul3A_734 = arith.mulf %add3A_635, %add3A_635 : vector<16xf32>
        %mul3A_735 = arith.mulf %add3A_648, %add3A_648 : vector<16xf32>
        %mul3A_736 = arith.mulf %add3A_661, %add3A_661 : vector<16xf32>
        %mul3A_737 = arith.mulf %add3A_674, %add3A_674 : vector<16xf32>
        %mul3A_738 = arith.mulf %add3A_687, %add3A_687 : vector<16xf32>
        %mul3A_739 = arith.mulf %add3A_700, %add3A_700 : vector<16xf32>
        %mul3A_740 = arith.mulf %add3A_713, %add3A_713 : vector<16xf32>
        %mul3A_741 = arith.mulf %add3A_726, %add3A_726 : vector<16xf32>
        %add3A_742 = arith.addf %mul3A_734, %mul3A_735 : vector<16xf32>
        %add3A_743 = arith.addf %mul3A_736, %mul3A_737 : vector<16xf32>
        %add3A_744 = arith.addf %mul3A_738, %mul3A_739 : vector<16xf32>
        %add3A_745 = arith.addf %mul3A_740, %mul3A_741 : vector<16xf32>
        %add3A_746 = arith.addf %add3A_742, %add3A_743 : vector<16xf32>
        %add3A_747 = arith.addf %add3A_744, %add3A_745 : vector<16xf32>
        %add3A_748 = arith.addf %add3A_746, %add3A_747 : vector<16xf32>
        %iota3A_749 = tpu.iota {dimensions = array<i32: 0>} : vector<16xi32>
        %xor3A_750 = arith.constant 1 : i32
        %xor3A_751 = vector.broadcast %xor3A_750 : i32 to vector<16xi32>
        %xor3A_752 = arith.xori %iota3A_749, %xor3A_751 : vector<16xi32>
        %broadcast_in_dim3A_753 = vector.shape_cast %xor3A_752 : vector<16xi32> to vector<16x1xi32>
        %gather3A_754 = vector.shape_cast %broadcast_in_dim3A_753 : vector<16x1xi32> to vector<16xi32>
        %gather3A_755 = tpu.dynamic_gather %add3A_733[%gather3A_754] in [0] : vector<16xf32>, vector<16xi32> -> vector<16xf32>
        %add3A_756 = arith.addf %add3A_733, %gather3A_755 : vector<16xf32>
        %iota3A_757 = tpu.iota {dimensions = array<i32: 0>} : vector<16xi32>
        %xor3A_758 = arith.constant 2 : i32
        %xor3A_759 = vector.broadcast %xor3A_758 : i32 to vector<16xi32>
        %xor3A_760 = arith.xori %iota3A_757, %xor3A_759 : vector<16xi32>
        %broadcast_in_dim3A_761 = vector.shape_cast %xor3A_760 : vector<16xi32> to vector<16x1xi32>
        %gather3A_762 = vector.shape_cast %broadcast_in_dim3A_761 : vector<16x1xi32> to vector<16xi32>
        %gather3A_763 = tpu.dynamic_gather %add3A_756[%gather3A_762] in [0] : vector<16xf32>, vector<16xi32> -> vector<16xf32>
        %add3A_764 = arith.addf %add3A_756, %gather3A_763 : vector<16xf32>
        %iota3A_765 = tpu.iota {dimensions = array<i32: 0>} : vector<16xi32>
        %xor3A_766 = arith.constant 4 : i32
        %xor3A_767 = vector.broadcast %xor3A_766 : i32 to vector<16xi32>
        %xor3A_768 = arith.xori %iota3A_765, %xor3A_767 : vector<16xi32>
        %broadcast_in_dim3A_769 = vector.shape_cast %xor3A_768 : vector<16xi32> to vector<16x1xi32>
        %gather3A_770 = vector.shape_cast %broadcast_in_dim3A_769 : vector<16x1xi32> to vector<16xi32>
        %gather3A_771 = tpu.dynamic_gather %add3A_764[%gather3A_770] in [0] : vector<16xf32>, vector<16xi32> -> vector<16xf32>
        %add3A_772 = arith.addf %add3A_764, %gather3A_771 : vector<16xf32>
        %iota3A_773 = tpu.iota {dimensions = array<i32: 0>} : vector<16xi32>
        %xor3A_774 = arith.constant 8 : i32
        %xor3A_775 = vector.broadcast %xor3A_774 : i32 to vector<16xi32>
        %xor3A_776 = arith.xori %iota3A_773, %xor3A_775 : vector<16xi32>
        %broadcast_in_dim3A_777 = vector.shape_cast %xor3A_776 : vector<16xi32> to vector<16x1xi32>
        %gather3A_778 = vector.shape_cast %broadcast_in_dim3A_777 : vector<16x1xi32> to vector<16xi32>
        %gather3A_779 = tpu.dynamic_gather %add3A_772[%gather3A_778] in [0] : vector<16xf32>, vector<16xi32> -> vector<16xf32>
        %add3A_780 = arith.addf %add3A_772, %gather3A_779 : vector<16xf32>
        %iota3A_781 = tpu.iota {dimensions = array<i32: 0>} : vector<16xi32>
        %xor3A_782 = arith.constant 1 : i32
        %xor3A_783 = vector.broadcast %xor3A_782 : i32 to vector<16xi32>
        %xor3A_784 = arith.xori %iota3A_781, %xor3A_783 : vector<16xi32>
        %broadcast_in_dim3A_785 = vector.shape_cast %xor3A_784 : vector<16xi32> to vector<16x1xi32>
        %gather3A_786 = vector.shape_cast %broadcast_in_dim3A_785 : vector<16x1xi32> to vector<16xi32>
        %gather3A_787 = tpu.dynamic_gather %add3A_748[%gather3A_786] in [0] : vector<16xf32>, vector<16xi32> -> vector<16xf32>
        %add3A_788 = arith.addf %add3A_748, %gather3A_787 : vector<16xf32>
        %iota3A_789 = tpu.iota {dimensions = array<i32: 0>} : vector<16xi32>
        %xor3A_790 = arith.constant 2 : i32
        %xor3A_791 = vector.broadcast %xor3A_790 : i32 to vector<16xi32>
        %xor3A_792 = arith.xori %iota3A_789, %xor3A_791 : vector<16xi32>
        %broadcast_in_dim3A_793 = vector.shape_cast %xor3A_792 : vector<16xi32> to vector<16x1xi32>
        %gather3A_794 = vector.shape_cast %broadcast_in_dim3A_793 : vector<16x1xi32> to vector<16xi32>
        %gather3A_795 = tpu.dynamic_gather %add3A_788[%gather3A_794] in [0] : vector<16xf32>, vector<16xi32> -> vector<16xf32>
        %add3A_796 = arith.addf %add3A_788, %gather3A_795 : vector<16xf32>
        %iota3A_797 = tpu.iota {dimensions = array<i32: 0>} : vector<16xi32>
        %xor3A_798 = arith.constant 4 : i32
        %xor3A_799 = vector.broadcast %xor3A_798 : i32 to vector<16xi32>
        %xor3A_800 = arith.xori %iota3A_797, %xor3A_799 : vector<16xi32>
        %broadcast_in_dim3A_801 = vector.shape_cast %xor3A_800 : vector<16xi32> to vector<16x1xi32>
        %gather3A_802 = vector.shape_cast %broadcast_in_dim3A_801 : vector<16x1xi32> to vector<16xi32>
        %gather3A_803 = tpu.dynamic_gather %add3A_796[%gather3A_802] in [0] : vector<16xf32>, vector<16xi32> -> vector<16xf32>
        %add3A_804 = arith.addf %add3A_796, %gather3A_803 : vector<16xf32>
        %iota3A_805 = tpu.iota {dimensions = array<i32: 0>} : vector<16xi32>
        %xor3A_806 = arith.constant 8 : i32
        %xor3A_807 = vector.broadcast %xor3A_806 : i32 to vector<16xi32>
        %xor3A_808 = arith.xori %iota3A_805, %xor3A_807 : vector<16xi32>
        %broadcast_in_dim3A_809 = vector.shape_cast %xor3A_808 : vector<16xi32> to vector<16x1xi32>
        %gather3A_810 = vector.shape_cast %broadcast_in_dim3A_809 : vector<16x1xi32> to vector<16xi32>
        %gather3A_811 = tpu.dynamic_gather %add3A_804[%gather3A_810] in [0] : vector<16xf32>, vector<16xi32> -> vector<16xf32>
        %add3A_812 = arith.addf %add3A_804, %gather3A_811 : vector<16xf32>
        %mul3A_813 = vector.broadcast %scan3A_158 : f32 to vector<16xf32>
        %mul3A_814 = arith.mulf %add3A_780, %mul3A_813 : vector<16xf32>
        %mul3A_815 = vector.broadcast %scan3A_158 : f32 to vector<16xf32>
        %mul3A_816 = arith.mulf %add3A_812, %mul3A_815 : vector<16xf32>
        %mul3A_817 = arith.mulf %mul3A_814, %mul3A_814 : vector<16xf32>
        %sub3A_818 = arith.subf %mul3A_816, %mul3A_817 : vector<16xf32>
        %add3A_819 = arith.constant 9.99999996E-13 : f32
        %add3A_820 = vector.broadcast %add3A_819 : f32 to vector<16xf32>
        %add3A_821 = arith.addf %sub3A_818, %add3A_820 : vector<16xf32>
        %bitcast_convert_type3A_822 = tpu.bitcast %add3A_821 : vector<16xf32> -> vector<16xi32>
        %shift_right_arithmetic3A_823 = arith.constant 1 : i32
        %shift_right_arithmetic3A_824 = vector.broadcast %shift_right_arithmetic3A_823 : i32 to vector<16xi32>
        %shift_right_arithmetic3A_825 = arith.shrsi %bitcast_convert_type3A_822, %shift_right_arithmetic3A_824 : vector<16xi32>
        %sub3A_826 = arith.constant 1597463007 : i32
        %sub3A_827 = vector.broadcast %sub3A_826 : i32 to vector<16xi32>
        %sub3A_828 = arith.subi %sub3A_827, %shift_right_arithmetic3A_825 : vector<16xi32>
        %bitcast_convert_type3A_829 = tpu.bitcast %sub3A_828 : vector<16xi32> -> vector<16xf32>
        %mul3A_830 = arith.constant 5.000000e-01 : f32
        %mul3A_831 = vector.broadcast %mul3A_830 : f32 to vector<16xf32>
        %mul3A_832 = arith.mulf %mul3A_831, %add3A_821 : vector<16xf32>
        %mul3A_833 = arith.mulf %mul3A_832, %bitcast_convert_type3A_829 : vector<16xf32>
        %mul3A_834 = arith.mulf %mul3A_833, %bitcast_convert_type3A_829 : vector<16xf32>
        %sub3A_835 = arith.constant 1.500000e+00 : f32
        %sub3A_836 = vector.broadcast %sub3A_835 : f32 to vector<16xf32>
        %sub3A_837 = arith.subf %sub3A_836, %mul3A_834 : vector<16xf32>
        %mul3A_838 = arith.mulf %bitcast_convert_type3A_829, %sub3A_837 : vector<16xf32>
        %mul3A_839 = arith.mulf %mul3A_832, %mul3A_838 : vector<16xf32>
        %mul3A_840 = arith.mulf %mul3A_839, %mul3A_838 : vector<16xf32>
        %sub3A_841 = arith.constant 1.500000e+00 : f32
        %sub3A_842 = vector.broadcast %sub3A_841 : f32 to vector<16xf32>
        %sub3A_843 = arith.subf %sub3A_842, %mul3A_840 : vector<16xf32>
        %mul3A_844 = arith.mulf %mul3A_838, %sub3A_843 : vector<16xf32>
        %mul3A_845 = arith.mulf %mul3A_832, %mul3A_844 : vector<16xf32>
        %mul3A_846 = arith.mulf %mul3A_845, %mul3A_844 : vector<16xf32>
        %sub3A_847 = arith.constant 1.500000e+00 : f32
        %sub3A_848 = vector.broadcast %sub3A_847 : f32 to vector<16xf32>
        %sub3A_849 = arith.subf %sub3A_848, %mul3A_846 : vector<16xf32>
        %mul3A_850 = arith.mulf %mul3A_844, %sub3A_849 : vector<16xf32>
        %sub3A_851 = arith.subf %add3A_635, %mul3A_814 : vector<16xf32>
        %mul3A_852 = arith.mulf %get3A_52, %mul3A_850 : vector<16xf32>
        %mul3A_853 = arith.mulf %sub3A_851, %mul3A_852 : vector<16xf32>
        %add3A_854 = arith.addf %mul3A_853, %get3A_92 : vector<16xf32>
        %swap3A_855 = arith.constant 1 : i32
        %swap3A_856 = arith.index_cast %swap3A_855 : i32 to index
        %swap3A_857 = arith.index_cast %add3A_622 : i32 to index
        %swap3A_858 = arith.constant 0 : index
        %swap3A_859 = tpu.vector_load %arg11[%swap3A_856, %swap3A_857, %swap3A_858] {strides = array<i32>} : memref<2x100x128xf32, #tpu.memory_space<vmem>>, vector<1x1x16xf32>,
        %swap3A_860 = vector.shape_cast %swap3A_859 : vector<1x1x16xf32> to vector<16xf32>
        %swap3A_861 = vector.shape_cast %add3A_854 : vector<16xf32> to vector<1x1x16xf32>
        tpu.vector_store %arg11[%swap3A_856, %swap3A_857, %swap3A_858], %swap3A_861 {strides = array<i32>} : memref<2x100x128xf32, #tpu.memory_space<vmem>>, vector<1x1x16xf32>,
        %sub3A_862 = arith.subf %add3A_648, %mul3A_814 : vector<16xf32>
        %mul3A_863 = arith.mulf %get3A_57, %mul3A_850 : vector<16xf32>
        %mul3A_864 = arith.mulf %sub3A_862, %mul3A_863 : vector<16xf32>
        %add3A_865 = arith.addf %mul3A_864, %get3A_97 : vector<16xf32>
        %swap3A_866 = arith.constant 1 : i32
        %swap3A_867 = arith.index_cast %swap3A_866 : i32 to index
        %swap3A_868 = arith.index_cast %add3A_622 : i32 to index
        %swap3A_869 = arith.constant 16 : index
        %swap3A_870 = tpu.vector_load %arg11[%swap3A_867, %swap3A_868, %swap3A_869] {strides = array<i32>} : memref<2x100x128xf32, #tpu.memory_space<vmem>>, vector<1x1x16xf32>,
        %swap3A_871 = vector.shape_cast %swap3A_870 : vector<1x1x16xf32> to vector<16xf32>
        %swap3A_872 = vector.shape_cast %add3A_865 : vector<16xf32> to vector<1x1x16xf32>
        tpu.vector_store %arg11[%swap3A_867, %swap3A_868, %swap3A_869], %swap3A_872 {strides = array<i32>} : memref<2x100x128xf32, #tpu.memory_space<vmem>>, vector<1x1x16xf32>,
        %sub3A_873 = arith.subf %add3A_661, %mul3A_814 : vector<16xf32>
        %mul3A_874 = arith.mulf %get3A_62, %mul3A_850 : vector<16xf32>
        %mul3A_875 = arith.mulf %sub3A_873, %mul3A_874 : vector<16xf32>
        %add3A_876 = arith.addf %mul3A_875, %get3A_102 : vector<16xf32>
        %swap3A_877 = arith.constant 1 : i32
        %swap3A_878 = arith.index_cast %swap3A_877 : i32 to index
        %swap3A_879 = arith.index_cast %add3A_622 : i32 to index
        %swap3A_880 = arith.constant 32 : index
        %swap3A_881 = tpu.vector_load %arg11[%swap3A_878, %swap3A_879, %swap3A_880] {strides = array<i32>} : memref<2x100x128xf32, #tpu.memory_space<vmem>>, vector<1x1x16xf32>,
        %swap3A_882 = vector.shape_cast %swap3A_881 : vector<1x1x16xf32> to vector<16xf32>
        %swap3A_883 = vector.shape_cast %add3A_876 : vector<16xf32> to vector<1x1x16xf32>
        tpu.vector_store %arg11[%swap3A_878, %swap3A_879, %swap3A_880], %swap3A_883 {strides = array<i32>} : memref<2x100x128xf32, #tpu.memory_space<vmem>>, vector<1x1x16xf32>,
        %sub3A_884 = arith.subf %add3A_674, %mul3A_814 : vector<16xf32>
        %mul3A_885 = arith.mulf %get3A_67, %mul3A_850 : vector<16xf32>
        %mul3A_886 = arith.mulf %sub3A_884, %mul3A_885 : vector<16xf32>
        %add3A_887 = arith.addf %mul3A_886, %get3A_107 : vector<16xf32>
        %swap3A_888 = arith.constant 1 : i32
        %swap3A_889 = arith.index_cast %swap3A_888 : i32 to index
        %swap3A_890 = arith.index_cast %add3A_622 : i32 to index
        %swap3A_891 = arith.constant 48 : index
        %swap3A_892 = tpu.vector_load %arg11[%swap3A_889, %swap3A_890, %swap3A_891] {strides = array<i32>} : memref<2x100x128xf32, #tpu.memory_space<vmem>>, vector<1x1x16xf32>,
        %swap3A_893 = vector.shape_cast %swap3A_892 : vector<1x1x16xf32> to vector<16xf32>
        %swap3A_894 = vector.shape_cast %add3A_887 : vector<16xf32> to vector<1x1x16xf32>
        tpu.vector_store %arg11[%swap3A_889, %swap3A_890, %swap3A_891], %swap3A_894 {strides = array<i32>} : memref<2x100x128xf32, #tpu.memory_space<vmem>>, vector<1x1x16xf32>,
        %sub3A_895 = arith.subf %add3A_687, %mul3A_814 : vector<16xf32>
        %mul3A_896 = arith.mulf %get3A_72, %mul3A_850 : vector<16xf32>
        %mul3A_897 = arith.mulf %sub3A_895, %mul3A_896 : vector<16xf32>
        %add3A_898 = arith.addf %mul3A_897, %get3A_112 : vector<16xf32>
        %swap3A_899 = arith.constant 1 : i32
        %swap3A_900 = arith.index_cast %swap3A_899 : i32 to index
        %swap3A_901 = arith.index_cast %add3A_622 : i32 to index
        %swap3A_902 = arith.constant 64 : index
        %swap3A_903 = tpu.vector_load %arg11[%swap3A_900, %swap3A_901, %swap3A_902] {strides = array<i32>} : memref<2x100x128xf32, #tpu.memory_space<vmem>>, vector<1x1x16xf32>,
        %swap3A_904 = vector.shape_cast %swap3A_903 : vector<1x1x16xf32> to vector<16xf32>
        %swap3A_905 = vector.shape_cast %add3A_898 : vector<16xf32> to vector<1x1x16xf32>
        tpu.vector_store %arg11[%swap3A_900, %swap3A_901, %swap3A_902], %swap3A_905 {strides = array<i32>} : memref<2x100x128xf32, #tpu.memory_space<vmem>>, vector<1x1x16xf32>,
        %sub3A_906 = arith.subf %add3A_700, %mul3A_814 : vector<16xf32>
        %mul3A_907 = arith.mulf %get3A_77, %mul3A_850 : vector<16xf32>
        %mul3A_908 = arith.mulf %sub3A_906, %mul3A_907 : vector<16xf32>
        %add3A_909 = arith.addf %mul3A_908, %get3A_117 : vector<16xf32>
        %swap3A_910 = arith.constant 1 : i32
        %swap3A_911 = arith.index_cast %swap3A_910 : i32 to index
        %swap3A_912 = arith.index_cast %add3A_622 : i32 to index
        %swap3A_913 = arith.constant 80 : index
        %swap3A_914 = tpu.vector_load %arg11[%swap3A_911, %swap3A_912, %swap3A_913] {strides = array<i32>} : memref<2x100x128xf32, #tpu.memory_space<vmem>>, vector<1x1x16xf32>,
        %swap3A_915 = vector.shape_cast %swap3A_914 : vector<1x1x16xf32> to vector<16xf32>
        %swap3A_916 = vector.shape_cast %add3A_909 : vector<16xf32> to vector<1x1x16xf32>
        tpu.vector_store %arg11[%swap3A_911, %swap3A_912, %swap3A_913], %swap3A_916 {strides = array<i32>} : memref<2x100x128xf32, #tpu.memory_space<vmem>>, vector<1x1x16xf32>,
        %sub3A_917 = arith.subf %add3A_713, %mul3A_814 : vector<16xf32>
        %mul3A_918 = arith.mulf %get3A_82, %mul3A_850 : vector<16xf32>
        %mul3A_919 = arith.mulf %sub3A_917, %mul3A_918 : vector<16xf32>
        %add3A_920 = arith.addf %mul3A_919, %get3A_122 : vector<16xf32>
        %swap3A_921 = arith.constant 1 : i32
        %swap3A_922 = arith.index_cast %swap3A_921 : i32 to index
        %swap3A_923 = arith.index_cast %add3A_622 : i32 to index
        %swap3A_924 = arith.constant 96 : index
        %swap3A_925 = tpu.vector_load %arg11[%swap3A_922, %swap3A_923, %swap3A_924] {strides = array<i32>} : memref<2x100x128xf32, #tpu.memory_space<vmem>>, vector<1x1x16xf32>,
        %swap3A_926 = vector.shape_cast %swap3A_925 : vector<1x1x16xf32> to vector<16xf32>
        %swap3A_927 = vector.shape_cast %add3A_920 : vector<16xf32> to vector<1x1x16xf32>
        tpu.vector_store %arg11[%swap3A_922, %swap3A_923, %swap3A_924], %swap3A_927 {strides = array<i32>} : memref<2x100x128xf32, #tpu.memory_space<vmem>>, vector<1x1x16xf32>,
        %sub3A_928 = arith.subf %add3A_726, %mul3A_814 : vector<16xf32>
        %mul3A_929 = arith.mulf %get3A_87, %mul3A_850 : vector<16xf32>
        %mul3A_930 = arith.mulf %sub3A_928, %mul3A_929 : vector<16xf32>
        %add3A_931 = arith.addf %mul3A_930, %get3A_127 : vector<16xf32>
        %swap3A_932 = arith.constant 1 : i32
        %swap3A_933 = arith.index_cast %swap3A_932 : i32 to index
        %swap3A_934 = arith.index_cast %add3A_622 : i32 to index
        %swap3A_935 = arith.constant 112 : index
        %swap3A_936 = tpu.vector_load %arg11[%swap3A_933, %swap3A_934, %swap3A_935] {strides = array<i32>} : memref<2x100x128xf32, #tpu.memory_space<vmem>>, vector<1x1x16xf32>,
        %swap3A_937 = vector.shape_cast %swap3A_936 : vector<1x1x16xf32> to vector<16xf32>
        %swap3A_938 = vector.shape_cast %add3A_931 : vector<16xf32> to vector<1x1x16xf32>
        tpu.vector_store %arg11[%swap3A_933, %swap3A_934, %swap3A_935], %swap3A_938 {strides = array<i32>} : memref<2x100x128xf32, #tpu.memory_space<vmem>>, vector<1x1x16xf32>,
      }
      %scan3A_282 = arith.constant 50 : i32
      %dma_start3A_283 = arith.constant 1 : i32
      %dma_start3A_284 = arith.constant 0 : i32
      %dma_start3A_285 = arith.constant 0 : i32
      %dma_start3A_286 = tpu.memref_slice %arg11[%dma_start3A_283, %dma_start3A_284, %dma_start3A_285] : memref<2x100x128xf32, #tpu.memory_space<vmem>> -> memref<1x100x128xf32, #tpu.memory_space<vmem>>
      %dma_start3A_287 = tpu.memref_squeeze %dma_start3A_286 : memref<1x100x128xf32, #tpu.memory_space<vmem>> -> memref<100x128xf32, #tpu.memory_space<vmem>>
      %dma_start3A_288 = arith.constant 0 : i32
      %dma_start3A_289 = arith.constant 0 : i32
      %dma_start3A_290 = tpu.memref_slice %arg8[%add3A_259, %dma_start3A_288, %dma_start3A_289] : memref<2048x100x128xf32, #tpu.memory_space<hbm>> -> memref<1x100x128xf32, #tpu.memory_space<hbm>>
      %dma_start3A_291 = tpu.memref_squeeze %dma_start3A_290 : memref<1x100x128xf32, #tpu.memory_space<hbm>> -> memref<100x128xf32, #tpu.memory_space<hbm>>
      %dma_start3A_292 = arith.constant 0 : i32
      %dma_start3A_293 = arith.constant 0 : i32
      %dma_start3A_294 = tpu.memref_slice %arg8[%add3A_259, %dma_start3A_292, %dma_start3A_293] : memref<2048x100x128xf32, #tpu.memory_space<hbm>> -> memref<1x100x128xf32, #tpu.memory_space<hbm>>
      %dma_start3A_295 = tpu.memref_squeeze %dma_start3A_294 : memref<1x100x128xf32, #tpu.memory_space<hbm>> -> memref<100x128xf32, #tpu.memory_space<hbm>>
      %dma_start3A_296 = arith.constant 0 : i32
      %dma_start3A_297 = arith.constant 0 : i32
      %dma_start3A_298 = tpu.memref_slice %arg11[%dma_start3A_283, %dma_start3A_296, %dma_start3A_297] : memref<2x100x128xf32, #tpu.memory_space<vmem>> -> memref<1x100x128xf32, #tpu.memory_space<vmem>>
      %dma_start3A_299 = tpu.memref_squeeze %dma_start3A_298 : memref<1x100x128xf32, #tpu.memory_space<vmem>> -> memref<100x128xf32, #tpu.memory_space<vmem>>
      tpu.enqueue_dma source(%dma_start3A_299 : memref<100x128xf32, #tpu.memory_space<vmem>>) target(%dma_start3A_295 : memref<100x128xf32, #tpu.memory_space<hbm>>) target_semaphore(%arg18 : memref<!tpu.dma_semaphore, #tpu.memory_space<semaphore_mem>>)
      %lt3A_300 = arith.constant 31 : i32
      %lt3A_301 = arith.cmpi slt, %scan3A_208, %lt3A_300 : i32
      %convert_element_type3A_302 = arith.extui %lt3A_301 : i1 to i32
      %cond3A_303 = arith.constant 0 : i32
      %cond3A_304 = arith.cmpi ne, %convert_element_type3A_302, %cond3A_303 : i32
      scf.if %cond3A_304 {
        %add3A_305 = arith.constant 2 : i32
        %add3A_306 = arith.addi %add3A_258, %add3A_305 : i32
        %add3A_307 = arith.addi %mul3A_2, %add3A_306 : i32
        %run_scoped3A_308 = arith.constant 1 : i32
        "tpu.region"() ({
          %run_scoped3A_321 = tpu.sem_alloc : memref<!tpu.dma_semaphore, #tpu.memory_space<semaphore_mem>>
          %dma_start3A_322 = arith.constant 0 : i32
          %dma_start3A_323 = tpu.memref_slice %arg12[%run_scoped3A_308, %dma_start3A_322] : memref<2x100xi32, #tpu.memory_space<vmem>> -> memref<1x100xi32, #tpu.memory_space<vmem>>
          %dma_start3A_324 = tpu.memref_squeeze %dma_start3A_323 : memref<1x100xi32, #tpu.memory_space<vmem>> -> memref<100xi32, #tpu.memory_space<vmem>>
          %dma_start3A_325 = arith.constant 0 : i32
          %dma_start3A_326 = tpu.memref_slice %arg2[%add3A_307, %dma_start3A_325] : memref<2048x100xi32, #tpu.memory_space<hbm>> -> memref<1x100xi32, #tpu.memory_space<hbm>>
          %dma_start3A_327 = tpu.memref_squeeze %dma_start3A_326 : memref<1x100xi32, #tpu.memory_space<hbm>> -> memref<100xi32, #tpu.memory_space<hbm>>
          %dma_start3A_328 = arith.constant 0 : i32
          %dma_start3A_329 = tpu.memref_slice %arg12[%run_scoped3A_308, %dma_start3A_328] : memref<2x100xi32, #tpu.memory_space<vmem>> -> memref<1x100xi32, #tpu.memory_space<vmem>>
          %dma_start3A_330 = tpu.memref_squeeze %dma_start3A_329 : memref<1x100xi32, #tpu.memory_space<vmem>> -> memref<100xi32, #tpu.memory_space<vmem>>
          %dma_start3A_331 = arith.constant 0 : i32
          %dma_start3A_332 = tpu.memref_slice %arg2[%add3A_307, %dma_start3A_331] : memref<2048x100xi32, #tpu.memory_space<hbm>> -> memref<1x100xi32, #tpu.memory_space<hbm>>
          %dma_start3A_333 = tpu.memref_squeeze %dma_start3A_332 : memref<1x100xi32, #tpu.memory_space<hbm>> -> memref<100xi32, #tpu.memory_space<hbm>>
          tpu.enqueue_dma source(%dma_start3A_333 : memref<100xi32, #tpu.memory_space<hbm>>) target(%dma_start3A_330 : memref<100xi32, #tpu.memory_space<vmem>>) target_semaphore(%run_scoped3A_321 : memref<!tpu.dma_semaphore, #tpu.memory_space<semaphore_mem>>)
          %dma_wait3A_334 = arith.constant 0 : i32
          %dma_wait3A_335 = tpu.memref_slice %arg12[%run_scoped3A_308, %dma_wait3A_334] : memref<2x100xi32, #tpu.memory_space<vmem>> -> memref<1x100xi32, #tpu.memory_space<vmem>>
          %dma_wait3A_336 = tpu.memref_squeeze %dma_wait3A_335 : memref<1x100xi32, #tpu.memory_space<vmem>> -> memref<100xi32, #tpu.memory_space<vmem>>
          %dma_wait3A_337 = arith.constant 0 : i32
          %dma_wait3A_338 = tpu.memref_slice %arg2[%add3A_307, %dma_wait3A_337] : memref<2048x100xi32, #tpu.memory_space<hbm>> -> memref<1x100xi32, #tpu.memory_space<hbm>>
          %dma_wait3A_339 = tpu.memref_squeeze %dma_wait3A_338 : memref<1x100xi32, #tpu.memory_space<hbm>> -> memref<100xi32, #tpu.memory_space<hbm>>
          %dma_wait3A_340 = arith.constant 0 : i32
          %dma_wait3A_341 = tpu.memref_slice %arg12[%run_scoped3A_308, %dma_wait3A_340] : memref<2x100xi32, #tpu.memory_space<vmem>> -> memref<1x100xi32, #tpu.memory_space<vmem>>
          %dma_wait3A_342 = tpu.memref_squeeze %dma_wait3A_341 : memref<1x100xi32, #tpu.memory_space<vmem>> -> memref<100xi32, #tpu.memory_space<vmem>>
          %dma_wait3A_343 = arith.constant 0 : i32
          %dma_wait3A_344 = tpu.memref_slice %arg2[%add3A_307, %dma_wait3A_343] : memref<2048x100xi32, #tpu.memory_space<hbm>> -> memref<1x100xi32, #tpu.memory_space<hbm>>
          %dma_wait3A_345 = tpu.memref_squeeze %dma_wait3A_344 : memref<1x100xi32, #tpu.memory_space<hbm>> -> memref<100xi32, #tpu.memory_space<hbm>>
          tpu.wait_dma2 semaphore(%run_scoped3A_321 : memref<!tpu.dma_semaphore, #tpu.memory_space<semaphore_mem>>) src(%dma_wait3A_345 : memref<100xi32, #tpu.memory_space<hbm>>) dst(%dma_wait3A_342 : memref<100xi32, #tpu.memory_space<vmem>>)
          tpu.yield
        }) : () -> ()
        %dma_start3A_309 = arith.constant 1 : i32
        %dma_start3A_310 = arith.constant 1 : i32
        %dma_start3A_311 = arith.constant 0 : i32
        %dma_start3A_312 = arith.constant 0 : i32
        %dma_start3A_313 = tpu.memref_slice %arg10[%dma_start3A_310, %dma_start3A_311, %dma_start3A_312] : memref<2x100x128xf32, #tpu.memory_space<vmem>> -> memref<1x100x128xf32, #tpu.memory_space<vmem>>
        %dma_start3A_314 = tpu.memref_squeeze %dma_start3A_313 : memref<1x100x128xf32, #tpu.memory_space<vmem>> -> memref<100x128xf32, #tpu.memory_space<vmem>>
        %dma_start3A_315 = arith.constant 0 : i32
        %dma_start3A_316 = tpu.memref_slice %arg12[%dma_start3A_309, %dma_start3A_315] : memref<2x100xi32, #tpu.memory_space<vmem>> -> memref<1x100xi32, #tpu.memory_space<vmem>>
        %dma_start3A_317 = tpu.memref_squeeze %dma_start3A_316 : memref<1x100xi32, #tpu.memory_space<vmem>> -> memref<100xi32, #tpu.memory_space<vmem>>
        %dma_start3A_318 = arith.constant 0 : i32
        %dma_start3A_319 = arith.constant 0 : i32
        %dma_start3A_320 = tpu.memref_slice %arg3[%dma_start3A_318, %dma_start3A_319] : memref<1000000x128xf32, #tpu.memory_space<hbm>> -> memref<1000000x128xf32, #tpu.memory_space<hbm>>
        tpu.enqueue_indirect_dma source(%dma_start3A_320 : memref<1000000x128xf32, #tpu.memory_space<hbm>>) target(%dma_start3A_314 : memref<100x128xf32, #tpu.memory_space<vmem>>) offsets(%dma_start3A_317 : memref<100xi32, #tpu.memory_space<vmem>>) semaphore(%arg16 : memref<!tpu.dma_semaphore, #tpu.memory_space<semaphore_mem>>)
      } else {
      }
    }
    %scan3A_163 = arith.constant 32 : i32
    %add3A_164 = arith.constant 64 : i32
    %add3A_165 = arith.addi %mul3A_2, %add3A_164 : i32
    %sub3A = arith.constant 2 : i32
    %sub3A_166 = arith.subi %add3A_165, %sub3A : i32
    %add3A_167 = arith.constant 0 : i32
    %add3A_168 = arith.addi %sub3A_166, %add3A_167 : i32
    %dma_wait3A = arith.constant 0 : i32
    %dma_wait3A_169 = arith.constant 0 : i32
    %dma_wait3A_170 = arith.constant 0 : i32
    %dma_wait3A_171 = tpu.memref_slice %arg11[%dma_wait3A, %dma_wait3A_169, %dma_wait3A_170] : memref<2x100x128xf32, #tpu.memory_space<vmem>> -> memref<1x100x128xf32, #tpu.memory_space<vmem>>
    %dma_wait3A_172 = tpu.memref_squeeze %dma_wait3A_171 : memref<1x100x128xf32, #tpu.memory_space<vmem>> -> memref<100x128xf32, #tpu.memory_space<vmem>>
    %dma_wait3A_173 = arith.constant 0 : i32
    %dma_wait3A_174 = arith.constant 0 : i32
    %dma_wait3A_175 = tpu.memref_slice %arg8[%add3A_168, %dma_wait3A_173, %dma_wait3A_174] : memref<2048x100x128xf32, #tpu.memory_space<hbm>> -> memref<1x100x128xf32, #tpu.memory_space<hbm>>
    %dma_wait3A_176 = tpu.memref_squeeze %dma_wait3A_175 : memref<1x100x128xf32, #tpu.memory_space<hbm>> -> memref<100x128xf32, #tpu.memory_space<hbm>>
    %dma_wait3A_177 = arith.constant 0 : i32
    %dma_wait3A_178 = arith.constant 0 : i32
    %dma_wait3A_179 = tpu.memref_slice %arg8[%add3A_168, %dma_wait3A_177, %dma_wait3A_178] : memref<2048x100x128xf32, #tpu.memory_space<hbm>> -> memref<1x100x128xf32, #tpu.memory_space<hbm>>
    %dma_wait3A_180 = tpu.memref_squeeze %dma_wait3A_179 : memref<1x100x128xf32, #tpu.memory_space<hbm>> -> memref<100x128xf32, #tpu.memory_space<hbm>>
    %dma_wait3A_181 = arith.constant 0 : i32
    %dma_wait3A_182 = arith.constant 0 : i32
    %dma_wait3A_183 = tpu.memref_slice %arg11[%dma_wait3A, %dma_wait3A_181, %dma_wait3A_182] : memref<2x100x128xf32, #tpu.memory_space<vmem>> -> memref<1x100x128xf32, #tpu.memory_space<vmem>>
    %dma_wait3A_184 = tpu.memref_squeeze %dma_wait3A_183 : memref<1x100x128xf32, #tpu.memory_space<vmem>> -> memref<100x128xf32, #tpu.memory_space<vmem>>
    tpu.wait_dma2 semaphore(%arg17 : memref<!tpu.dma_semaphore, #tpu.memory_space<semaphore_mem>>) src(%dma_wait3A_184 : memref<100x128xf32, #tpu.memory_space<vmem>>) dst(%dma_wait3A_180 : memref<100x128xf32, #tpu.memory_space<hbm>>)
    %add3A_185 = arith.constant 64 : i32
    %add3A_186 = arith.addi %mul3A_2, %add3A_185 : i32
    %sub3A_187 = arith.constant 2 : i32
    %sub3A_188 = arith.subi %add3A_186, %sub3A_187 : i32
    %add3A_189 = arith.constant 1 : i32
    %add3A_190 = arith.addi %sub3A_188, %add3A_189 : i32
    %dma_wait3A_191 = arith.constant 1 : i32
    %dma_wait3A_192 = arith.constant 0 : i32
    %dma_wait3A_193 = arith.constant 0 : i32
    %dma_wait3A_194 = tpu.memref_slice %arg11[%dma_wait3A_191, %dma_wait3A_192, %dma_wait3A_193] : memref<2x100x128xf32, #tpu.memory_space<vmem>> -> memref<1x100x128xf32, #tpu.memory_space<vmem>>
    %dma_wait3A_195 = tpu.memref_squeeze %dma_wait3A_194 : memref<1x100x128xf32, #tpu.memory_space<vmem>> -> memref<100x128xf32, #tpu.memory_space<vmem>>
    %dma_wait3A_196 = arith.constant 0 : i32
    %dma_wait3A_197 = arith.constant 0 : i32
    %dma_wait3A_198 = tpu.memref_slice %arg8[%add3A_190, %dma_wait3A_196, %dma_wait3A_197] : memref<2048x100x128xf32, #tpu.memory_space<hbm>> -> memref<1x100x128xf32, #tpu.memory_space<hbm>>
    %dma_wait3A_199 = tpu.memref_squeeze %dma_wait3A_198 : memref<1x100x128xf32, #tpu.memory_space<hbm>> -> memref<100x128xf32, #tpu.memory_space<hbm>>
    %dma_wait3A_200 = arith.constant 0 : i32
    %dma_wait3A_201 = arith.constant 0 : i32
    %dma_wait3A_202 = tpu.memref_slice %arg8[%add3A_190, %dma_wait3A_200, %dma_wait3A_201] : memref<2048x100x128xf32, #tpu.memory_space<hbm>> -> memref<1x100x128xf32, #tpu.memory_space<hbm>>
    %dma_wait3A_203 = tpu.memref_squeeze %dma_wait3A_202 : memref<1x100x128xf32, #tpu.memory_space<hbm>> -> memref<100x128xf32, #tpu.memory_space<hbm>>
    %dma_wait3A_204 = arith.constant 0 : i32
    %dma_wait3A_205 = arith.constant 0 : i32
    %dma_wait3A_206 = tpu.memref_slice %arg11[%dma_wait3A_191, %dma_wait3A_204, %dma_wait3A_205] : memref<2x100x128xf32, #tpu.memory_space<vmem>> -> memref<1x100x128xf32, #tpu.memory_space<vmem>>
    %dma_wait3A_207 = tpu.memref_squeeze %dma_wait3A_206 : memref<1x100x128xf32, #tpu.memory_space<vmem>> -> memref<100x128xf32, #tpu.memory_space<vmem>>
    tpu.wait_dma2 semaphore(%arg18 : memref<!tpu.dma_semaphore, #tpu.memory_space<semaphore_mem>>) src(%dma_wait3A_207 : memref<100x128xf32, #tpu.memory_space<vmem>>) dst(%dma_wait3A_203 : memref<100x128xf32, #tpu.memory_space<hbm>>)
    return
  }
}

</mosaic_0001>

<sc_bundles>
// kernel: _run.3.cloned.1.call-start
scs
__scs_entry_jumppad:
0x0: {  	(pc) =	sbr.rel $0x88, $3  }
0x1: {  	(tag) =	ssettag $0x0;
	lr =	simm.s32 $0x1  }
0x2: {  	[smem:$0x3F9B] =	sst lr;
	_ =	strace $0xD0000000  }
0x3: {  	_ = 	snop  }
0x4: {  	_ = 	snop  }
0x5: {  	_ = 	snop  }
0x6: {  	_ = 	snop  }
0x7: {  	_ = 	snop  }
__scs_overlays_trampoline_lowered:
0x8: {  	[smem:$0x3FAA] =	sst s0  }
0x9: {  	[smem:$0x3FAB] =	sst s1  }
0xa: {  	[smem:$0x3FAC] =	sst s2  }
0xb: {  	[smem:$0x3FAD] =	sst s3  }
0xc: {  	[smem:$0x3FAE] =	sst s4  }
0xd: {  	[smem:$0x3FAF] =	sst s5  }
0xe: {  	[smem:$0x3FB0] =	sst s6  }
0xf: {  	[smem:$0x3FB1] =	sst s7  }
0x10: {  	[smem:$0x3FB2] =	sst s8  }
0x11: {  	[smem:$0x3FB3] =	sst s9;
	s0 =	simm.s32 @!p0 $0x0  }
0x12: {  	s1 =	sld [smem:$0x3F99];
	s0 =	simm.s32 @p0 $0x1  }
0x13: {  	[smem:$0x3FB4] =	sst s0;
	s0 =	simm.s32 @!p1 $0x0  }
0x14: {  	s2 =	sld [smem:$0x3F98];
	s0 =	simm.s32 @p1 $0x1  }
0x15: {  	[smem:$0x3FB5] =	sst s0;
	s0 =	simm.s32 @!p2 $0x0  }
0x16: {  	s3 =	sld [smem:$0x3FDB];
	s0 =	simm.s32 @p2 $0x1  }
0x17: {  	s4 =	simm.s32 $0x1BF5;
	[smem:$0x3FB7] =	sst s0  }
0x18: {  	s0 =	sld [smem:$0x3F9A];
	_ =	swait.ge [sflag:s4], $0x0  }
0x19: {  	s7 =	sld [smem:$0x3F9B]  }
0x1a: {  	s8 =	sadd.s32 $0xFFFFE003, lr  }
0x1b: {  	s9 =	sadd.s32 $0xFFFFFEF7, lr;
	s5 =	simm.s32 $0xFFFFFFFF;
	p2 =	slt.u32 s8, $0xFFFFF086  }
0x1c: {  	p1 =	slt.u32 s9, $0xF7A;
	s5 =	simm.s32 @!p2 $0x0  }
0x1d: {  	s5 =	simm.s32 @p1 $0x1;
	p0 =	seq.s32 s7, s2  }
0x1e: {  	s7 =	smul.u32 @!p0 $0xF7A, s2;
	p2 =	seq.s32 @!p0 s5, $0x0  }
0x1f: {  	s9 =	smul.u32 $0xF7A, s1;
	s8 =	simm.s32 @!p0 $0x1BF5;
	p2 =	por !p2, p0  }
0x20: {  	[sflag:s8] =	ssyncset.s32 @!p0 $0xFFFFF086;
	s6 =	sadd.s32 @!p0 s3, s7;
	s7 =	simm.s32 @!p0 $0x108  }
0x21: {  	s3 =	sadd.s32 s3, s9;
	s6 =	sadd.s32 @!p0 $0x88, s6;
	s7 =	simm.s32 @p2 $0x1082  }
0x22: {  	[simem:s7], [sflag:s8] =	dma.local @!p0 [hbm:s6], $0xF7A  }
0x23: {  	s9 =	sor.u32 $0xD0000000, s2;
	s6 =	simm.s32 $0x108;
	_ =	swait.ge @!p0 [sflag:s8], $0x0  }
0x24: {  	s3 =	sadd.s32 $0x88, s3;
	s6 =	simm.s32 @!p1 $0x1082;
	[sflag:s4] =	ssyncset.s32 $0xFFFFF086  }
0x25: {  	[simem:s6], [sflag:s4] =	dma.local [hbm:s3], $0xF7A  }
0x26: {  	[smem:$0x3F9B] =	sst s1;
	(tag) =	ssettag s2;
	_ =	strace s9  }
0x27: {  	s1 =	sld [smem:$0x3FAB]  }
0x28: {  	s2 =	sld [smem:$0x3FAC]  }
0x29: {  	s4 =	sld [smem:$0x3FAE]  }
0x2a: {  	p0 =	seq.s32 s5, $0x0;
	s5 =	sld [smem:$0x3FAF]  }
0x2b: {  	s6 =	sld [smem:$0x3FB0]  }
0x2c: {  	s7 =	sld [smem:$0x3FB1]  }
0x2d: {  	s3 =	simm.s32 $0x108;
	s8 =	sld [smem:$0x3FB2]  }
0x2e: {  	s3 =	simm.s32 @!p0 $0x1082;
	s9 =	sld [smem:$0x3FB3]  }
0x2f: {  	lr =	sadd.s32 s0, s3;
	s0 =	sld [smem:$0x3FAA]  }
0x30: {  	s3 =	sld [smem:$0x3FAD]  }
0x31: {  	[smem:$0x3FB6] =	sst s10  }
0x32: {  	s10 =	sld [smem:$0x3FB4];
	_ =	sdelay $0x3  }
0x33: {  	p0 =	seq.s32 s10, $0x1;
	s10 =	sld [smem:$0x3FB6];
	_ =	sdelay $0x3  }
0x34: {  	[smem:$0x3FB6] =	sst s10  }
0x35: {  	s10 =	sld [smem:$0x3FB5];
	_ =	sdelay $0x3  }
0x36: {  	p1 =	seq.s32 s10, $0x1;
	s10 =	sld [smem:$0x3FB6];
	_ =	sdelay $0x3  }
0x37: {  	[smem:$0x3FB6] =	sst s10  }
0x38: {  	s10 =	sld [smem:$0x3FB7]  }
0x39: {  	_ = 	snop;
	(pc) =	sbr.ind lr, $3  }
0x3a: {  	_ = 	snop  }
0x3b: {  	_ = 	snop  }
0x3c: {  	p2 =	seq.s32 s10, $0x1;
	s10 =	sld [smem:$0x3FB6]  }
0x3d: {  	_ =	shalt  }
0x3e: {  	_ =	shalt  }
0x3f: {  	_ =	shalt  }
0x40: {  	_ =	shalt  }
0x41: {  	_ =	shalt  }
0x42: {  	_ =	shalt  }
0x43: {  	_ =	shalt  }
0x44: {  	_ =	shalt  }
0x45: {  	_ =	shalt  }
0x46: {  	_ =	shalt  }
0x47: {  	_ =	shalt  }
0x48: {  	_ =	shalt  }
0x49: {  	_ =	shalt  }
0x4a: {  	_ =	shalt  }
0x4b: {  	_ =	shalt  }
0x4c: {  	_ =	shalt  }
0x4d: {  	_ =	shalt  }
0x4e: {  	_ =	shalt  }
0x4f: {  	_ =	shalt  }
0x50: {  	_ =	shalt  }
0x51: {  	_ =	shalt  }
0x52: {  	_ =	shalt  }
0x53: {  	_ =	shalt  }
0x54: {  	_ =	shalt  }
0x55: {  	_ =	shalt  }
0x56: {  	_ =	shalt  }
0x57: {  	_ =	shalt  }
0x58: {  	_ =	shalt  }
0x59: {  	_ =	shalt  }
0x5a: {  	_ =	shalt  }
0x5b: {  	_ =	shalt  }
0x5c: {  	_ =	shalt  }
0x5d: {  	_ =	shalt  }
0x5e: {  	_ =	shalt  }
0x5f: {  	_ =	shalt  }
0x60: {  	_ =	shalt  }
0x61: {  	_ =	shalt  }
0x62: {  	_ =	shalt  }
0x63: {  	_ =	shalt  }
0x64: {  	_ =	shalt  }
0x65: {  	_ =	shalt  }
0x66: {  	_ =	shalt  }
0x67: {  	_ =	shalt  }
0x68: {  	_ =	shalt  }
0x69: {  	_ =	shalt  }
0x6a: {  	_ =	shalt  }
0x6b: {  	_ =	shalt  }
0x6c: {  	_ =	shalt  }
0x6d: {  	_ =	shalt  }
0x6e: {  	_ =	shalt  }
0x6f: {  	_ =	shalt  }
0x70: {  	_ =	shalt  }
0x71: {  	_ =	shalt  }
0x72: {  	_ =	shalt  }
0x73: {  	_ =	shalt  }
0x74: {  	_ =	shalt  }
0x75: {  	_ =	shalt  }
0x76: {  	_ =	shalt  }
0x77: {  	_ =	shalt  }
0x78: {  	_ =	shalt  }
0x79: {  	_ =	shalt  }
0x7a: {  	_ =	shalt  }
0x7b: {  	_ =	shalt  }
0x7c: {  	_ =	shalt  }
0x7d: {  	_ =	shalt  }
0x7e: {  	_ =	shalt  }
0x7f: {  	_ =	shalt  }
0x80: {  	_ =	shalt  }
0x81: {  	_ =	shalt  }
0x82: {  	_ =	shalt  }
0x83: {  	_ =	shalt  }
0x84: {  	_ =	shalt  }
0x85: {  	_ =	shalt  }
0x86: {  	_ =	shalt  }
0x87: {  	_ =	shalt  }
.Lfunc_end0:
.L_simem_size_0:
called_computation_lowered:
.L_overlay_start_0:
0x88: {  	s2 =	sld [smem:$0x3FD9]  }
0x89: {  	s3 =	sld [smem:$0x3FFE];
	_ =	sdelay $0x1  }
0x8a: {  	s1 =	srdreg.scid  }
0x8b: {  	s0 =	sand.u32 $0x1, s1  }
0x8c: {  	s17 =	sshll.u32 s0, $0xA;
	s2 =	sadd.s32 s3, s2  }
0x8d: {  	s2 =	sadd.s32 s2, s17  }
0x8e: {  	[smem:$0x3FC2] =	sst s2  }
0x8f: {  	_ = 	snop  }
0x90: {  	s2 =	sld [smem:$0x3FC8]  }
0x91: {  	s18 =	sld [smem:$0x3FC7]  }
0x92: {  	s4 =	sld [smem:$0x3FC6]  }
0x93: {  	s5 =	sld [smem:$0x3FC5]  }
0x94: {  	s6 =	sld [smem:$0x3FC4]  }
0x95: {  	s7 =	sld [smem:$0x3FD0];
	(tm) =	ssettm $0x1  }
0x96: {  	s8 =	sld [smem:$0x3FFB];
	_ =	sdelay $0x3  }
0x97: {  	_ =	strace s8  }
0x98: {  	s8 =	sld [smem:$0x3FFC];
	_ =	sdelay $0x3  }
0x99: {  	_ =	strace s8  }
0x9a: {  	s8 =	sld [smem:$0x3FFD];
	_ =	sdelay $0x3  }
0x9b: {  	_ =	strace s8  }
0x9c: {  	_ =	strace $0x8FFFFFFF  }
0x9d: {  	s19 =	sld [smem:$0x3FDB];
	_ =	sdelay $0x1  }
0x9e: {  	s9 =	simm.s32 $_scs_section_size  }
0x9f: {  	s10 =	simm.s32 $_size__tile_overlayer_lowered;
	s11 =	simm.s32 $_tile_overlayer_lowered  }
0xa0: {  	s22 =	simm.s32 $0x1BFF;
	s21 =	sshll.u32 s11, $0x1;
	s8 =	sadd.s32 s9, s19  }
0xa1: {  	s12 =	simm.s32 $0x0;
	s20 =	sshll.u32 s10, $0x1;
	s10 =	sadd.s32 s21, s8  }
0xa2: {  	[timem:s12], [sflag:s22] =	dma.local [hbm:s10], s20  }
0xa3: {  	_ =	swait.ge [sflag:s22], s20  }
0xa4: {  	s9 =	ssub.s32 $0x0, s20;
	[sflag:s22] =	ssyncset.done $0x0  }
0xa5: {  	[sflag:s22] =	ssyncadd.s32 s9;
	_ =	sdelay $0x1  }
0xa6: {  	s23 =	simm.s32 $0x1B8B  }
0xa7: {  	_ =	swait.ge [sflag:s23], $0x1  }
0xa8: {  	[sflag:s23] =	ssyncset.done $0x0  }
0xa9: {  	s25 =	simm.s32 $0x1B8E;
	s24 =	sld [smem:$0x3FFE];
	[sflag:s23] =	ssyncadd.s32 $0xFFFFFFFF  }
0xaa: {  	s26 =	simm.s32 $execute0_lowered;
	[smem:$0x3FD2] =	sst s25  }
0xab: {  	s10 =	sshll.u32 s26, $0x1;
	_ =	strace $0x80000046;
	[dreg:$0x1] =	wrdreg $0xFFFFFFFF  }
0xac: {  	s28 =	simm.s32 $_size_execute0_lowered;
	s8 =	sadd.s32 s8, s10;
	[dreg:$0x0] =	wrdreg $0x0  }
0xad: {  	s10 =	sshll.u32 s28, $0x1;
	[dreg:$0x2] =	wrdreg s8  }
0xae: {  	[dreg:$0x3] =	wrdreg s10  }
0xaf: {  	[dreg:$0x4] =	wrdreg $0xC0  }
0xb0: {  	_ =	task [dreg:s12], $0x5FFFF  }
0xb1: {  	[dreg:$0x1] =	wrdreg $0xFFFFFFFF  }
0xb2: {  	[dreg:$0x0] =	wrdreg $0x60  }
0xb3: {  	[dreg:$0x2] =	wrdreg s7  }
0xb4: {  	[dreg:$0x3] =	wrdreg s2  }
0xb5: {  	[dreg:$0x4] =	wrdreg s18  }
0xb6: {  	[dreg:$0x5] =	wrdreg s4  }
0xb7: {  	[dreg:$0x6] =	wrdreg s5  }
0xb8: {  	[dreg:$0x7] =	wrdreg s6  }
0xb9: {  	[dreg:$0x8] =	wrdreg s24  }
0xba: {  	[dreg:$0x9] =	wrdreg $0x9  }
0xbb: {  	_ =	task.clear_ibuf [dreg:s12], $0xAFFFF;
	_ =	strace $0x90000046  }
0xbc: {  	s29 =	simm.s32 $0x9;
	_ =	strace $0x80000048  }
0xbd: {  	_ =	swait.ge [sflag:s29], $0x1  }
0xbe: {  	[sflag:s29] =	ssyncadd.s32 $0xFFFFFFFF  }
0xbf: {  	_ =	strace $0x90000048  }
0xc0: {  	_ =	sfence  }
0xc1: {  	s30 =	sld [smem:$0x0];
	_ =	sdelay $0x2  }
0xc2: {  	s31 =	sshll.u32 s1, $0xD;
	s1 =	sshrl.u32 s1, $0x2  }
0xc3: {  	s3 =	sand.u32 $0x4000, s31;
	s1 =	sadd.s32 s1, s30  }
0xc4: {  	s0 =	sor.u32 s3, s0;
	s1 =	sshll.u32 s1, $0x11  }
0xc5: {  	s0 =	sor.u32 s1, s0  }
0xc6: {  	s0 =	sadd.s32 $0x8F2B, s0  }
0xc7: {  	[sflag:s0] =	ssyncadd.remote.s32 $0x1  }
0xc8: {  	_ =	sfence.sel $0xFFFF  }
0xc9: {  	[dreg:$0x0] =	wrdreg $0xFFFFFFFF;
	(pc) =	sbr.abs _section_cstart, $3  }
0xca: {  	[dreg:$0x1] =	wrdreg $0xFFFFFFFF  }
0xcb: {  	_ =	task.clear_ibuf [dreg:s12], $0x2FFFF;
	_ =	strace $0x9FFFFFFF  }
0xcc: {  	(tm) =	ssettm $0x7FFFFFFF  }
0xcd: {  	_ =	shalt  }
tec
execute0_lowered:
.L_overlay_start_1:
0x0: {  	(tag) =	ssettag $0x1  }
0x1: {  	s0 =	rddreg [dreg:$0x0]  }
0x2: {  	s1 =	rddreg [dreg:$0x1]  }
0x3: {  	v0 =	vimm.s32 $0xEFCDAB89;
	s2 =	rddreg [dreg:$0x6];
	s3 =	srdreg.scid;
	v1 =	vimm.s32 $0x67452301;
	v2 =	vimm.s32 $0xDCFE98BA  }
0x4: {  	s4 =	stileid.u32;
	s8 =	simm.s32 $0x0;
	v3 =	vimm.s32 $0x54761032;
	v4 =	vimm.s32 $0xBA98FEDC;
	v5 =	vimm.s32 $0x32107654;
	s14 =	simm.s32 $0x5  }
0x5: {  	v6 =	vimm.s32 $0xFEDCBA98;
	s15 =	simm.s32 $0x13600;
	s16 =	simm.s32 $0x13500;
	s17 =	simm.s32 $0x13580  }
0x6: {  	v7 =	vimm.s32 $0x76543210;
	s18 =	simm.s32 $0x13400;
	s19 =	simm.s32 $0x64;
	s20 =	simm.s32 $0x6400;
	v0 =	vunpack.c.l.s4.s8 v0;
	v1 =	vunpack.c.l.s4.s8 v1  }
0x7: {  	s21 =	simm.s32 $0x13480;
	s22 =	simm.s32 $0x9800;
	s23 =	simm.s32 $0x1;
	v2 =	vunpack.c.l.s4.s8 v2;
	v3 =	vunpack.c.l.s4.s8 v3;
	v4 =	vunpack.c.l.s4.s8 v4  }
0x8: {  	s24 =	simm.s32 $0xCC00;
	s25 =	simm.s32 $0x2;
	s28 =	simm.s32 $0x3;
	v5 =	vunpack.c.l.s4.s8 v5;
	v6 =	vunpack.c.l.s4.s8 v6;
	v7 =	vunpack.c.l.s4.s8 v7  }
0x9: {  	s29 =	simm.s32 $0x4;
	s30 =	simm.s32 $0x0;
	s3 =	sand.u32 $0x1, s3;
	v0 =	vunpack.c.0.s8.s32 v0;
	v1 =	vunpack.c.0.s8.s32 v1;
	v2 =	vunpack.c.0.s8.s32 v2  }
.Ltmp0:
0xa: {  	s4 =	sshll.u32 s4, $0x7;
	s5 =	sshll.u32 s3, $0x6;
	v3 =	vunpack.c.0.s8.s32 v3;
	v4 =	vunpack.c.0.s8.s32 v4;
	v5 =	vunpack.c.0.s8.s32 v5;
	(pc) =	sbr.rel .LBB2_1-.Ltmp0, $4  }
0xb: {  	[smem:$0x7FF] =	sst s8;
	s3 =	ssub.s32 $0x2, s3;
	s9 =	sor.u32 s5, s4;
	v0 =	vcombine.low v1, v0;
	v1 =	vunpack.c.0.s8.s32 v6  }
0xc: {  	s10 =	sadd.s32 $0x400, s2;
	s26 =	sshrl.u32 s3, $0x1;
	s5 =	sshll.u32 s9, $0x4;
	v2 =	vcombine.low v3, v2;
	v3 =	vcombine.low v5, v4;
	v4 =	vunpack.c.0.s8.s32 v7  }
0xd: {  	_ =	strace $0x80000047;
	s31 =	ssub.s32 s3, s26;
	s11 =	sadd.s32 s0, s5;
	v0 =	vand.u32 $0xF, v0;
	v5 =	vand.u32 $0xF, v1  }
0xe: {  	s26 =	simm.s32 $0x10000;
	s13 =	smax.u32 s31, $0x1;
	s12 =	sadd.s32 $0x10, s11;
	v1 =	vand.u32 $0xF, v2;
	v2 =	vand.u32 $0xF, v3;
	v3 =	vcombine.low v5, v4  }
.LBB2_10:
0xf: {  	s30 =	sadd.s32 $0x1, s30  }
0x10: {  	_ =	swait.ge [sflag:s28], $0x3200;
	p0 =	sne.s32 s30, s13  }
.Ltmp1:
0x11: {  	[sflag:s28] =	ssyncset.done $0x0;
	(pc) =	sbr.rel @!p0 .LBB2_11-.Ltmp1, $4  }
0x12: {  	[sflag:s28] =	ssyncadd.s32 $0xFFFFCE00  }
0x13: {  	_ =	swait.ge [sflag:s29], $0x3200  }
0x14: {  	[sflag:s29] =	ssyncset.done $0x0  }
0x15: {  	[sflag:s29] =	ssyncadd.s32 $0xFFFFCE00  }
.LBB2_1:
0x16: {  	s2 =	rddreg [dreg:$0x2]  }
0x17: {  	[tilespmem:s8], [sflag:$0x5] =	stream.linear.gather [hbm4b:s2+s8], $0x6400, $0x38;
	[tilespmem:$0x13680] =	vst v63  }
0x18: {  	_ =	swait.ge [sflag:s14], $0x6400  }
0x19: {  	[sflag:s14] =	ssyncset.done $0x0  }
0x1a: {  	[sflag:s14] =	ssyncadd.s32 $0xFFFF9C00  }
0x1b: {  	s6 =	rddreg [dreg:$0x3]  }
0x1c: {  	[tilespmem:s15], [sflag:$0x5] =	stream.linear.gather [hbm4b:s6+s8], $0x80, $0x38;
	[tilespmem:$0x13680] =	vst v63  }
0x1d: {  	_ =	swait.ge [sflag:s14], $0x80  }
0x1e: {  	[sflag:s14] =	ssyncset.done $0x0  }
0x1f: {  	[sflag:s14] =	ssyncadd.s32 $0xFFFFFF80  }
0x20: {  	s7 =	rddreg [dreg:$0x4]  }
0x21: {  	[tilespmem:s16], [sflag:$0x5] =	stream.linear.gather [hbm4b:s7+s8], $0x80, $0x38;
	[tilespmem:$0x13680] =	vst v63  }
0x22: {  	_ =	swait.ge [sflag:s14], $0x80  }
0x23: {  	[sflag:s14] =	ssyncset.done $0x0  }
0x24: {  	[sflag:s14] =	ssyncadd.s32 $0xFFFFFF80  }
0x25: {  	s31 =	rddreg [dreg:$0x5]  }
0x26: {  	[tilespmem:s17], [sflag:$0x5] =	stream.linear.gather [hbm4b:s31+s8], $0x80, $0x38;
	[tilespmem:$0x13680] =	vst v63  }
0x27: {  	_ =	swait.ge [sflag:s14], $0x80  }
0x28: {  	[sflag:s14] =	ssyncset.done $0x0  }
0x29: {  	[sflag:s14] =	ssyncadd.s32 $0xFFFFFF80  }
0x2a: {  	v10 =	vld [tilespmem:$0x13600]  }
0x2b: {  	v11 =	vld [tilespmem:$0x13610]  }
0x2c: {  	v9 =	vld [tilespmem:$0x13620]  }
0x2d: {  	v8 =	vld [tilespmem:$0x13630]  }
0x2e: {  	v7 =	vld [tilespmem:$0x13640]  }
0x2f: {  	v6 =	vld [tilespmem:$0x13650]  }
0x30: {  	v5 =	vld [tilespmem:$0x13660]  }
0x31: {  	s2 =	simm.s32 $0x0;
	v4 =	vld [tilespmem:$0x13670]  }
0x32: {  	v15 =	vld [tilespmem:s2+$0x0]  }
0x33: {  	v17 =	vld [tilespmem:s2+$0x10]  }
0x34: {  	v16 =	vld [tilespmem:s2+$0x20]  }
0x35: {  	v14 =	vld [tilespmem:s2+$0x30]  }
0x36: {  	v12 =	vld [tilespmem:s2+$0x40]  }
0x37: {  	v13 =	vld [tilespmem:s2+$0x50];
	v18 =	vadd.f32 v15, v10  }
0x38: {  	s3 =	simm.s32 $0x200;
	v17 =	vadd.f32 v17, v11;
	v15 =	vld [tilespmem:s2+$0x60]  }
.LBB2_2:
0x39: {  	s4 =	sshra.s32 s3, $0x2;
	p0 =	sne.s32 s3, $0x18E00;
	[tilespmem:s2+$0x0] =	vst v18;
	v16 =	vadd.f32 v16, v9;
	v18 =	vld [tilespmem:s2+$0x70]  }
0x3a: {  	v19 =	vld [tilespmem:s4+$0x0];
	[tilespmem:s2+$0x10] =	vst v17;
	v14 =	vadd.f32 v14, v8  }
0x3b: {  	v17 =	vld [tilespmem:s4+$0x10];
	[tilespmem:s2+$0x20] =	vst v16;
	v12 =	vadd.f32 v12, v7  }
.Ltmp2:
0x3c: {  	v16 =	vld [tilespmem:s4+$0x20];
	[tilespmem:s2+$0x30] =	vst v14;
	v13 =	vadd.f32 v13, v6;
	(pc) =	sbr.rel @p0 .LBB2_2-.Ltmp2, $4  }
0x3d: {  	v14 =	vld [tilespmem:s4+$0x30];
	[tilespmem:s2+$0x40] =	vst v12;
	v15 =	vadd.f32 v15, v5  }
0x3e: {  	v12 =	vld [tilespmem:s4+$0x40];
	[tilespmem:s2+$0x50] =	vst v13;
	v20 =	vadd.f32 v18, v4  }
0x3f: {  	v18 =	vadd.f32 v19, v10;
	v13 =	vld [tilespmem:s4+$0x50];
	[tilespmem:s2+$0x60] =	vst v15  }
0x40: {  	s3 =	sadd.s32 $0x200, s3;
	v17 =	vadd.f32 v17, v11;
	v15 =	vld [tilespmem:s4+$0x60];
	[tilespmem:s2+$0x70] =	vst v20;
	s2 =	smov.u32 s4  }
0x41: {  	[tilespmem:s2+$0x0] =	vst v18;
	v9 =	vadd.f32 v16, v9;
	v10 =	vld [tilespmem:s2+$0x70]  }
0x42: {  	[tilespmem:s2+$0x10] =	vst v17;
	v8 =	vadd.f32 v14, v8  }
0x43: {  	[tilespmem:s2+$0x20] =	vst v9;
	v7 =	vadd.f32 v12, v7  }
0x44: {  	[tilespmem:s2+$0x30] =	vst v8;
	v6 =	vadd.f32 v13, v6  }
0x45: {  	[tilespmem:s2+$0x40] =	vst v7;
	v5 =	vadd.f32 v15, v5  }
0x46: {  	[tilespmem:s2+$0x50] =	vst v6;
	v4 =	vadd.f32 v10, v4  }
0x47: {  	[tilespmem:s2+$0x60] =	vst v5  }
0x48: {  	[tilespmem:s2+$0x70] =	vst v4  }
0x49: {  	v4 =	vld [tilespmem:$0x13510]  }
0x4a: {  	v14 =	vld [tilespmem:$0x13500]  }
0x4b: {  	v7 =	vld [tilespmem:$0x13540]  }
0x4c: {  	v18 =	vld [tilespmem:$0x13550]  }
0x4d: {  	v9 =	vld [tilespmem:$0x13560]  }
0x4e: {  	[tilespmem:$0x1FF10] =	vst v4;
	v4 =	vld [tilespmem:$0x13520]  }
0x4f: {  	v19 =	vld [tilespmem:$0x13580]  }
0x50: {  	v5 =	vld [tilespmem:$0x13590]  }
0x51: {  	v12 =	vld [tilespmem:$0x135A0]  }
0x52: {  	v10 =	vld [tilespmem:$0x135F0]  }
0x53: {  	[tilespmem:$0x1FF20] =	vst v4;
	v4 =	vld [tilespmem:$0x13530]  }
0x54: {  	v6 =	vld [tilespmem:$0x135B0]  }
0x55: {  	v16 =	vld [tilespmem:$0x135C0]  }
0x56: {  	v8 =	vld [tilespmem:$0x135D0]  }
0x57: {  	s31 =	simm.s32 $0x0;
	v15 =	vld [tilespmem:$0x135E0];
	[tilespmem:$0x1FF40] =	vst v10  }
0x58: {  	[tilespmem:$0x1FF30] =	vst v4;
	v4 =	vld [tilespmem:$0x13570];
	[tilespmem:s18], [sflag:$0x5] =	stream.linear.gather [hbm4b:s11+s31], $0x80, $0x38  }
0x59: {  	_ =	swait.ge [sflag:s14], $0x80  }
0x5a: {  	[sflag:s14] =	ssyncset.done $0x0  }
0x5b: {  	[sflag:s14] =	ssyncadd.s32 $0xFFFFFF80  }
0x5c: {  	[tilespmem:s20], [sflag:$0x1] =	stream.indirect.gather [hbm4b:s1+s19], $0x80, s18, s19, $0xb8;
	[tilespmem:$0x13680] =	vst v63  }
0x5d: {  	_ = 	snop  }
0x5e: {  	[tilespmem:s21], [sflag:$0x5] =	stream.linear.gather [hbm4b:s12+s31], $0x80, $0x38;
	[tilespmem:$0x13680] =	vst v63  }
0x5f: {  	_ =	swait.ge [sflag:s14], $0x80  }
0x60: {  	[tilespmem:$0x1FF50] =	vst v4  }
0x61: {  	[tilespmem:$0x1FF60] =	vst v7  }
0x62: {  	[tilespmem:$0x1FF70] =	vst v9  }
0x63: {  	[tilespmem:$0x1FF80] =	vst v5  }
0x64: {  	[tilespmem:$0x1FF90] =	vst v6  }
0x65: {  	[tilespmem:$0x1FFA0] =	vst v8  }
0x66: {  	[tilespmem:$0x1FFB0] =	vst v18  }
0x67: {  	[tilespmem:$0x1FFC0] =	vst v12  }
0x68: {  	[tilespmem:$0x1FFD0] =	vst v16  }
0x69: {  	[sflag:s14] =	ssyncset.done $0x0;
	[tilespmem:$0x1FFE0] =	vst v15  }
0x6a: {  	[tilespmem:$0x1FFF0] =	vst v19;
	[sflag:s14] =	ssyncadd.s32 $0xFFFFFF80  }
0x6b: {  	[tilespmem:s22], [sflag:$0x2] =	stream.indirect.gather [hbm4b:s1+s19], $0x80, s21, s19, $0xb8;
	[tilespmem:$0x13680] =	vst v63  }
.LBB2_4:
0x6c: {  	_ =	swait.ge [sflag:s23], $0x3200  }
0x6d: {  	p0 =	seq.s32 s31, $0x0;
	[sflag:s23] =	ssyncset.done $0x0  }
0x6e: {  	s2 =	simm.s32 @!p0 $0x3;
	[sflag:s23] =	ssyncadd.s32 $0xFFFFCE00  }
0x6f: {  	_ =	swait.ge @!p0 [sflag:s2], $0x3200  }
0x70: {  	[sflag:s2] =	ssyncset.done @!p0 $0x0  }
0x71: {  	[sflag:s2] =	ssyncadd.s32 @!p0 $0xFFFFCE00;
	s2 =	simm.s32 $0xF0  }
0x72: {  	v20 =	vld [tilespmem:s2+$0x6390]  }
0x73: {  	v21 =	vld [tilespmem:s2+$0xFFFFFF90]  }
0x74: {  	v22 =	vld [tilespmem:s2+$0x63A0]  }
0x75: {  	v23 =	vld [tilespmem:s2+$0xFFFFFFA0]  }
0x76: {  	v24 =	vld [tilespmem:s2+$0x63B0]  }
0x77: {  	v25 =	vld [tilespmem:s2+$0xFFFFFFB0]  }
0x78: {  	v26 =	vld [tilespmem:s2+$0x63C0]  }
0x79: {  	v27 =	vld [tilespmem:s2+$0xFFFFFFC0]  }
0x7a: {  	v29 =	vld [tilespmem:s2+$0x63D0]  }
0x7b: {  	v31 =	vld [tilespmem:s2+$0xFFFFFFD0]  }
0x7c: {  	v32 =	vld [tilespmem:s2+$0x63E0]  }
0x7d: {  	v34 =	vld [tilespmem:s2+$0xFFFFFFE0]  }
0x7e: {  	v36 =	vld [tilespmem:s2+$0x63F0]  }
0x7f: {  	v37 =	vld [tilespmem:s2+$0xFFFFFFF0]  }
0x80: {  	v38 =	vld [tilespmem:s2+$0x6400]  }
0x81: {  	v39 =	vld [tilespmem:s2+$0x0];
	_ =	sdelay $0x1  }
0x82: {  	v30 =	vadd.f32 v21, v20;
	v35 =	vadd.f32 v23, v22  }
0x83: {  	v24 =	vadd.f32 v25, v24;
	v28 =	vadd.f32 v27, v26  }
0x84: {  	v33 =	vadd.f32 v31, v29;
	v26 =	vadd.f32 v34, v32  }
0x85: {  	v27 =	vadd.f32 v37, v36;
	v34 =	vadd.f32 v39, v38  }
0x86: {  	v20 =	vadd.f32 v35, v30;
	v21 =	vadd.f32 v28, v24;
	v22 =	vmul.f32 v30, v30  }
0x87: {  	v56 =	vld [tilespmem:s2+$0x6310];
	v23 =	vadd.f32 v26, v33;
	v25 =	vmul.f32 v35, v35;
	v29 =	vmul.f32 v24, v24  }
0x88: {  	v40 =	vld [tilespmem:s2+$0xFFFFFF10];
	v31 =	vadd.f32 v34, v27;
	v54 =	vmul.f32 v28, v28;
	v55 =	vmul.f32 v33, v33  }
0x89: {  	v60 =	vld [tilespmem:s2+$0x6330];
	v57 =	vmul.f32 v26, v26;
	v58 =	vmul.f32 v27, v27  }
0x8a: {  	v61 =	vld [tilespmem:s2+$0xFFFFFF40];
	v20 =	vadd.f32 v21, v20;
	v21 =	vadd.f32 v31, v23;
	v23 =	vmul.f32 v34, v34  }
0x8b: {  	v42 =	vld [tilespmem:s2+$0x6360];
	v22 =	vadd.f32 v25, v22;
	v25 =	vadd.f32 v54, v29  }
0x8c: {  	v10 =	vld [tilespmem:s2+$0xFFFFFF60];
	v59 =	vadd.f32 v57, v55;
	v23 =	vadd.f32 v23, v58  }
0x8d: {  	v43 =	vld [tilespmem:s2+$0x6370];
	v20 =	vadd.f32 v21, v20  }
0x8e: {  	v45 =	vld [tilespmem:s2+$0xFFFFFF70];
	v22 =	vadd.f32 v25, v22;
	v23 =	vadd.f32 v23, v59  }
0x8f: {  	v31 =	vld [tilespmem:s2+$0x6320]  }
0x90: {  	v29 =	vld [tilespmem:s2+$0xFFFFFF20];
	v22 =	vadd.f32 v23, v22;
	v23 =	vperm.xlane v20, v0  }
0x91: {  	v21 =	vld [tilespmem:s2+$0xFFFFFF30]  }
0x92: {  	v25 =	vld [tilespmem:s2+$0x6340];
	v20 =	vadd.f32 v20, v23;
	v23 =	vperm.xlane v22, v0;
	_ =	sdelay $0x1  }
0x93: {  	v41 =	vadd.f32 v40, v56;
	v11 =	vperm.xlane v20, v1;
	v22 =	vadd.f32 v23, v22  }
0x94: {  	v62 =	vld [tilespmem:s2+$0x6350];
	v10 =	vadd.f32 v10, v42;
	v50 =	vadd.f32 v45, v43  }
0x95: {  	v63 =	vld [tilespmem:s2+$0xFFFFFF50];
	v31 =	vadd.f32 v29, v31;
	v40 =	vadd.f32 v20, v11;
	v20 =	vperm.xlane v22, v1  }
0x96: {  	v44 =	vmul.f32 v41, v41;
	v54 =	vld [tilespmem:s2+$0xFFFFFF80];
	v29 =	vadd.f32 v21, v60;
	v25 =	vadd.f32 v61, v25  }
0x97: {  	v21 =	vld [tilespmem:s2+$0x6380];
	v17 =	vmul.f32 v31, v31;
	v55 =	vperm.xlane v40, v2;
	v56 =	vadd.f32 v20, v22  }
0x98: {  	v57 =	vadd.f32 v31, v41;
	v58 =	vmul.f32 v29, v29;
	v46 =	vadd.f32 v25, v29  }
0x99: {  	v61 =	vmul.f32 v25, v25;
	v38 =	vadd.f32 v40, v55;
	v59 =	vperm.xlane v56, v2  }
0x9a: {  	v32 =	vadd.f32 v17, v44;
	v23 =	vadd.f32 v63, v62;
	v62 =	vmul.f32 v10, v10  }
0x9b: {  	v37 =	vadd.f32 v46, v57;
	v48 =	vperm.xlane v38, v3;
	v39 =	vadd.f32 v59, v56  }
0x9c: {  	v63 =	vmul.f32 v50, v50;
	v60 =	vadd.f32 v10, v23;
	v51 =	vadd.f32 v54, v21  }
0x9d: {  	[tilespmem:$0x1FEA0] =	vst v10;
	v47 =	vmul.f32 v23, v23;
	v38 =	vadd.f32 v38, v48;
	v10 =	vperm.xlane v39, v3  }
0x9e: {  	v42 =	vadd.f32 v61, v58;
	v11 =	vadd.f32 v51, v50;
	v49 =	vmul.f32 v51, v51  }
0x9f: {  	v36 =	vadd.f32 v62, v47;
	v39 =	vadd.f32 v10, v39;
	v38 =	vmul.f32 $7.812500000e-03, v38  }
0xa0: {  	v43 =	vadd.f32 v11, v60;
	v40 =	vadd.f32 v49, v63  }
0xa1: {  	v32 =	vadd.f32 v42, v32;
	v39 =	vmul.f32 $7.812500000e-03, v39;
	v17 =	vmul.f32 v38, v38  }
0xa2: {  	v37 =	vadd.f32 v43, v37;
	v36 =	vadd.f32 v40, v36  }
0xa3: {  	v39 =	vsub.f32 v39, v17  }
0xa4: {  	v44 =	vperm.xlane v37, v0;
	v32 =	vadd.f32 v36, v32  }
0xa5: {  	v45 =	vadd.f32 $9.999999960e-13, v39  }
0xa6: {  	v37 =	vadd.f32 v37, v44;
	v46 =	vperm.xlane v32, v0  }
0xa7: {  	v47 =	vshra.s32 v45, $0x1;
	v36 =	vmul.f32 $5.000000000e-01, v45  }
0xa8: {  	v48 =	vperm.xlane v37, v1;
	v32 =	vadd.f32 v46, v32;
	v40 =	vsub.s32 $0x5F3759DF, v47  }
0xa9: {  	v49 =	vmul.f32 v40, v36  }
0xaa: {  	v37 =	vadd.f32 v37, v48;
	v52 =	vperm.xlane v32, v1  }
0xab: {  	v39 =	vmul.f32 v40, v49  }
0xac: {  	v53 =	vperm.xlane v37, v2;
	v32 =	vadd.f32 v52, v32  }
0xad: {  	v39 =	vsub.f32 $1.500000000e+00, v39  }
0xae: {  	v37 =	vadd.f32 v37, v53;
	v42 =	vperm.xlane v32, v2  }
0xaf: {  	v39 =	vmul.f32 v40, v39  }
0xb0: {  	v54 =	vperm.xlane v37, v3;
	v42 =	vadd.f32 v42, v32  }
0xb1: {  	v55 =	vmul.f32 v39, v36  }
0xb2: {  	s7 =	simm.s32 $0x1F0;
	v11 =	vld [tilespmem:$0x1FF40];
	v37 =	vadd.f32 v37, v54;
	v56 =	vperm.xlane v42, v3  }
0xb3: {  	v43 =	vld [tilespmem:s7+$0xFFFFFFB0];
	v57 =	vmul.f32 v55, v39  }
0xb4: {  	v44 =	vld [tilespmem:s7+$0xFFFFFFA0];
	v32 =	vmul.f32 $7.812500000e-03, v37;
	v42 =	vadd.f32 v56, v42  }
0xb5: {  	v46 =	vld [tilespmem:s7+$0xFFFFFF90];
	v58 =	vsub.f32 $1.500000000e+00, v57  }
0xb6: {  	v48 =	vld [tilespmem:s7+$0x63C0];
	v59 =	vmul.f32 v32, v32;
	v42 =	vmul.f32 $7.812500000e-03, v42  }
0xb7: {  	v52 =	vld [tilespmem:s7+$0x63D0];
	v39 =	vmul.f32 v58, v39  }
0xb8: {  	v53 =	vld [tilespmem:s7+$0xFFFFFFD0];
	v42 =	vsub.f32 v42, v59  }
0xb9: {  	v47 =	vld [tilespmem:s7+$0x63B0];
	v36 =	vmul.f32 v39, v36  }
0xba: {  	v49 =	vld [tilespmem:s7+$0xFFFFFFC0];
	v42 =	vadd.f32 $9.999999960e-13, v42  }
0xbb: {  	v54 =	vld [tilespmem:s7+$0x63E0];
	v36 =	vmul.f32 v36, v39  }
0xbc: {  	v37 =	vld [tilespmem:s7+$0x63A0];
	v60 =	vshra.s32 v42, $0x1;
	v55 =	vmul.f32 $5.000000000e-01, v42  }
0xbd: {  	v17 =	vsub.f32 v35, v38;
	v40 =	vld [tilespmem:s7+$0x6390];
	v35 =	vsub.s32 $0x5F3759DF, v60;
	v36 =	vsub.f32 $1.500000000e+00, v36  }
0xbe: {  	v42 =	vld [tilespmem:s7+$0xFFFFFFE0];
	v57 =	vmul.f32 v35, v55  }
0xbf: {  	v61 =	vsub.f32 v28, v38;
	v45 =	vsub.f32 v24, v38;
	v58 =	vld [tilespmem:s7+$0x6400];
	v24 =	vmul.f32 v36, v39  }
0xc0: {  	v30 =	vsub.f32 v30, v38;
	v62 =	vsub.f32 v33, v38;
	v63 =	vmul.f32 v35, v57;
	v57 =	vld [tilespmem:s7+$0x0]  }
0xc1: {  	v34 =	vsub.f32 v34, v38;
	[tilespmem:$0x1FEB0] =	vst v61;
	v61 =	vsub.f32 v27, v38;
	v56 =	vld [tilespmem:s7+$0x63F0];
	v39 =	vmul.f32 v24, v4  }
0xc2: {  	v59 =	vld [tilespmem:s7+$0x6310];
	v33 =	vadd.f32 v46, v40;
	v60 =	vsub.f32 v26, v38  }
0xc3: {  	[tilespmem:$0x1FEC0] =	vst v62;
	v40 =	vadd.f32 v44, v37;
	v37 =	vadd.f32 v53, v52;
	v36 =	vld [tilespmem:s7+$0xFFFFFFF0];
	v62 =	vmul.f32 v39, v34  }
0xc4: {  	v46 =	vld [tilespmem:s7+$0xFFFFFF10];
	v53 =	vmul.f32 v33, v33;
	[tilespmem:$0x1FED0] =	vst v60;
	v38 =	vadd.f32 v42, v54;
	v60 =	vsub.f32 $1.500000000e+00, v63  }
0xc5: {  	v42 =	vld [tilespmem:s7+$0x6330];
	v28 =	vadd.f32 v57, v58;
	v57 =	vmul.f32 v40, v40;
	v63 =	vadd.f32 v62, v11  }
0xc6: {  	v22 =	vsub.f32 v41, v32;
	v34 =	vadd.f32 v43, v47;
	v43 =	vld [tilespmem:s7+$0x6320]  }
0xc7: {  	v53 =	vadd.f32 v57, v53;
	v39 =	vadd.f32 v49, v48;
	v48 =	vld [tilespmem:s7+$0xFFFFFF20];
	[tilespmem:s2+$0xCC00] =	vst v63  }
0xc8: {  	v41 =	vmul.f32 v38, v38;
	v47 =	vadd.f32 v40, v33;
	v36 =	vadd.f32 v36, v56;
	v44 =	vld [tilespmem:s7+$0xFFFFFF30]  }
0xc9: {  	v52 =	vmul.f32 v35, v60;
	v56 =	vadd.f32 v38, v37;
	v49 =	vadd.f32 v39, v34;
	v54 =	vld [tilespmem:s7+$0x6340]  }
0xca: {  	[tilespmem:$0x1FEE0] =	vst v61;
	v35 =	vmul.f32 v34, v34;
	v62 =	vmul.f32 v39, v39;
	v61 =	vadd.f32 v28, v36;
	v60 =	vld [tilespmem:s7+$0xFFFFFF40]  }
0xcb: {  	v20 =	vmul.f32 v36, v36;
	v63 =	vmul.f32 v37, v37;
	v49 =	vadd.f32 v49, v47;
	v21 =	vld [tilespmem:s7+$0x6350]  }
0xcc: {  	v58 =	vadd.f32 v62, v35;
	v47 =	vld [tilespmem:s7+$0xFFFFFF50];
	v61 =	vadd.f32 v61, v56;
	v56 =	vmul.f32 v28, v28  }
0xcd: {  	v35 =	vmul.f32 v52, v55;
	v57 =	vld [tilespmem:s7+$0x6360];
	v41 =	vadd.f32 v41, v63  }
0xce: {  	v62 =	vld [tilespmem:s7+$0xFFFFFF70];
	v53 =	vadd.f32 v58, v53;
	v20 =	vadd.f32 v56, v20  }
0xcf: {  	v63 =	vld [tilespmem:s7+$0xFFFFFF60];
	v56 =	vadd.f32 v46, v59;
	v59 =	vadd.f32 v61, v49;
	v61 =	vmul.f32 v35, v52  }
0xd0: {  	v46 =	vld [tilespmem:s7+$0x6370];
	v49 =	vadd.f32 v48, v43;
	v20 =	vadd.f32 v20, v41  }
0xd1: {  	v58 =	vmul.f32 v56, v56;
	v41 =	vld [tilespmem:s7+$0x6380];
	v61 =	vsub.f32 $1.500000000e+00, v61;
	v48 =	vadd.f32 v44, v42  }
0xd2: {  	v35 =	vperm.xlane v59, v0;
	v60 =	vadd.f32 v60, v54;
	v54 =	vld [tilespmem:s7+$0xFFFFFF80];
	v20 =	vadd.f32 v20, v53  }
0xd3: {  	v44 =	vadd.f32 v47, v21;
	v21 =	vadd.f32 v49, v56;
	v53 =	vmul.f32 v49, v49  }
0xd4: {  	v42 =	vadd.f32 v63, v57;
	v47 =	vadd.f32 v59, v35;
	v57 =	vperm.xlane v20, v0  }
0xd5: {  	v59 =	vmul.f32 v48, v48;
	v63 =	vadd.f32 v60, v48;
	v43 =	vadd.f32 v62, v46  }
0xd6: {  	v62 =	vadd.f32 v42, v44;
	v35 =	vperm.xlane v47, v1;
	v20 =	vadd.f32 v57, v20  }
0xd7: {  	v21 =	vadd.f32 v63, v21;
	v57 =	vmul.f32 v60, v60;
	v41 =	vadd.f32 v54, v41  }
0xd8: {  	v63 =	vmul.f32 v42, v42;
	v46 =	vadd.f32 v47, v35;
	v47 =	vperm.xlane v20, v1  }
0xd9: {  	v54 =	vmul.f32 v44, v44;
	v35 =	vadd.f32 v41, v43;
	v57 =	vadd.f32 v57, v59  }
0xda: {  	v59 =	vmul.f32 v43, v43;
	v20 =	vadd.f32 v47, v20;
	v47 =	vmul.f32 v41, v41  }
0xdb: {  	v53 =	vadd.f32 v53, v58;
	v58 =	vadd.f32 v35, v62;
	v35 =	vperm.xlane v46, v2  }
0xdc: {  	v54 =	vadd.f32 v63, v54;
	v47 =	vadd.f32 v47, v59  }
0xdd: {  	v53 =	vadd.f32 v57, v53;
	v46 =	vadd.f32 v46, v35;
	v35 =	vperm.xlane v20, v2  }
0xde: {  	v10 =	vmov v4;
	v4 =	vld [tilespmem:$0x1FF10];
	v21 =	vadd.f32 v58, v21;
	v47 =	vadd.f32 v47, v54  }
0xdf: {  	v52 =	vmul.f32 v61, v52;
	v63 =	vperm.xlane v46, v3;
	v20 =	vadd.f32 v35, v20  }
0xe0: {  	v62 =	vmul.f32 v24, v14;
	v35 =	vperm.xlane v21, v0;
	v47 =	vadd.f32 v47, v53  }
0xe1: {  	v55 =	vmul.f32 v52, v55;
	v46 =	vadd.f32 v46, v63;
	v61 =	vperm.xlane v20, v3  }
0xe2: {  	v13 =	vld [tilespmem:$0x1FF20];
	v30 =	vmul.f32 v62, v30;
	v21 =	vadd.f32 v21, v35;
	v63 =	vperm.xlane v47, v0  }
0xe3: {  	v54 =	vmul.f32 v24, v4;
	v20 =	vadd.f32 v61, v20;
	v53 =	vmul.f32 $7.812500000e-03, v46  }
0xe4: {  	v46 =	vmul.f32 v55, v52;
	v35 =	vperm.xlane v21, v1;
	v47 =	vadd.f32 v63, v47  }
0xe5: {  	v31 =	vsub.f32 v31, v32;
	v20 =	vmul.f32 $7.812500000e-03, v20;
	v61 =	vmul.f32 v53, v53  }
0xe6: {  	v21 =	vadd.f32 v21, v35;
	v46 =	vsub.f32 $1.500000000e+00, v46;
	v35 =	vperm.xlane v47, v1  }
0xe7: {  	v30 =	vadd.f32 v30, v19;
	v63 =	vmul.f32 v24, v13;
	v20 =	vsub.f32 v20, v61  }
0xe8: {  	v59 =	vperm.xlane v21, v2;
	v46 =	vmul.f32 v46, v52;
	v47 =	vadd.f32 v35, v47  }
0xe9: {  	v57 =	vmul.f32 v54, v17;
	v26 =	vmul.f32 v63, v45;
	v20 =	vadd.f32 $9.999999960e-13, v20  }
0xea: {  	v21 =	vadd.f32 v21, v59;
	v54 =	vmul.f32 v46, v4;
	v61 =	vperm.xlane v47, v2  }
0xeb: {  	s4 =	simm.s32 $0x2F0;
	[tilespmem:s2+$0xCB90] =	vst v30;
	v17 =	vld [tilespmem:$0x1FF30];
	v35 =	vmul.f32 v46, v13;
	v62 =	vshra.s32 v20, $0x1;
	v55 =	vmul.f32 $5.000000000e-01, v20  }
0xec: {  	v20 =	vmul.f32 v46, v14;
	v52 =	vsub.s32 $0x5F3759DF, v62;
	v45 =	vadd.f32 v61, v47;
	v61 =	vld [tilespmem:s4+$0x6390]  }
0xed: {  	v29 =	vsub.f32 v29, v32;
	v30 =	vperm.xlane v21, v3;
	v63 =	vmul.f32 v52, v55  }
0xee: {  	v25 =	vsub.f32 v25, v32;
	v31 =	vmul.f32 v54, v31;
	v20 =	vmul.f32 v20, v22  }
0xef: {  	v21 =	vadd.f32 v21, v30;
	v22 =	vperm.xlane v45, v3;
	v30 =	vmul.f32 v52, v63  }
0xf0: {  	v59 =	vld [tilespmem:s4+$0xFFFFFF90];
	v29 =	vmul.f32 v35, v29;
	v62 =	vmul.f32 v46, v17;
	v20 =	vadd.f32 v20, v19  }
0xf1: {  	v19 =	vld [tilespmem:s4+$0x63A0];
	v27 =	vmul.f32 $7.812500000e-03, v21;
	v21 =	vadd.f32 v22, v45;
	v22 =	vsub.f32 $1.500000000e+00, v30;
	[tilespmem:$0x1FEF0] =	vst v61  }
0xf2: {  	v31 =	vadd.f32 v31, v5;
	v61 =	vld [tilespmem:s4+$0xFFFFFFA0];
	[tilespmem:s2+$0xCB10] =	vst v20  }
0xf3: {  	v29 =	vadd.f32 v29, v12;
	v25 =	vmul.f32 v62, v25;
	v22 =	vmul.f32 v52, v22;
	v47 =	vld [tilespmem:s4+$0x63B0]  }
0xf4: {  	v20 =	vsub.f32 v50, v32;
	v50 =	vmul.f32 v27, v27;
	v21 =	vmul.f32 $7.812500000e-03, v21;
	v35 =	vld [tilespmem:s4+$0xFFFFFFB0]  }
0xf5: {  	v23 =	vsub.f32 v23, v32;
	v63 =	vmul.f32 v46, v7;
	v45 =	vld [tilespmem:s4+$0x63C0];
	[tilespmem:s2+$0xCB20] =	vst v31;
	v62 =	vmul.f32 v22, v55  }
0xf6: {  	v52 =	vsub.f32 v51, v32;
	v21 =	vsub.f32 v21, v50;
	v50 =	vld [tilespmem:s4+$0xFFFFFFC0];
	[tilespmem:s2+$0xCB30] =	vst v29;
	v29 =	vmul.f32 v46, v10  }
0xf7: {  	v25 =	vadd.f32 v25, v6;
	v23 =	vmul.f32 v63, v23;
	v63 =	vmul.f32 v62, v22  }
0xf8: {  	[tilespmem:$0x1FF00] =	vst v19;
	v19 =	vld [tilespmem:$0x1FEA0];
	v29 =	vmul.f32 v29, v52  }
0xf9: {  	v51 =	vld [tilespmem:s4+$0x63D0];
	[tilespmem:s2+$0xCB40] =	vst v25;
	v25 =	vmul.f32 v24, v7;
	v7 =	vsub.f32 $1.500000000e+00, v63  }
0xfa: {  	v58 =	vmul.f32 v24, v17;
	v31 =	vmul.f32 v46, v9;
	v29 =	vadd.f32 v29, v11;
	v11 =	vld [tilespmem:$0x1FEC0]  }
0xfb: {  	v17 =	vadd.f32 $9.999999960e-13, v21;
	v21 =	vsub.f32 v37, v53;
	v37 =	vmul.f32 v7, v22  }
0xfc: {  	v54 =	vmul.f32 v46, v18;
	v31 =	vmul.f32 v31, v20  }
0xfd: {  	v20 =	vsub.f32 v39, v53;
	v22 =	vshra.s32 v17, $0x1;
	v63 =	vmul.f32 v37, v55  }
0xfe: {  	v30 =	vsub.f32 v19, v32;
	v39 =	vsub.s32 $0x5F3759DF, v22;
	v22 =	vsub.f32 v36, v53  }
0xff: {  	v36 =	vmul.f32 v25, v11;
	v25 =	vmul.f32 v63, v37;
	v63 =	vadd.f32 v57, v5;
	v5 =	vld [tilespmem:$0x1FED0];
	_ =	sdelay $0x1  }
0x100: {  	v30 =	vmul.f32 v54, v30  }
0x101: {  	v23 =	vadd.f32 v23, v16;
	v46 =	vmul.f32 v24, v18  }
0x102: {  	v52 =	vld [tilespmem:s4+$0xFFFFFFD0];
	v30 =	vadd.f32 v30, v8  }
0x103: {  	[tilespmem:s2+$0xCB50] =	vst v23;
	v32 =	vsub.f32 v33, v53;
	v46 =	vmul.f32 v46, v5;
	v5 =	vld [tilespmem:$0x1FEE0]  }
0x104: {  	v33 =	vsub.f32 v40, v53;
	v40 =	vmul.f32 $5.000000000e-01, v17;
	v54 =	vld [tilespmem:s4+$0x63E0];
	[tilespmem:s2+$0xCB60] =	vst v30;
	v30 =	vadd.f32 v31, v15  }
0x105: {  	v62 =	vld [tilespmem:$0x1FEB0]  }
0x106: {  	v34 =	vsub.f32 v34, v53;
	v11 =	vmul.f32 v24, v9;
	v55 =	vld [tilespmem:s4+$0xFFFFFFE0];
	[tilespmem:s2+$0xCB70] =	vst v30;
	v30 =	vmul.f32 v39, v40  }
0x107: {  	v26 =	vadd.f32 v26, v12;
	v23 =	vsub.f32 v38, v53  }
0x108: {  	v35 =	vadd.f32 v35, v47;
	v17 =	vmul.f32 v39, v30;
	v9 =	vmul.f32 v11, v5;
	v5 =	vld [tilespmem:$0x1FEF0]  }
0x109: {  	v24 =	vsub.f32 v60, v27;
	v31 =	vsub.f32 v56, v27  }
0x10a: {  	v36 =	vadd.f32 v36, v16;
	v17 =	vsub.f32 $1.500000000e+00, v17  }
0x10b: {  	v62 =	vmul.f32 v58, v62;
	v7 =	vsub.f32 $1.500000000e+00, v25;
	v25 =	vsub.f32 v44, v27;
	v56 =	vld [tilespmem:s4+$0x63F0];
	[tilespmem:s2+$0xCB80] =	vst v29  }
0x10c: {  	v29 =	vsub.f32 v49, v27;
	v30 =	vsub.f32 v48, v27;
	v58 =	vld [tilespmem:s4+$0xFFFFFFF0];
	v44 =	vmul.f32 v39, v17  }
0x10d: {  	[tilespmem:s2+$0xCBA0] =	vst v63;
	v38 =	vmul.f32 v7, v37;
	v63 =	vadd.f32 v62, v6;
	v37 =	vadd.f32 v59, v5;
	v5 =	vld [tilespmem:$0x1FF00]  }
0x10e: {  	v60 =	vld [tilespmem:s4+$0x6400];
	[tilespmem:s2+$0xCBB0] =	vst v26;
	v26 =	vsub.f32 v42, v27;
	v11 =	vsub.f32 v28, v53;
	v53 =	vmul.f32 v44, v40  }
0x10f: {  	v42 =	vmul.f32 v38, v14;
	v57 =	vadd.f32 v46, v8;
	v17 =	vmul.f32 v38, v10  }
0x110: {  	v39 =	vld [tilespmem:s4+$0x0];
	[tilespmem:s2+$0xCBC0] =	vst v63;
	v28 =	vsub.f32 v43, v27;
	v27 =	vsub.f32 v41, v27;
	v43 =	vmul.f32 v53, v44  }
0x111: {  	s6 =	sshll.u32 s31, $0x1;
	v41 =	vmul.f32 v38, v4;
	v48 =	vmul.f32 v17, v11;
	v46 =	vadd.f32 v9, v15;
	v59 =	vld [tilespmem:s4+$0x6310];
	[tilespmem:s2+$0xCBD0] =	vst v36  }
0x112: {  	s5 =	simm.s32 $0xFC0;
	s3 =	sadd.s32 s9, s6;
	v53 =	vsub.f32 $1.500000000e+00, v43;
	v43 =	vmul.f32 v38, v13;
	v36 =	vadd.f32 v61, v5;
	v61 =	vld [tilespmem:s4+$0xFFFFFF10];
	[tilespmem:s2+$0xCBE0] =	vst v57  }
.LBB2_5:
0x113: {  	v15 =	vld [tilespmem:$0x1FF40];
	_ =	sdelay $0x2  }
0x114: {  	v62 =	vld [tilespmem:s4+$0x6320]  }
0x115: {  	v16 =	vld [tilespmem:$0x1FF30]  }
0x116: {  	[tilespmem:s2+$0xCBF0] =	vst v46;
	s2 =	smov.u32 s7;
	s7 =	smov.u32 s4;
	v19 =	vld [tilespmem:$0x1FFB0];
	v11 =	vadd.f32 v48, v15  }
0x117: {  	v46 =	vld [tilespmem:s7+$0xFFFFFF20]  }
0x118: {  	v47 =	vadd.f32 v50, v45;
	v49 =	vadd.f32 v52, v51;
	v52 =	vld [tilespmem:s7+$0x6330];
	[tilespmem:s2+$0xCC00] =	vst v11  }
0x119: {  	v50 =	vadd.f32 v58, v56;
	v57 =	vmul.f32 v53, v44;
	v45 =	vadd.f32 v36, v37;
	v53 =	vld [tilespmem:s7+$0xFFFFFF30]  }
0x11a: {  	v63 =	vmul.f32 v35, v35;
	v39 =	vadd.f32 v39, v60;
	v60 =	vmul.f32 v36, v36;
	v56 =	vld [tilespmem:s7+$0x6340]  }
0x11b: {  	v6 =	vmul.f32 v47, v47;
	v7 =	vmul.f32 v49, v49;
	v48 =	vadd.f32 v55, v54;
	v4 =	vld [tilespmem:s7+$0xFFFFFF40]  }
0x11c: {  	v8 =	vmul.f32 v50, v50;
	v51 =	vmul.f32 v57, v40;
	v40 =	vadd.f32 v61, v59;
	v59 =	vld [tilespmem:s7+$0x6350]  }
0x11d: {  	v5 =	vadd.f32 v39, v50;
	v55 =	vmul.f32 v37, v37;
	v17 =	vadd.f32 v48, v49;
	v9 =	vld [tilespmem:s7+$0xFFFFFF50]  }
0x11e: {  	v6 =	vadd.f32 v6, v63;
	v54 =	vadd.f32 v47, v35;
	v61 =	vmul.f32 v48, v48;
	v58 =	vld [tilespmem:s7+$0x6360]  }
0x11f: {  	v55 =	vadd.f32 v60, v55;
	v60 =	vld [tilespmem:s7+$0xFFFFFF60];
	v5 =	vadd.f32 v5, v17;
	v17 =	vmul.f32 v39, v39  }
0x120: {  	v43 =	vmul.f32 v43, v34;
	v45 =	vadd.f32 v54, v45;
	v63 =	vld [tilespmem:s7+$0xFFFFFF70];
	v7 =	vadd.f32 v61, v7  }
0x121: {  	v61 =	vmul.f32 v51, v57;
	v51 =	vadd.f32 v46, v62;
	v62 =	vld [tilespmem:s7+$0x6370];
	v8 =	vadd.f32 v17, v8  }
0x122: {  	v44 =	vmul.f32 v38, v16;
	v6 =	vadd.f32 v6, v55;
	v5 =	vadd.f32 v5, v45  }
0x123: {  	v10 =	vmul.f32 v40, v40;
	v7 =	vadd.f32 v8, v7;
	v53 =	vadd.f32 v53, v52  }
0x124: {  	v46 =	vmul.f32 v38, v19;
	v52 =	vadd.f32 v4, v56;
	v4 =	vld [tilespmem:s7+$0x6380];
	v54 =	vadd.f32 v9, v59  }
0x125: {  	v9 =	vld [tilespmem:s7+$0xFFFFFF80];
	v11 =	vperm.xlane v5, v0;
	v55 =	vadd.f32 v60, v58;
	v58 =	vadd.f32 v51, v40  }
0x126: {  	v8 =	vmul.f32 v51, v51;
	v56 =	vadd.f32 v63, v62;
	v6 =	vadd.f32 v7, v6  }
0x127: {  	v59 =	vmul.f32 v53, v53;
	v60 =	vadd.f32 v52, v53;
	v5 =	vadd.f32 v5, v11  }
0x128: {  	v62 =	vadd.f32 v55, v54;
	v63 =	vmul.f32 v52, v52;
	v7 =	vperm.xlane v6, v0  }
0x129: {  	v11 =	vmul.f32 v54, v54;
	v8 =	vadd.f32 v8, v10;
	v58 =	vadd.f32 v60, v58  }
0x12a: {  	v17 =	vld [tilespmem:$0x1FF60];
	v12 =	vperm.xlane v5, v1;
	v4 =	vadd.f32 v9, v4;
	v6 =	vadd.f32 v7, v6  }
0x12b: {  	v10 =	vadd.f32 v63, v59;
	v9 =	vmul.f32 v56, v56;
	v7 =	vmul.f32 v55, v55  }
0x12c: {  	v5 =	vadd.f32 v5, v12;
	v60 =	vadd.f32 v4, v56;
	v12 =	vperm.xlane v6, v1  }
0x12d: {  	v8 =	vadd.f32 v10, v8;
	v13 =	vmul.f32 v4, v4;
	v7 =	vadd.f32 v7, v11  }
0x12e: {  	v59 =	vperm.xlane v5, v2;
	v6 =	vadd.f32 v12, v6;
	v12 =	vadd.f32 v60, v62  }
0x12f: {  	v45 =	vmul.f32 v38, v17;
	v9 =	vadd.f32 v13, v9;
	v13 =	vsub.f32 $1.500000000e+00, v61  }
0x130: {  	v63 =	vld [tilespmem:$0x1FF10];
	v5 =	vadd.f32 v5, v59;
	v59 =	vperm.xlane v6, v2;
	v12 =	vadd.f32 v12, v58  }
0x131: {  	v18 =	vld [tilespmem:$0x1FF20];
	v10 =	vmul.f32 v42, v32;
	v7 =	vadd.f32 v9, v7;
	v11 =	vmul.f32 v13, v57  }
0x132: {  	v60 =	vld [tilespmem:$0x1FF70];
	v62 =	vperm.xlane v5, v3;
	v6 =	vadd.f32 v59, v6;
	v32 =	vperm.xlane v12, v0  }
0x133: {  	v42 =	vmul.f32 v41, v33;
	v7 =	vadd.f32 v7, v8;
	v8 =	vmul.f32 v11, v14  }
0x134: {  	v5 =	vadd.f32 v5, v62;
	v58 =	vperm.xlane v6, v3;
	v59 =	vadd.f32 v12, v32  }
0x135: {  	v9 =	vmul.f32 v11, v63;
	v12 =	vperm.xlane v7, v0  }
0x136: {  	v41 =	vmul.f32 $7.812500000e-03, v5;
	v6 =	vadd.f32 v58, v6;
	v5 =	vperm.xlane v59, v1  }
0x137: {  	v13 =	vmul.f32 v11, v18;
	v38 =	vmul.f32 v38, v60;
	v7 =	vadd.f32 v12, v7  }
0x138: {  	v12 =	vmul.f32 v41, v41;
	v6 =	vmul.f32 $7.812500000e-03, v6;
	v5 =	vadd.f32 v59, v5  }
0x139: {  	v57 =	vmul.f32 v11, v60;
	v61 =	vperm.xlane v7, v1  }
0x13a: {  	v6 =	vsub.f32 v6, v12;
	v12 =	vmul.f32 v11, v16;
	v16 =	vperm.xlane v5, v2  }
0x13b: {  	v8 =	vmul.f32 v8, v31;
	v9 =	vmul.f32 v9, v29;
	v7 =	vadd.f32 v61, v7  }
0x13c: {  	v62 =	vld [tilespmem:$0x1FFF0];
	v13 =	vmul.f32 v13, v30;
	v6 =	vadd.f32 $9.999999960e-13, v6;
	v5 =	vadd.f32 v5, v16  }
0x13d: {  	v32 =	vsub.f32 v37, v41;
	v37 =	vmul.f32 v11, v17;
	v17 =	vperm.xlane v7, v2  }
0x13e: {  	v60 =	vshra.s32 v6, $0x1;
	v6 =	vmul.f32 $5.000000000e-01, v6;
	v16 =	vperm.xlane v5, v3  }
0x13f: {  	v33 =	vsub.f32 v36, v41;
	v7 =	vadd.f32 v17, v7;
	v59 =	vsub.s32 $0x5F3759DF, v60  }
0x140: {  	v34 =	vsub.f32 v35, v41;
	v17 =	vmul.f32 v59, v6;
	v5 =	vadd.f32 v5, v16  }
0x141: {  	v35 =	vsub.f32 v47, v41;
	v10 =	vadd.f32 v10, v62;
	v31 =	vperm.xlane v7, v3  }
0x142: {  	v47 =	vsub.f32 v49, v41;
	v61 =	vld [tilespmem:$0x1FF50];
	v36 =	vmul.f32 v59, v17;
	v5 =	vmul.f32 $7.812500000e-03, v5  }
0x143: {  	v8 =	vadd.f32 v8, v62;
	[tilespmem:s2+$0xCB90] =	vst v10;
	v10 =	vmul.f32 v11, v19;
	v7 =	vadd.f32 v31, v7  }
0x144: {  	v36 =	vsub.f32 $1.500000000e+00, v36;
	v60 =	vmul.f32 v5, v5;
	v31 =	vsub.f32 v40, v5  }
0x145: {  	s4 =	sshra.s32 s5, $0x2;
	v19 =	vld [tilespmem:$0x1FFC0];
	v29 =	vsub.f32 v51, v5;
	v7 =	vmul.f32 $7.812500000e-03, v7;
	v16 =	vsub.f32 v53, v5  }
0x146: {  	v62 =	vld [tilespmem:s4+$0xFFFFFFA0];
	v17 =	vsub.f32 v52, v5;
	v58 =	vsub.f32 v54, v5;
	v36 =	vmul.f32 v59, v36  }
0x147: {  	v11 =	vmul.f32 v11, v61;
	v4 =	vsub.f32 v4, v5;
	v53 =	vld [tilespmem:s4+$0xFFFFFF90];
	v7 =	vsub.f32 v7, v60  }
0x148: {  	v52 =	vmul.f32 v57, v28;
	v57 =	vld [tilespmem:s4+$0x63A0];
	v30 =	vmovc v16;
	v16 =	vsub.f32 v56, v5;
	v60 =	vmul.f32 v36, v6  }
0x149: {  	v59 =	vsub.f32 v55, v5;
	v5 =	vmul.f32 v12, v24;
	v12 =	vld [tilespmem:s4+$0x6390];
	v7 =	vadd.f32 $9.999999960e-13, v7  }
0x14a: {  	v24 =	vmovc v17;
	[tilespmem:s2+$0xCB10] =	vst v8;
	v8 =	vmul.f32 v11, v27;
	v28 =	vmov v16;
	v16 =	vld [tilespmem:$0x1FF80];
	v17 =	vmul.f32 v60, v36  }
0x14b: {  	v11 =	vmul.f32 v44, v20;
	v20 =	vmovc v35;
	v35 =	vld [tilespmem:s4+$0x63B0];
	v56 =	vshra.s32 v7, $0x1;
	v40 =	vmul.f32 $5.000000000e-01, v7  }
0x14c: {  	v37 =	vmul.f32 v37, v25;
	v25 =	vmovc v58;
	v55 =	vsub.s32 $0x5F3759DF, v56;
	v58 =	vsub.f32 $1.500000000e+00, v17;
	v17 =	vld [tilespmem:$0x1FF90]  }
0x14d: {  	v10 =	vmul.f32 v10, v26;
	v26 =	vmov v59;
	v56 =	vld [tilespmem:$0x1FFD0];
	v59 =	vmul.f32 v55, v40  }
0x14e: {  	v7 =	vmul.f32 v58, v36;
	v36 =	vmul.f32 v45, v21;
	v21 =	vmov v47;
	v47 =	vld [tilespmem:$0x1FFA0]  }
0x14f: {  	v9 =	vadd.f32 v9, v16;
	v44 =	vmul.f32 v55, v59;
	v59 =	vld [tilespmem:$0x1FFE0]  }
0x150: {  	v13 =	vadd.f32 v13, v19;
	v27 =	vmov v4;
	v4 =	vld [tilespmem:s4+$0xFFFFFFB0]  }
0x151: {  	v48 =	vsub.f32 v48, v41;
	v45 =	vld [tilespmem:s4+$0x63C0];
	[tilespmem:s2+$0xCB20] =	vst v9;
	v5 =	vadd.f32 v5, v17  }
0x152: {  	v49 =	vsub.f32 v50, v41;
	v6 =	vmul.f32 v7, v6;
	v50 =	vld [tilespmem:s4+$0xFFFFFFC0];
	[tilespmem:s2+$0xCB30] =	vst v13;
	v60 =	vadd.f32 v37, v56  }
0x153: {  	v46 =	vmul.f32 v46, v23;
	v43 =	vadd.f32 v43, v19;
	v51 =	vld [tilespmem:s4+$0x63D0];
	v10 =	vadd.f32 v10, v47;
	[tilespmem:s2+$0xCB40] =	vst v5  }
0x154: {  	v44 =	vsub.f32 $1.500000000e+00, v44;
	v6 =	vmul.f32 v6, v7;
	v5 =	vadd.f32 v52, v59;
	v52 =	vld [tilespmem:s4+$0xFFFFFFD0];
	[tilespmem:s2+$0xCB50] =	vst v60  }
0x155: {  	v8 =	vadd.f32 v8, v15;
	v35 =	vadd.f32 v4, v35;
	v13 =	vmul.f32 v38, v22;
	v54 =	vld [tilespmem:s4+$0x63E0];
	[tilespmem:s2+$0xCB60] =	vst v10  }
0x156: {  	v44 =	vmul.f32 v55, v44;
	v60 =	vadd.f32 v42, v16;
	v6 =	vsub.f32 $1.500000000e+00, v6;
	v55 =	vld [tilespmem:s4+$0xFFFFFFE0];
	[tilespmem:s2+$0xCB70] =	vst v5  }
0x157: {  	p1 =	sne.s32 s5, $0xC7C0;
	v22 =	vmov v49;
	v5 =	vadd.f32 v11, v17;
	v11 =	vadd.f32 v36, v56;
	v56 =	vld [tilespmem:s4+$0x63F0];
	[tilespmem:s2+$0xCB80] =	vst v8  }
.Ltmp3:
0x158: {  	v49 =	vsub.f32 v39, v41;
	v16 =	vmul.f32 v44, v40;
	v38 =	vmul.f32 v6, v7;
	v58 =	vld [tilespmem:s4+$0xFFFFFFF0];
	[tilespmem:s2+$0xCBA0] =	vst v60;
	(pc) =	sbr.rel @p1 .LBB2_5-.Ltmp3, $4  }
0x159: {  	v23 =	vmov v48;
	v37 =	vadd.f32 v53, v12;
	v17 =	vadd.f32 v46, v47;
	v60 =	vld [tilespmem:s4+$0x6400];
	[tilespmem:s2+$0xCBB0] =	vst v43  }
0x15a: {  	v46 =	vadd.f32 v13, v59;
	v48 =	vmul.f32 v16, v44;
	v61 =	vmul.f32 v38, v61;
	v39 =	vld [tilespmem:s4+$0x0];
	[tilespmem:s2+$0xCBC0] =	vst v5  }
0x15b: {  	v36 =	vadd.f32 v62, v57;
	v42 =	vmul.f32 v38, v14;
	v41 =	vmul.f32 v38, v63;
	v59 =	vld [tilespmem:s4+$0x6310];
	[tilespmem:s2+$0xCBD0] =	vst v11  }
0x15c: {  	s5 =	sadd.s32 $0x400, s5;
	v53 =	vsub.f32 $1.500000000e+00, v48;
	v43 =	vmul.f32 v38, v18;
	v48 =	vmul.f32 v61, v49;
	v61 =	vld [tilespmem:s4+$0xFFFFFF10];
	[tilespmem:s2+$0xCBE0] =	vst v17  }
0x15d: {  	v62 =	vld [tilespmem:$0x1FF40];
	_ =	sdelay $0x4  }
0x15e: {  	v4 =	vld [tilespmem:s4+$0x6320];
	[tilespmem:s2+$0xCBF0] =	vst v46;
	v5 =	vadd.f32 v48, v62  }
0x15f: {  	v6 =	vld [tilespmem:s4+$0xFFFFFF20]  }
0x160: {  	v7 =	vld [tilespmem:s4+$0x6330];
	[tilespmem:s7+$0xCC00] =	vst v5  }
0x161: {  	v5 =	vld [tilespmem:s4+$0xFFFFFF30]  }
0x162: {  	v45 =	vadd.f32 v50, v45;
	v46 =	vadd.f32 v52, v51;
	v8 =	vld [tilespmem:s4+$0x6340]  }
0x163: {  	v47 =	vadd.f32 v55, v54;
	v10 =	vadd.f32 v36, v37;
	v12 =	vmul.f32 v37, v37;
	v9 =	vld [tilespmem:s4+$0xFFFFFF40]  }
0x164: {  	v51 =	vmul.f32 v36, v36;
	v39 =	vadd.f32 v39, v60;
	v48 =	vadd.f32 v58, v56;
	v13 =	vld [tilespmem:s4+$0x6350]  }
0x165: {  	v52 =	vmul.f32 v35, v35;
	v11 =	vadd.f32 v45, v35;
	v49 =	vadd.f32 v47, v46;
	v54 =	vld [tilespmem:s4+$0xFFFFFF50]  }
0x166: {  	v57 =	vmul.f32 v46, v46;
	v16 =	vmul.f32 v47, v47;
	v17 =	vadd.f32 v39, v48;
	v58 =	vld [tilespmem:s4+$0x6360]  }
0x167: {  	v50 =	vadd.f32 v61, v59;
	v10 =	vadd.f32 v11, v10;
	v56 =	vmul.f32 v45, v45;
	v61 =	vld [tilespmem:s4+$0xFFFFFF60]  }
0x168: {  	v60 =	vmul.f32 v48, v48;
	v55 =	vld [tilespmem:s4+$0x6370];
	v11 =	vadd.f32 v17, v49;
	v17 =	vmul.f32 v39, v39  }
0x169: {  	v12 =	vadd.f32 v51, v12;
	v51 =	vadd.f32 v56, v52;
	v52 =	vld [tilespmem:s4+$0xFFFFFF70]  }
0x16a: {  	v16 =	vadd.f32 v16, v57;
	v49 =	vadd.f32 v17, v60;
	v17 =	vld [tilespmem:s4+$0x6380]  }
0x16b: {  	v4 =	vadd.f32 v6, v4;
	v6 =	vadd.f32 v11, v10;
	v60 =	vld [tilespmem:s4+$0xFFFFFF80]  }
0x16c: {  	v11 =	vadd.f32 v51, v12;
	v12 =	vadd.f32 v49, v16  }
0x16d: {  	v5 =	vadd.f32 v5, v7;
	v7 =	vadd.f32 v9, v8  }
0x16e: {  	v51 =	vmul.f32 v4, v4;
	v9 =	vadd.f32 v54, v13;
	v13 =	vadd.f32 v61, v58  }
0x16f: {  	v8 =	vmul.f32 v50, v50;
	v61 =	vadd.f32 v4, v50;
	v52 =	vadd.f32 v52, v55  }
0x170: {  	v16 =	vadd.f32 v7, v5;
	v58 =	vmul.f32 v5, v5;
	v49 =	vadd.f32 v60, v17  }
0x171: {  	v10 =	vadd.f32 v13, v9;
	v55 =	vmul.f32 v7, v7;
	v57 =	vmul.f32 v9, v9  }
0x172: {  	v59 =	vmul.f32 v13, v13;
	v8 =	vadd.f32 v51, v8;
	v17 =	vadd.f32 v49, v52  }
0x173: {  	v60 =	vmul.f32 v52, v52;
	v54 =	vadd.f32 v16, v61;
	v16 =	vmul.f32 v49, v49  }
0x174: {  	v55 =	vadd.f32 v55, v58;
	v10 =	vadd.f32 v17, v10  }
0x175: {  	v17 =	vadd.f32 v59, v57;
	v51 =	vadd.f32 v16, v60  }
0x176: {  	v11 =	vadd.f32 v12, v11;
	v8 =	vadd.f32 v55, v8  }
0x177: {  	v12 =	vperm.xlane v6, v0;
	v10 =	vadd.f32 v10, v54;
	v51 =	vadd.f32 v51, v17  }
0x178: {  	v60 =	vperm.xlane v11, v0  }
0x179: {  	v6 =	vadd.f32 v6, v12;
	v12 =	vperm.xlane v10, v0;
	v8 =	vadd.f32 v51, v8  }
0x17a: {  	v11 =	vadd.f32 v60, v11  }
0x17b: {  	v61 =	vperm.xlane v6, v1;
	v10 =	vadd.f32 v10, v12;
	v12 =	vperm.xlane v8, v0  }
0x17c: {  	v54 =	vperm.xlane v11, v1  }
0x17d: {  	v6 =	vadd.f32 v6, v61;
	v16 =	vperm.xlane v10, v1;
	v8 =	vadd.f32 v12, v8  }
0x17e: {  	v11 =	vadd.f32 v54, v11  }
0x17f: {  	v12 =	vperm.xlane v6, v2;
	v10 =	vadd.f32 v10, v16;
	v17 =	vperm.xlane v8, v1  }
0x180: {  	v54 =	vperm.xlane v11, v2  }
0x181: {  	v6 =	vadd.f32 v6, v12;
	v12 =	vperm.xlane v10, v2;
	v8 =	vadd.f32 v17, v8  }
0x182: {  	v11 =	vadd.f32 v54, v11  }
0x183: {  	v57 =	vperm.xlane v6, v3;
	v10 =	vadd.f32 v10, v12;
	v12 =	vperm.xlane v8, v2  }
0x184: {  	v54 =	vperm.xlane v11, v3  }
0x185: {  	v6 =	vadd.f32 v6, v57;
	v58 =	vperm.xlane v10, v3;
	v8 =	vadd.f32 v12, v8  }
0x186: {  	v11 =	vadd.f32 v54, v11  }
0x187: {  	v6 =	vmul.f32 $7.812500000e-03, v6;
	v10 =	vadd.f32 v10, v58;
	v12 =	vperm.xlane v8, v3  }
0x188: {  	v32 =	vmul.f32 v42, v32;
	v17 =	vld [tilespmem:$0x1FF30];
	v11 =	vmul.f32 $7.812500000e-03, v11  }
0x189: {  	v59 =	vmul.f32 v6, v6;
	v10 =	vmul.f32 $7.812500000e-03, v10;
	v8 =	vadd.f32 v12, v8  }
0x18a: {  	v33 =	vmul.f32 v41, v33;
	v44 =	vmul.f32 v53, v44;
	v37 =	vsub.f32 v37, v6  }
0x18b: {  	v11 =	vsub.f32 v11, v59;
	v60 =	vmul.f32 v10, v10;
	v8 =	vmul.f32 $7.812500000e-03, v8  }
0x18c: {  	v34 =	vmul.f32 v43, v34;
	v36 =	vsub.f32 v36, v6;
	v35 =	vsub.f32 v35, v6  }
0x18d: {  	v51 =	vmul.f32 v38, v17;
	v11 =	vadd.f32 $9.999999960e-13, v11;
	v8 =	vsub.f32 v8, v60  }
0x18e: {  	v45 =	vsub.f32 v45, v6;
	v46 =	vsub.f32 v46, v6;
	v12 =	vmul.f32 v44, v40  }
0x18f: {  	v16 =	vld [tilespmem:$0x1FF60];
	v61 =	vshra.s32 v11, $0x1;
	v11 =	vmul.f32 $5.000000000e-01, v11;
	v8 =	vadd.f32 $9.999999960e-13, v8  }
0x190: {  	v18 =	vld [tilespmem:$0x1FF90];
	v47 =	vsub.f32 v47, v6;
	v12 =	vmul.f32 v12, v44;
	v54 =	vsub.s32 $0x5F3759DF, v61  }
0x191: {  	v55 =	vmul.f32 v54, v11;
	v61 =	vshra.s32 v8, $0x1;
	v8 =	vmul.f32 $5.000000000e-01, v8  }
0x192: {  	v20 =	vmul.f32 v51, v20;
	v12 =	vsub.f32 $1.500000000e+00, v12;
	v42 =	vsub.s32 $0x5F3759DF, v61  }
0x193: {  	v48 =	vsub.f32 v48, v6;
	v61 =	vmul.f32 v54, v55;
	v57 =	vmul.f32 v42, v8  }
0x194: {  	v6 =	vsub.f32 v39, v6;
	v40 =	vmul.f32 v38, v16;
	v12 =	vmul.f32 v12, v44  }
0x195: {  	v20 =	vadd.f32 v20, v18;
	v43 =	vsub.f32 $1.500000000e+00, v61;
	v44 =	vmul.f32 v42, v57;
	v57 =	vld [tilespmem:$0x1FF20]  }
0x196: {  	v50 =	vsub.f32 v50, v10;
	v41 =	vmul.f32 v12, v14;
	v55 =	vmul.f32 v12, v63  }
0x197: {  	v15 =	vld [tilespmem:$0x1FF50];
	v4 =	vsub.f32 v4, v10;
	v43 =	vmul.f32 v54, v43;
	v44 =	vsub.f32 $1.500000000e+00, v44  }
0x198: {  	v5 =	vsub.f32 v5, v10;
	v60 =	vld [tilespmem:$0x1FFB0];
	v31 =	vmul.f32 v41, v31;
	v29 =	vmul.f32 v55, v29  }
0x199: {  	v59 =	vld [tilespmem:$0x1FF70];
	v7 =	vsub.f32 v7, v10;
	v58 =	vmul.f32 v43, v11;
	v42 =	vmul.f32 v42, v44  }
0x19a: {  	v9 =	vsub.f32 v9, v10;
	v61 =	vld [tilespmem:$0x1FFF0];
	v54 =	vmul.f32 v12, v17;
	v56 =	vmul.f32 v12, v57  }
0x19b: {  	v13 =	vsub.f32 v13, v10;
	v41 =	vmul.f32 v58, v43;
	v55 =	vmul.f32 v42, v8  }
0x19c: {  	v19 =	vld [tilespmem:$0x1FFC0];
	v52 =	vsub.f32 v52, v10;
	v44 =	vmul.f32 v12, v16;
	v30 =	vmul.f32 v56, v30  }
0x19d: {  	v41 =	vsub.f32 $1.500000000e+00, v41;
	v56 =	vmul.f32 v12, v60;
	v58 =	vmul.f32 v55, v42  }
0x19e: {  	v10 =	vsub.f32 v49, v10;
	v55 =	vmul.f32 v12, v59;
	v12 =	vmul.f32 v12, v15  }
0x19f: {  	v32 =	vadd.f32 v32, v61;
	v41 =	vmul.f32 v41, v43;
	v43 =	vsub.f32 $1.500000000e+00, v58;
	v58 =	vld [tilespmem:$0x1FF80]  }
0x1a0: {  	[tilespmem:s7+$0xCBC0] =	vst v20;
	v24 =	vmul.f32 v54, v24;
	v31 =	vadd.f32 v31, v61;
	v12 =	vmul.f32 v12, v27;
	v27 =	vld [tilespmem:$0x1FFE0]  }
0x1a1: {  	v53 =	vmul.f32 v38, v60;
	[tilespmem:s7+$0xCB90] =	vst v32;
	v30 =	vadd.f32 v30, v19;
	v11 =	vmul.f32 v41, v11  }
0x1a2: {  	v38 =	vmul.f32 v38, v59;
	v24 =	vadd.f32 v24, v18;
	[tilespmem:s7+$0xCB10] =	vst v31;
	v31 =	vmul.f32 v43, v42  }
0x1a3: {  	v28 =	vmul.f32 v55, v28;
	[tilespmem:s7+$0xCB30] =	vst v30;
	v30 =	vld [tilespmem:$0x1FFD0];
	v12 =	vadd.f32 v12, v62;
	v11 =	vmul.f32 v11, v41  }
0x1a4: {  	v22 =	vmul.f32 v38, v22;
	[tilespmem:s7+$0xCB40] =	vst v24;
	v8 =	vmul.f32 v31, v8;
	v29 =	vadd.f32 v29, v58  }
0x1a5: {  	v21 =	vmul.f32 v40, v21;
	[tilespmem:s7+$0xCB80] =	vst v12;
	v24 =	vadd.f32 v28, v27;
	v11 =	vsub.f32 $1.500000000e+00, v11  }
0x1a6: {  	v25 =	vmul.f32 v44, v25;
	v20 =	vadd.f32 v22, v27;
	v8 =	vmul.f32 v8, v31;
	[tilespmem:s7+$0xCB20] =	vst v29;
	v29 =	vld [tilespmem:$0x1FFA0]  }
0x1a7: {  	v23 =	vmul.f32 v53, v23;
	[tilespmem:s7+$0xCB70] =	vst v24;
	v11 =	vmul.f32 v11, v41;
	v24 =	vadd.f32 v34, v19  }
0x1a8: {  	v26 =	vmul.f32 v56, v26;
	v25 =	vadd.f32 v25, v30;
	[tilespmem:s7+$0xCBF0] =	vst v20;
	v8 =	vsub.f32 $1.500000000e+00, v8  }
0x1a9: {  	v21 =	vadd.f32 v21, v30;
	v12 =	vmul.f32 v11, v15;
	[tilespmem:s7+$0xCBB0] =	vst v24;
	v24 =	vmul.f32 v11, v14  }
0x1aa: {  	[tilespmem:s7+$0xCB50] =	vst v25;
	v25 =	vadd.f32 v33, v58;
	v44 =	vmul.f32 v11, v60;
	v8 =	vmul.f32 v8, v31  }
0x1ab: {  	[tilespmem:s7+$0xCBD0] =	vst v21;
	v6 =	vmul.f32 v12, v6;
	v21 =	vmul.f32 v24, v37;
	v26 =	vadd.f32 v26, v29  }
0x1ac: {  	[tilespmem:s7+$0xCBA0] =	vst v25;
	v47 =	vmul.f32 v44, v47;
	v23 =	vadd.f32 v23, v29;
	v12 =	vmul.f32 v8, v14  }
0x1ad: {  	v22 =	vmul.f32 v8, v63;
	v39 =	vmul.f32 v8, v16;
	v6 =	vadd.f32 v6, v62;
	[tilespmem:s7+$0xCB60] =	vst v26  }
0x1ae: {  	v20 =	vadd.f32 v21, v61;
	[tilespmem:s7+$0xCBE0] =	vst v23;
	v23 =	vmul.f32 v8, v57;
	v12 =	vmul.f32 v12, v50  }
0x1af: {  	v21 =	vmul.f32 v8, v17;
	v4 =	vmul.f32 v22, v4;
	v50 =	vadd.f32 v47, v29;
	[tilespmem:s4+$0xCC00] =	vst v6  }
0x1b0: {  	[tilespmem:s4+$0xCB90] =	vst v20;
	v20 =	vmul.f32 v8, v60;
	v5 =	vmul.f32 v23, v5;
	v12 =	vadd.f32 v12, v61  }
0x1b1: {  	v7 =	vmul.f32 v21, v7;
	v21 =	vmul.f32 v8, v59;
	v4 =	vadd.f32 v4, v58;
	[tilespmem:s4+$0xCBE0] =	vst v50  }
0x1b2: {  	v8 =	vmul.f32 v8, v15;
	v40 =	vmul.f32 v20, v13;
	[tilespmem:s4+$0xCB10] =	vst v12;
	v5 =	vadd.f32 v5, v19  }
0x1b3: {  	v41 =	vmul.f32 v11, v63;
	v6 =	vmul.f32 v39, v9;
	[tilespmem:s4+$0xCB20] =	vst v4;
	v4 =	vadd.f32 v7, v18  }
0x1b4: {  	v42 =	vmul.f32 v11, v57;
	v8 =	vmul.f32 v8, v10;
	v9 =	vadd.f32 v40, v29;
	[tilespmem:s4+$0xCB30] =	vst v5  }
0x1b5: {  	v24 =	vmov v62;
	v12 =	vmul.f32 v21, v52;
	v5 =	vadd.f32 v6, v30;
	[tilespmem:s4+$0xCB40] =	vst v4  }
0x1b6: {  	v7 =	vmul.f32 v41, v36;
	v8 =	vadd.f32 v8, v24;
	v4 =	vmul.f32 v11, v17;
	[tilespmem:s4+$0xCB60] =	vst v9  }
0x1b7: {  	v43 =	vadd.f32 v12, v27;
	v6 =	vmul.f32 v42, v35;
	[tilespmem:s4+$0xCB50] =	vst v5;
	v5 =	vmul.f32 v11, v16  }
0x1b8: {  	v7 =	vadd.f32 v7, v58;
	[tilespmem:s4+$0xCB80] =	vst v8;
	v4 =	vmul.f32 v4, v45;
	v45 =	vmul.f32 v11, v59  }
0x1b9: {  	[tilespmem:s4+$0xCB70] =	vst v43;
	v6 =	vadd.f32 v6, v19;
	v5 =	vmul.f32 v5, v46  }
0x1ba: {  	[tilespmem:s4+$0xCBA0] =	vst v7;
	v4 =	vadd.f32 v4, v18;
	v48 =	vmul.f32 v45, v48  }
0x1bb: {  	[tilespmem:s4+$0xCBB0] =	vst v6;
	v5 =	vadd.f32 v5, v30  }
0x1bc: {  	s3 =	smul.u32 $0x680, s3;
	[tilespmem:s4+$0xCBC0] =	vst v4;
	v4 =	vadd.f32 v48, v27  }
0x1bd: {  	[tilespmem:s4+$0xCBD0] =	vst v5  }
0x1be: {  	p1 =	seq.s32 s31, $0x1F;
	s2 =	sadd.s32 s10, s3;
	[tilespmem:s4+$0xCBF0] =	vst v4  }
0x1bf: {  	[hbm4b:s2+s8] =	stream.linear.scatter [tilespmem:s24], [sflag:$0x3], $0x3200, $0x38;
	[tilespmem:$0x13680] =	vst v63  }
0x1c0: {  	s2 =	sadd.s32 @!p1 $0x2, s6  }
0x1c1: {  	s3 =	sadd.s32 @!p1 s9, s2;
	s2 =	sshll.u32 @!p1 s2, $0x4  }
0x1c2: {  	s3 =	sshll.u32 @!p1 s3, $0x4;
	s2 =	sand.u32 @!p1 $0x60, s2  }
0x1c3: {  	s3 =	sand.u32 @!p1 $0xFF80, s3;
	s2 =	sadd.s32 @!p1 s0, s2  }
0x1c4: {  	s4 =	simm.s32 @!p1 $0x13400;
	s2 =	sadd.s32 @!p1 s3, s2;
	s3 =	simm.s32 @!p1 $0x0  }
0x1c5: {  	[tilespmem:s4], [sflag:$0x5] =	stream.linear.gather @!p1 [hbm4b:s2+s3], $0x80, $0x38;
	[tilespmem:$0x13680] =	vst v63  }
0x1c6: {  	s2 =	simm.s32 @!p1 $0x5  }
0x1c7: {  	_ =	swait.ge @!p1 [sflag:s2], $0x80  }
0x1c8: {  	[sflag:s2] =	ssyncset.done @!p1 $0x0  }
0x1c9: {  	s3 =	simm.s32 @!p1 $0x6400;
	[sflag:s2] =	ssyncadd.s32 @!p1 $0xFFFFFF80;
	s2 =	simm.s32 @!p1 $0x64  }
0x1ca: {  	[tilespmem:s3], [sflag:$0x1] =	stream.indirect.gather @!p1 [hbm4b:s1+s2], $0x80, s4, s2, $0xb8;
	[tilespmem:$0x13680] =	vst v63  }
0x1cb: {  	_ =	swait.ge [sflag:s25], $0x3200  }
0x1cc: {  	[sflag:s25] =	ssyncset.done $0x0  }
0x1cd: {  	s2 =	simm.s32 @!p0 $0x4;
	[sflag:s25] =	ssyncadd.s32 $0xFFFFCE00  }
0x1ce: {  	_ =	swait.ge @!p0 [sflag:s2], $0x3200  }
0x1cf: {  	[sflag:s2] =	ssyncset.done @!p0 $0x0  }
0x1d0: {  	[sflag:s2] =	ssyncadd.s32 @!p0 $0xFFFFCE00;
	s2 =	simm.s32 $0x0  }
0x1d1: {  	v4 =	vld [tilespmem:s2+$0x9880]  }
0x1d2: {  	v5 =	vld [tilespmem:s2+$0x3280]  }
0x1d3: {  	v51 =	vld [tilespmem:s2+$0x9890]  }
0x1d4: {  	v52 =	vld [tilespmem:s2+$0x3290]  }
0x1d5: {  	v53 =	vld [tilespmem:s2+$0x98A0]  }
0x1d6: {  	v54 =	vld [tilespmem:s2+$0x32A0]  }
0x1d7: {  	v55 =	vld [tilespmem:s2+$0x98B0]  }
0x1d8: {  	v56 =	vld [tilespmem:s2+$0x32B0]  }
0x1d9: {  	v12 =	vld [tilespmem:s2+$0x98C0]  }
0x1da: {  	v13 =	vld [tilespmem:s2+$0x32C0]  }
0x1db: {  	v20 =	vld [tilespmem:s2+$0x98D0]  }
0x1dc: {  	v21 =	vld [tilespmem:s2+$0x32D0]  }
0x1dd: {  	v22 =	vld [tilespmem:s2+$0x98E0]  }
0x1de: {  	v23 =	vld [tilespmem:s2+$0x32E0]  }
0x1df: {  	v25 =	vld [tilespmem:s2+$0x98F0]  }
0x1e0: {  	v28 =	vld [tilespmem:s2+$0x32F0];
	_ =	sdelay $0x1  }
0x1e1: {  	v31 =	vadd.f32 v5, v4;
	v35 =	vadd.f32 v52, v51  }
0x1e2: {  	v49 =	vmov v24;
	v24 =	vadd.f32 v54, v53;
	v27 =	vadd.f32 v56, v55  }
0x1e3: {  	v30 =	vadd.f32 v13, v12;
	v26 =	vadd.f32 v21, v20  }
0x1e4: {  	v62 =	vmov v57;
	v29 =	vadd.f32 v23, v22;
	v34 =	vadd.f32 v28, v25  }
0x1e5: {  	v39 =	vmovc v15;
	v4 =	vadd.f32 v35, v31;
	v5 =	vadd.f32 v27, v24;
	v57 =	vmul.f32 v31, v31  }
0x1e6: {  	v15 =	vmovc v60;
	v59 =	vadd.f32 v26, v30;
	v60 =	vmul.f32 v35, v35;
	v9 =	vmul.f32 v24, v24  }
0x1e7: {  	v32 =	vadd.f32 v34, v29;
	v11 =	vmul.f32 v27, v27;
	v12 =	vmul.f32 v30, v30  }
0x1e8: {  	v20 =	vmul.f32 v26, v26;
	v21 =	vmul.f32 v29, v29  }
0x1e9: {  	v33 =	vmul.f32 v34, v34;
	v4 =	vadd.f32 v5, v4;
	v5 =	vadd.f32 v32, v59  }
0x1ea: {  	v36 =	vld [tilespmem:s2+$0x9810];
	v6 =	vadd.f32 v60, v57;
	v37 =	vadd.f32 v11, v9  }
0x1eb: {  	v38 =	vld [tilespmem:s2+$0x3210];
	v43 =	vadd.f32 v20, v12;
	v7 =	vadd.f32 v33, v21  }
0x1ec: {  	v44 =	vld [tilespmem:s2+$0x9830];
	v4 =	vadd.f32 v5, v4  }
0x1ed: {  	v13 =	vld [tilespmem:s2+$0x9800];
	v6 =	vadd.f32 v37, v6;
	v7 =	vadd.f32 v7, v43  }
0x1ee: {  	v22 =	vld [tilespmem:s2+$0x3200]  }
0x1ef: {  	v45 =	vld [tilespmem:s2+$0x3230];
	v6 =	vadd.f32 v7, v6;
	v46 =	vperm.xlane v4, v0  }
0x1f0: {  	v48 =	vld [tilespmem:s2+$0x9850]  }
0x1f1: {  	v12 =	vld [tilespmem:s2+$0x9820];
	v4 =	vadd.f32 v4, v46;
	v47 =	vperm.xlane v6, v0  }
0x1f2: {  	v5 =	vld [tilespmem:s2+$0x3220]  }
0x1f3: {  	v20 =	vld [tilespmem:s2+$0x9840];
	v41 =	vadd.f32 v22, v13;
	v22 =	vperm.xlane v4, v1;
	v6 =	vadd.f32 v47, v6  }
0x1f4: {  	v21 =	vld [tilespmem:s2+$0x3240]  }
0x1f5: {  	v13 =	vld [tilespmem:s2+$0x3250];
	v4 =	vadd.f32 v4, v22;
	v22 =	vperm.xlane v6, v1  }
0x1f6: {  	v50 =	vld [tilespmem:s2+$0x9860];
	v32 =	vadd.f32 v38, v36  }
0x1f7: {  	v52 =	vld [tilespmem:s2+$0x3260];
	v28 =	vadd.f32 v5, v12;
	v12 =	vperm.xlane v4, v2;
	v6 =	vadd.f32 v22, v6  }
0x1f8: {  	v25 =	vadd.f32 v45, v44;
	v54 =	vld [tilespmem:s2+$0x3270];
	v53 =	vmul.f32 v32, v32  }
0x1f9: {  	v23 =	vadd.f32 v21, v20;
	v5 =	vld [tilespmem:s2+$0x9870];
	v4 =	vadd.f32 v4, v12;
	v12 =	vperm.xlane v6, v2  }
0x1fa: {  	v51 =	vmul.f32 v41, v41;
	v20 =	vadd.f32 v13, v48;
	v13 =	vadd.f32 v32, v41  }
0x1fb: {  	v56 =	vadd.f32 v25, v28;
	v40 =	vperm.xlane v4, v3;
	v6 =	vadd.f32 v12, v6  }
0x1fc: {  	v59 =	vmul.f32 v25, v25;
	v8 =	vadd.f32 v53, v51;
	v60 =	vmul.f32 v23, v23  }
0x1fd: {  	v12 =	vadd.f32 v56, v13;
	v4 =	vadd.f32 v4, v40;
	v13 =	vperm.xlane v6, v3  }
0x1fe: {  	v55 =	vmul.f32 v28, v28;
	v22 =	vadd.f32 v52, v50;
	v21 =	vadd.f32 v54, v5  }
0x1ff: {  	v5 =	vmul.f32 v20, v20;
	v6 =	vadd.f32 v13, v6;
	v4 =	vmul.f32 $7.812500000e-03, v4  }
0x200: {  	v57 =	vadd.f32 v20, v23;
	v42 =	vmul.f32 v22, v22;
	v44 =	vmul.f32 v21, v21  }
0x201: {  	v45 =	vadd.f32 v59, v55;
	v6 =	vmul.f32 $7.812500000e-03, v6;
	v47 =	vmul.f32 v4, v4  }
0x202: {  	v43 =	vadd.f32 v21, v22;
	v5 =	vadd.f32 v5, v60  }
0x203: {  	v46 =	vadd.f32 v44, v42;
	v6 =	vsub.f32 v6, v47  }
0x204: {  	v8 =	vadd.f32 v45, v8;
	v7 =	vadd.f32 v43, v57  }
0x205: {  	v5 =	vadd.f32 v46, v5;
	v6 =	vadd.f32 $9.999999960e-13, v6  }
0x206: {  	v7 =	vadd.f32 v7, v12  }
0x207: {  	v5 =	vadd.f32 v5, v8;
	v50 =	vshra.s32 v6, $0x1;
	v6 =	vmul.f32 $5.000000000e-01, v6  }
0x208: {  	v48 =	vperm.xlane v7, v0;
	v9 =	vsub.s32 $0x5F3759DF, v50  }
0x209: {  	v8 =	vperm.xlane v5, v0;
	v52 =	vmul.f32 v9, v6  }
0x20a: {  	v7 =	vadd.f32 v7, v48  }
0x20b: {  	v5 =	vadd.f32 v8, v5;
	v8 =	vmul.f32 v9, v52  }
0x20c: {  	v51 =	vperm.xlane v7, v1  }
0x20d: {  	v53 =	vperm.xlane v5, v1;
	v8 =	vsub.f32 $1.500000000e+00, v8  }
0x20e: {  	v7 =	vadd.f32 v7, v51  }
0x20f: {  	v5 =	vadd.f32 v53, v5;
	v8 =	vmul.f32 v9, v8  }
0x210: {  	v54 =	vperm.xlane v7, v2  }
0x211: {  	v10 =	vperm.xlane v5, v2;
	v56 =	vmul.f32 v8, v6  }
0x212: {  	s7 =	simm.s32 $0x100;
	v7 =	vadd.f32 v7, v54  }
0x213: {  	v11 =	vld [tilespmem:s7+$0x3290];
	v5 =	vadd.f32 v10, v5;
	v10 =	vmul.f32 v56, v8  }
0x214: {  	v36 =	vld [tilespmem:s7+$0x98A0];
	v55 =	vperm.xlane v7, v3  }
0x215: {  	v37 =	vld [tilespmem:s7+$0x98B0];
	v10 =	vsub.f32 $1.500000000e+00, v10  }
0x216: {  	v45 =	vld [tilespmem:s7+$0x98D0];
	v7 =	vadd.f32 v7, v55;
	v57 =	vperm.xlane v5, v3  }
0x217: {  	v60 =	vld [tilespmem:s7+$0x32D0];
	v8 =	vmul.f32 v10, v8  }
0x218: {  	v42 =	vld [tilespmem:s7+$0x98C0];
	v33 =	vmul.f32 $7.812500000e-03, v7;
	v5 =	vadd.f32 v57, v5  }
0x219: {  	v43 =	vld [tilespmem:s7+$0x32C0];
	v6 =	vmul.f32 v8, v6  }
0x21a: {  	v12 =	vld [tilespmem:s7+$0x3280];
	v13 =	vmul.f32 v33, v33;
	v5 =	vmul.f32 $7.812500000e-03, v5  }
0x21b: {  	v44 =	vsub.f32 v24, v4;
	v53 =	vld [tilespmem:s7+$0x98E0];
	v6 =	vmul.f32 v6, v8  }
0x21c: {  	v19 =	vsub.f32 v26, v4;
	v54 =	vld [tilespmem:s7+$0x32E0];
	v5 =	vsub.f32 v5, v13  }
0x21d: {  	v29 =	vsub.f32 v29, v4;
	v55 =	vld [tilespmem:s7+$0x98F0];
	v6 =	vsub.f32 $1.500000000e+00, v6  }
0x21e: {  	v51 =	vsub.f32 v31, v4;
	v9 =	vld [tilespmem:s7+$0x9880];
	v5 =	vadd.f32 $9.999999960e-13, v5  }
0x21f: {  	v31 =	vsub.f32 v27, v4;
	v27 =	vsub.f32 v30, v4;
	v7 =	vld [tilespmem:s7+$0x9890];
	v24 =	vmul.f32 v6, v8  }
0x220: {  	v50 =	vsub.f32 v35, v4;
	v10 =	vld [tilespmem:s7+$0x32A0];
	v59 =	vshra.s32 v5, $0x1;
	v5 =	vmul.f32 $5.000000000e-01, v5  }
0x221: {  	v18 =	vmovc v39;
	v57 =	vld [tilespmem:s7+$0x32F0];
	v56 =	vsub.f32 v34, v4;
	v52 =	vsub.s32 $0x5F3759DF, v59;
	v39 =	vmul.f32 v24, v39  }
0x222: {  	v35 =	vadd.f32 v54, v53;
	v54 =	vsub.f32 v41, v33;
	v13 =	vld [tilespmem:s7+$0x32B0];
	v38 =	vmul.f32 v52, v5  }
0x223: {  	v23 =	vsub.f32 v23, v33;
	v20 =	vsub.f32 v20, v33;
	v4 =	vld [tilespmem:s7+$0x9800];
	v59 =	vmul.f32 v39, v56  }
0x224: {  	v34 =	vadd.f32 v12, v9;
	v12 =	vld [tilespmem:s7+$0x3200];
	v40 =	vadd.f32 v11, v7;
	v30 =	vmul.f32 v52, v38  }
0x225: {  	v7 =	vld [tilespmem:s7+$0x9810];
	v38 =	vadd.f32 v10, v36;
	v9 =	vadd.f32 v59, v49  }
0x226: {  	v11 =	vld [tilespmem:s7+$0x9820];
	v46 =	vmul.f32 v40, v40;
	v36 =	vadd.f32 v43, v42;
	v30 =	vsub.f32 $1.500000000e+00, v30  }
0x227: {  	v10 =	vld [tilespmem:s7+$0x3210];
	v42 =	vmul.f32 v34, v34;
	v47 =	vmul.f32 v38, v38;
	v39 =	vadd.f32 v13, v37;
	[tilespmem:s2+$0x100F0] =	vst v9  }
0x228: {  	v37 =	vadd.f32 v60, v45;
	v13 =	vmul.f32 v52, v30;
	v30 =	vadd.f32 v57, v55;
	v6 =	vld [tilespmem:s7+$0x3220]  }
0x229: {  	v53 =	vmul.f32 v36, v36;
	v42 =	vadd.f32 v46, v42;
	v8 =	vadd.f32 v40, v34;
	v43 =	vld [tilespmem:s7+$0x9830]  }
0x22a: {  	v45 =	vadd.f32 v37, v36;
	v48 =	vadd.f32 v30, v35;
	v60 =	vmul.f32 v39, v39;
	v52 =	vld [tilespmem:s7+$0x3230]  }
0x22b: {  	v56 =	vmul.f32 v35, v35;
	v41 =	vmul.f32 v37, v37;
	v9 =	vadd.f32 v39, v38;
	v55 =	vld [tilespmem:s7+$0x9840]  }
0x22c: {  	v26 =	vmovc v49;
	v45 =	vadd.f32 v48, v45;
	v48 =	vmul.f32 v30, v30;
	v49 =	vadd.f32 v60, v47;
	v46 =	vld [tilespmem:s7+$0x9850]  }
0x22d: {  	v60 =	vmul.f32 v13, v5;
	v41 =	vadd.f32 v41, v53;
	v47 =	vadd.f32 v12, v4;
	v53 =	vld [tilespmem:s7+$0x3250]  }
0x22e: {  	v4 =	vld [tilespmem:s7+$0x9860];
	v8 =	vadd.f32 v9, v8;
	v48 =	vadd.f32 v48, v56  }
0x22f: {  	v9 =	vld [tilespmem:s7+$0x3240];
	v12 =	vmul.f32 v60, v13;
	v42 =	vadd.f32 v49, v42;
	v49 =	vadd.f32 v10, v7  }
0x230: {  	v56 =	vld [tilespmem:s7+$0x3260];
	v8 =	vadd.f32 v45, v8;
	v60 =	vadd.f32 v48, v41  }
0x231: {  	v57 =	vmul.f32 v47, v47;
	v7 =	vld [tilespmem:s7+$0x3270];
	v12 =	vsub.f32 $1.500000000e+00, v12;
	v48 =	vadd.f32 v6, v11  }
0x232: {  	v6 =	vld [tilespmem:s7+$0x9870];
	v41 =	vadd.f32 v52, v43;
	v10 =	vadd.f32 v60, v42;
	v60 =	vperm.xlane v8, v0  }
0x233: {  	v52 =	vmul.f32 v49, v49;
	v42 =	vadd.f32 v53, v46;
	v12 =	vmul.f32 v12, v13  }
0x234: {  	v45 =	vadd.f32 v9, v55;
	v9 =	vadd.f32 v49, v47;
	v46 =	vperm.xlane v10, v0  }
0x235: {  	v43 =	vadd.f32 v56, v4;
	v8 =	vadd.f32 v8, v60;
	v53 =	vmul.f32 v48, v48  }
0x236: {  	v55 =	vadd.f32 v41, v48;
	v11 =	vmul.f32 v41, v41;
	v10 =	vadd.f32 v46, v10  }
0x237: {  	v4 =	vadd.f32 v42, v45;
	v60 =	vperm.xlane v8, v1;
	v46 =	vadd.f32 v7, v6  }
0x238: {  	v11 =	vadd.f32 v11, v53;
	v7 =	vadd.f32 v55, v9;
	v9 =	vperm.xlane v10, v1  }
0x239: {  	v53 =	vmul.f32 v43, v43;
	v8 =	vadd.f32 v8, v60;
	v60 =	vadd.f32 v46, v43  }
0x23a: {  	v6 =	vmul.f32 v45, v45;
	v55 =	vmul.f32 v42, v42;
	v9 =	vadd.f32 v9, v10  }
0x23b: {  	v10 =	vmul.f32 v46, v46;
	v4 =	vadd.f32 v60, v4;
	v60 =	vperm.xlane v8, v2  }
0x23c: {  	v52 =	vadd.f32 v52, v57;
	v5 =	vmul.f32 v12, v5;
	v6 =	vadd.f32 v55, v6  }
0x23d: {  	v10 =	vadd.f32 v10, v53;
	v8 =	vadd.f32 v8, v60;
	v60 =	vperm.xlane v9, v2  }
0x23e: {  	v5 =	vmul.f32 v5, v12;
	v52 =	vadd.f32 v11, v52;
	v4 =	vadd.f32 v4, v7  }
0x23f: {  	v6 =	vadd.f32 v10, v6;
	v56 =	vperm.xlane v8, v3;
	v9 =	vadd.f32 v60, v9  }
0x240: {  	v22 =	vsub.f32 v22, v33;
	v5 =	vsub.f32 $1.500000000e+00, v5;
	v13 =	vperm.xlane v4, v0  }
0x241: {  	v6 =	vadd.f32 v6, v52;
	v57 =	vadd.f32 v8, v56;
	v59 =	vperm.xlane v9, v3  }
0x242: {  	v55 =	vmul.f32 v24, v14;
	v5 =	vmul.f32 v5, v12;
	v4 =	vadd.f32 v4, v13  }
0x243: {  	v13 =	vperm.xlane v6, v0;
	v8 =	vadd.f32 v59, v9;
	v53 =	vmul.f32 $7.812500000e-03, v57  }
0x244: {  	v21 =	vsub.f32 v21, v33;
	v55 =	vmul.f32 v55, v51;
	v52 =	vperm.xlane v4, v1  }
0x245: {  	v6 =	vadd.f32 v13, v6;
	v8 =	vmul.f32 $7.812500000e-03, v8;
	v13 =	vmul.f32 v53, v53  }
0x246: {  	v7 =	vsub.f32 v28, v33;
	v28 =	vmul.f32 v24, v62;
	v4 =	vadd.f32 v4, v52  }
0x247: {  	v12 =	vadd.f32 v55, v61;
	v59 =	vperm.xlane v6, v1;
	v8 =	vsub.f32 v8, v13  }
0x248: {  	v60 =	vmul.f32 v24, v63;
	v13 =	vsub.f32 v25, v33;
	v25 =	vperm.xlane v4, v2  }
0x249: {  	v51 =	vmul.f32 v5, v17;
	v6 =	vadd.f32 v59, v6;
	v8 =	vadd.f32 $9.999999960e-13, v8  }
0x24a: {  	v10 =	vmul.f32 v60, v50;
	v59 =	vmul.f32 v28, v44;
	v4 =	vadd.f32 v4, v25  }
0x24b: {  	v25 =	vperm.xlane v6, v2;
	v28 =	vshra.s32 v8, $0x1;
	v8 =	vmul.f32 $5.000000000e-01, v8  }
0x24c: {  	s4 =	simm.s32 $0x200;
	[tilespmem:s2+$0x10080] =	vst v12;
	v60 =	vmul.f32 v5, v14;
	v50 =	vmul.f32 v5, v62;
	v28 =	vsub.s32 $0x5F3759DF, v28  }
0x24d: {  	v62 =	vld [tilespmem:s4+$0x3290];
	v12 =	vperm.xlane v4, v3;
	v6 =	vadd.f32 v25, v6;
	v25 =	vmul.f32 v28, v8  }
0x24e: {  	v11 =	vsub.f32 v32, v33;
	v9 =	vmul.f32 v5, v63;
	v32 =	vmul.f32 v60, v54;
	v57 =	vld [tilespmem:s4+$0x9880]  }
0x24f: {  	v60 =	vld [tilespmem:s4+$0x3280];
	v4 =	vadd.f32 v4, v12;
	v12 =	vperm.xlane v6, v3;
	v25 =	vmul.f32 v28, v25  }
0x250: {  	v52 =	vmul.f32 v5, v16;
	v32 =	vadd.f32 v32, v61;
	v11 =	vmul.f32 v9, v11;
	v9 =	vld [tilespmem:$0x1FF70]  }
0x251: {  	v7 =	vmul.f32 v50, v7;
	v61 =	vld [tilespmem:s4+$0x9890];
	v6 =	vadd.f32 v12, v6;
	v12 =	vsub.f32 $1.500000000e+00, v25  }
0x252: {  	v23 =	vmul.f32 v52, v23;
	v33 =	vsub.f32 v38, v53;
	v38 =	vld [tilespmem:$0x1FFD0];
	v13 =	vmul.f32 v51, v13  }
0x253: {  	v12 =	vmul.f32 v28, v12;
	v28 =	vmul.f32 v24, v17;
	v17 =	vld [tilespmem:$0x1FFC0]  }
0x254: {  	v54 =	vmovc v15;
	[tilespmem:s2+$0x10000] =	vst v32;
	v11 =	vadd.f32 v11, v58;
	v4 =	vmul.f32 $7.812500000e-03, v4;
	v25 =	vmul.f32 v5, v15;
	v15 =	vld [tilespmem:$0x1FF90]  }
0x255: {  	v32 =	vsub.f32 v34, v53;
	v63 =	vld [tilespmem:s4+$0x98A0];
	v52 =	vmul.f32 v5, v9;
	v5 =	vmul.f32 v5, v18  }
0x256: {  	[tilespmem:$0x1FE90] =	vst v19;
	v34 =	vsub.f32 v40, v53;
	v19 =	vld [tilespmem:s4+$0x32A0];
	v56 =	vmul.f32 v4, v4;
	v6 =	vmul.f32 $7.812500000e-03, v6  }
0x257: {  	v44 =	vld [tilespmem:s4+$0x98B0];
	v5 =	vmul.f32 v5, v21;
	v21 =	vsub.f32 v36, v53;
	v55 =	vmul.f32 v12, v8  }
0x258: {  	[tilespmem:s2+$0x10010] =	vst v11;
	v36 =	vld [tilespmem:$0x1FFE0];
	v6 =	vsub.f32 v6, v56;
	v7 =	vadd.f32 v7, v17  }
0x259: {  	v50 =	vld [tilespmem:s4+$0x32B0];
	v11 =	vmul.f32 v52, v22;
	v56 =	vadd.f32 v13, v15;
	v13 =	vmul.f32 v55, v12  }
0x25a: {  	v22 =	vadd.f32 v23, v38;
	v6 =	vadd.f32 $9.999999960e-13, v6;
	[tilespmem:s2+$0x10020] =	vst v7;
	v7 =	vmul.f32 v24, v16;
	v16 =	vld [tilespmem:$0x1FFA0]  }
0x25b: {  	v23 =	vsub.f32 v39, v53;
	v20 =	vmul.f32 v25, v20;
	v13 =	vsub.f32 $1.500000000e+00, v13  }
0x25c: {  	v25 =	vmul.f32 v24, v54;
	v5 =	vadd.f32 v5, v26;
	v40 =	vmul.f32 $5.000000000e-01, v6  }
0x25d: {  	v39 =	vadd.f32 v11, v36;
	v51 =	vld [tilespmem:s4+$0x98C0];
	[tilespmem:s2+$0x10030] =	vst v56;
	v12 =	vmul.f32 v13, v12;
	v13 =	vshra.s32 v6, $0x1  }
0x25e: {  	v52 =	vld [tilespmem:s4+$0x32C0];
	[tilespmem:s2+$0x10040] =	vst v22;
	v22 =	vsub.f32 v37, v53;
	v11 =	vsub.s32 $0x5F3759DF, v13;
	v7 =	vmul.f32 v7, v27  }
0x25f: {  	v27 =	vsub.f32 v48, v4;
	v48 =	vmul.f32 v24, v9;
	v20 =	vadd.f32 v20, v16  }
0x260: {  	v13 =	vmul.f32 v28, v31;
	v31 =	vsub.f32 v47, v4;
	v47 =	vld [tilespmem:$0x1FE90];
	v8 =	vmul.f32 v12, v8  }
0x261: {  	v28 =	vsub.f32 v49, v4;
	v54 =	vld [tilespmem:s4+$0x98D0];
	v37 =	vmul.f32 v11, v40;
	v6 =	vmul.f32 v48, v29;
	[tilespmem:s2+$0x10050] =	vst v20  }
0x262: {  	v24 =	vadd.f32 v59, v17;
	v49 =	vsub.f32 v30, v53;
	v8 =	vmul.f32 v8, v12;
	v55 =	vld [tilespmem:s4+$0x32D0];
	[tilespmem:s2+$0x10060] =	vst v39  }
0x263: {  	v30 =	vsub.f32 v46, v4;
	v46 =	vadd.f32 v6, v36;
	v56 =	vld [tilespmem:s4+$0x98E0];
	[tilespmem:s2+$0x10070] =	vst v5;
	v5 =	vmul.f32 v11, v37  }
0x264: {  	v36 =	vadd.f32 v19, v63;
	v8 =	vsub.f32 $1.500000000e+00, v8  }
0x265: {  	v39 =	vadd.f32 v10, v58;
	v5 =	vsub.f32 $1.500000000e+00, v5  }
0x266: {  	v63 =	vld [tilespmem:$0x1FF10];
	v20 =	vsub.f32 v35, v53;
	v10 =	vmul.f32 v25, v47;
	v35 =	vmul.f32 v8, v12  }
0x267: {  	v25 =	vsub.f32 v45, v4;
	v58 =	vld [tilespmem:s4+$0x32E0];
	[tilespmem:s2+$0x10090] =	vst v39;
	v45 =	vmul.f32 v11, v5;
	v5 =	vadd.f32 v13, v15  }
0x268: {  	v7 =	vadd.f32 v7, v38;
	v59 =	vld [tilespmem:s4+$0x98F0];
	[tilespmem:s2+$0x100A0] =	vst v24;
	v53 =	vmul.f32 v35, v18  }
0x269: {  	v26 =	vsub.f32 v41, v4;
	v29 =	vsub.f32 v43, v4;
	v39 =	vld [tilespmem:s4+$0x32F0];
	[tilespmem:s2+$0x100B0] =	vst v5  }
0x26a: {  	v24 =	vsub.f32 v42, v4;
	v4 =	vadd.f32 v10, v16;
	v48 =	vmul.f32 v53, v49;
	v53 =	vld [tilespmem:s4+$0x9800];
	[tilespmem:s2+$0x100C0] =	vst v7  }
0x26b: {  	v38 =	vadd.f32 v60, v57;
	v60 =	vld [tilespmem:s4+$0x3200]  }
0x26c: {  	[tilespmem:s2+$0x100D0] =	vst v4;
	v4 =	vld [tilespmem:$0x1FF20]  }
0x26d: {  	v5 =	vmul.f32 v45, v40;
	_ =	sdelay $0x1  }
0x26e: {  	v5 =	vmul.f32 v5, v45  }
0x26f: {  	s5 =	sadd.s32 s6, s9;
	v37 =	vadd.f32 v62, v61;
	v43 =	vmul.f32 v35, v14  }
0x270: {  	s3 =	sadd.s32 $0x1, s5;
	s5 =	simm.s32 $0xC00;
	v41 =	vmul.f32 v35, v63;
	v49 =	vsub.f32 $1.500000000e+00, v5;
	v42 =	vmul.f32 v35, v4  }
.LBB2_7:
0x271: {  	v15 =	vld [tilespmem:$0x1FF40];
	_ =	sdelay $0x4  }
0x272: {  	v4 =	vld [tilespmem:s4+$0x9810];
	v47 =	vadd.f32 v50, v44;
	[tilespmem:s2+$0x100E0] =	vst v46;
	s2 =	smov.u32 s7;
	s7 =	smov.u32 s4;
	v5 =	vadd.f32 v48, v15  }
0x273: {  	v50 =	vadd.f32 v58, v56;
	v57 =	vmul.f32 v49, v45;
	v6 =	vld [tilespmem:s7+$0x3210];
	v49 =	vadd.f32 v52, v51  }
0x274: {  	v7 =	vld [tilespmem:s7+$0x9820];
	v9 =	vadd.f32 v37, v38;
	v11 =	vmul.f32 v38, v38;
	v45 =	vmul.f32 v37, v37;
	[tilespmem:s2+$0x100F0] =	vst v5  }
0x275: {  	v46 =	vmul.f32 v36, v36;
	v39 =	vadd.f32 v39, v59;
	v48 =	vadd.f32 v55, v54;
	v5 =	vld [tilespmem:s7+$0x3220]  }
0x276: {  	v10 =	vadd.f32 v47, v36;
	v58 =	vmul.f32 v50, v50;
	v11 =	vadd.f32 v45, v11;
	v12 =	vld [tilespmem:s7+$0x9830]  }
0x277: {  	v8 =	vmul.f32 v57, v40;
	v63 =	vadd.f32 v39, v50;
	v13 =	vadd.f32 v48, v49;
	v52 =	vld [tilespmem:s7+$0x3230]  }
0x278: {  	v40 =	vadd.f32 v60, v53;
	v54 =	vmul.f32 v47, v47;
	v55 =	vmul.f32 v49, v49;
	v56 =	vld [tilespmem:s7+$0x9840]  }
0x279: {  	v53 =	vmul.f32 v48, v48;
	v59 =	vld [tilespmem:s7+$0x3240];
	v17 =	vadd.f32 v63, v13;
	v13 =	vmul.f32 v39, v39  }
0x27a: {  	v9 =	vadd.f32 v10, v9;
	v46 =	vadd.f32 v54, v46;
	v60 =	vld [tilespmem:s7+$0x9850]  }
0x27b: {  	v62 =	vld [tilespmem:s7+$0x3250];
	v53 =	vadd.f32 v53, v55;
	v13 =	vadd.f32 v13, v58  }
0x27c: {  	v32 =	vmul.f32 v43, v32;
	v51 =	vadd.f32 v6, v4;
	v4 =	vld [tilespmem:s7+$0x9860];
	v63 =	vadd.f32 v46, v11  }
0x27d: {  	v61 =	vmul.f32 v40, v40;
	v6 =	vadd.f32 v17, v9;
	v9 =	vld [tilespmem:s7+$0x3260];
	v58 =	vadd.f32 v13, v53  }
0x27e: {  	v53 =	vadd.f32 v5, v7;
	v52 =	vadd.f32 v52, v12;
	v5 =	vld [tilespmem:s7+$0x9870];
	v7 =	vmul.f32 v51, v51  }
0x27f: {  	v54 =	vadd.f32 v59, v56;
	v12 =	vld [tilespmem:s7+$0x3270];
	v10 =	vadd.f32 v58, v63;
	v63 =	vperm.xlane v6, v0  }
0x280: {  	v55 =	vadd.f32 v62, v60;
	v13 =	vadd.f32 v51, v40;
	v58 =	vmul.f32 v53, v53  }
0x281: {  	v59 =	vadd.f32 v52, v53;
	v6 =	vadd.f32 v6, v63;
	v11 =	vperm.xlane v10, v0  }
0x282: {  	v60 =	vmul.f32 v54, v54;
	v7 =	vadd.f32 v7, v61;
	v56 =	vadd.f32 v9, v4  }
0x283: {  	v4 =	vadd.f32 v55, v54;
	v62 =	vperm.xlane v6, v1;
	v10 =	vadd.f32 v11, v10  }
0x284: {  	v9 =	vmul.f32 v52, v52;
	v13 =	vadd.f32 v59, v13;
	v5 =	vadd.f32 v12, v5  }
0x285: {  	v16 =	vld [tilespmem:$0x1FF30];
	v12 =	vmul.f32 v56, v56;
	v6 =	vadd.f32 v6, v62;
	v59 =	vperm.xlane v10, v1  }
0x286: {  	v9 =	vadd.f32 v9, v58;
	v11 =	vmul.f32 v55, v55;
	v62 =	vadd.f32 v5, v56  }
0x287: {  	v63 =	vmul.f32 v5, v5;
	v58 =	vperm.xlane v6, v2;
	v10 =	vadd.f32 v59, v10  }
0x288: {  	v43 =	vmul.f32 v41, v34;
	v11 =	vadd.f32 v11, v60;
	v4 =	vadd.f32 v62, v4  }
0x289: {  	v19 =	vld [tilespmem:$0x1FFB0];
	v12 =	vadd.f32 v63, v12;
	v6 =	vadd.f32 v6, v58;
	v63 =	vperm.xlane v10, v2  }
0x28a: {  	v44 =	vmul.f32 v35, v16;
	v7 =	vadd.f32 v9, v7;
	v4 =	vadd.f32 v4, v13  }
0x28b: {  	v11 =	vadd.f32 v12, v11;
	v12 =	vperm.xlane v6, v3;
	v10 =	vadd.f32 v63, v10  }
0x28c: {  	v8 =	vmul.f32 v8, v57;
	v13 =	vperm.xlane v4, v0  }
0x28d: {  	v17 =	vld [tilespmem:$0x1FF60];
	v7 =	vadd.f32 v11, v7;
	v6 =	vadd.f32 v6, v12;
	v34 =	vperm.xlane v10, v3  }
0x28e: {  	v8 =	vsub.f32 $1.500000000e+00, v8;
	v46 =	vmul.f32 v35, v19;
	v59 =	vld [tilespmem:$0x1FF70];
	v4 =	vadd.f32 v4, v13  }
0x28f: {  	v61 =	vld [tilespmem:$0x1FFF0];
	v12 =	vperm.xlane v7, v0;
	v10 =	vadd.f32 v34, v10;
	v41 =	vmul.f32 $7.812500000e-03, v6  }
0x290: {  	v8 =	vmul.f32 v8, v57;
	v58 =	vperm.xlane v4, v1  }
0x291: {  	v7 =	vadd.f32 v12, v7;
	v10 =	vmul.f32 $7.812500000e-03, v10;
	v12 =	vmul.f32 v41, v41  }
0x292: {  	v45 =	vmul.f32 v35, v17;
	v11 =	vmul.f32 v8, v14;
	v4 =	vadd.f32 v4, v58  }
0x293: {  	v35 =	vmul.f32 v35, v59;
	v60 =	vperm.xlane v7, v1;
	v10 =	vsub.f32 v10, v12  }
0x294: {  	v9 =	vadd.f32 v32, v61;
	v57 =	vmul.f32 v8, v59;
	v63 =	vperm.xlane v4, v2  }
0x295: {  	v18 =	vld [tilespmem:$0x1FF20];
	v12 =	vmul.f32 v8, v16;
	v7 =	vadd.f32 v60, v7;
	v16 =	vadd.f32 $9.999999960e-13, v10  }
0x296: {  	v32 =	vsub.f32 v38, v41;
	v38 =	vmul.f32 v8, v17;
	v4 =	vadd.f32 v4, v63  }
0x297: {  	[tilespmem:s2+$0x10080] =	vst v9;
	v62 =	vld [tilespmem:$0x1FF10];
	v17 =	vperm.xlane v7, v2;
	v60 =	vshra.s32 v16, $0x1;
	v9 =	vmul.f32 $5.000000000e-01, v16  }
0x298: {  	v11 =	vmul.f32 v11, v31;
	v16 =	vperm.xlane v4, v3;
	v59 =	vsub.s32 $0x5F3759DF, v60  }
0x299: {  	v42 =	vmul.f32 v42, v33;
	v7 =	vadd.f32 v17, v7;
	v17 =	vmul.f32 v59, v9  }
0x29a: {  	v13 =	vmul.f32 v8, v18;
	v11 =	vadd.f32 v11, v61;
	v4 =	vadd.f32 v4, v16  }
0x29b: {  	v34 =	vsub.f32 v37, v41;
	v31 =	vperm.xlane v7, v3;
	v37 =	vmul.f32 v59, v17  }
0x29c: {  	v6 =	vmul.f32 v8, v62;
	v33 =	vsub.f32 v36, v41;
	v4 =	vmul.f32 $7.812500000e-03, v4  }
0x29d: {  	v13 =	vmul.f32 v13, v27;
	v7 =	vadd.f32 v31, v7;
	v37 =	vsub.f32 $1.500000000e+00, v37  }
0x29e: {  	v6 =	vmul.f32 v6, v28;
	v60 =	vmul.f32 v4, v4;
	v31 =	vsub.f32 v40, v4  }
0x29f: {  	s4 =	sshra.s32 s5, $0x2;
	v28 =	vsub.f32 v51, v4;
	v7 =	vmul.f32 $7.812500000e-03, v7;
	v37 =	vmul.f32 v59, v37  }
0x2a0: {  	v61 =	vld [tilespmem:s4+$0x3290];
	v10 =	vmul.f32 v8, v19;
	v16 =	vsub.f32 v53, v4;
	v17 =	vsub.f32 v52, v4  }
0x2a1: {  	v63 =	vld [tilespmem:$0x1FF50];
	v58 =	vsub.f32 v54, v4;
	v7 =	vsub.f32 v7, v60;
	v60 =	vmul.f32 v37, v9  }
0x2a2: {  	v19 =	vld [tilespmem:$0x1FFC0];
	v52 =	vmul.f32 v57, v29;
	v59 =	vsub.f32 v55, v4;
	v27 =	vmovc v16;
	v16 =	vsub.f32 v56, v4  }
0x2a3: {  	v57 =	vld [tilespmem:s4+$0x9890];
	v4 =	vsub.f32 v5, v4;
	v5 =	vmul.f32 v12, v26;
	v26 =	vmovc v17;
	v17 =	vmul.f32 v60, v37  }
0x2a4: {  	v36 =	vsub.f32 v47, v41;
	v12 =	vld [tilespmem:s4+$0x9880];
	v7 =	vadd.f32 $9.999999960e-13, v7  }
0x2a5: {  	v47 =	vsub.f32 v49, v41;
	v38 =	vmul.f32 v38, v25;
	v25 =	vmovc v58;
	v29 =	vmovc v16;
	v16 =	vld [tilespmem:$0x1FF80];
	v58 =	vsub.f32 $1.500000000e+00, v17  }
0x2a6: {  	v8 =	vmul.f32 v8, v63;
	v60 =	vld [tilespmem:s4+$0x3280];
	v40 =	vmul.f32 $5.000000000e-01, v7  }
0x2a7: {  	v56 =	vshra.s32 v7, $0x1;
	[tilespmem:s2+$0x10000] =	vst v11;
	v7 =	vmul.f32 v58, v37;
	v37 =	vmul.f32 v45, v21;
	v21 =	vmovc v47;
	v47 =	vld [tilespmem:$0x1FFD0]  }
0x2a8: {  	v11 =	vmul.f32 v44, v23;
	v23 =	vmov v36;
	v53 =	vsub.s32 $0x5F3759DF, v56;
	v36 =	vld [tilespmem:s4+$0x98A0]  }
0x2a9: {  	v49 =	vsub.f32 v50, v41;
	v8 =	vmul.f32 v8, v30;
	v30 =	vmovc v4;
	v4 =	vld [tilespmem:s4+$0x32A0];
	v50 =	vmul.f32 v53, v40  }
0x2aa: {  	v17 =	vld [tilespmem:$0x1FF90];
	v6 =	vadd.f32 v6, v16  }
0x2ab: {  	v10 =	vmul.f32 v10, v24;
	v24 =	vmov v59;
	v44 =	vld [tilespmem:s4+$0x98B0];
	v59 =	vmul.f32 v53, v50  }
0x2ac: {  	[tilespmem:s2+$0x10010] =	vst v6;
	v6 =	vadd.f32 v38, v47;
	v38 =	vld [tilespmem:$0x1FFA0]  }
0x2ad: {  	v45 =	vsub.f32 $1.500000000e+00, v59;
	v59 =	vld [tilespmem:$0x1FFE0]  }
0x2ae: {  	v13 =	vadd.f32 v13, v19  }
0x2af: {  	v9 =	vmul.f32 v7, v9;
	v5 =	vadd.f32 v5, v17  }
0x2b0: {  	v48 =	vsub.f32 v48, v41;
	v50 =	vld [tilespmem:s4+$0x32B0];
	[tilespmem:s2+$0x10020] =	vst v13  }
0x2b1: {  	v46 =	vmul.f32 v46, v22;
	v51 =	vld [tilespmem:s4+$0x98C0];
	v9 =	vmul.f32 v9, v7;
	[tilespmem:s2+$0x10030] =	vst v5;
	v10 =	vadd.f32 v10, v38  }
0x2b2: {  	v22 =	vmov v48;
	v48 =	vadd.f32 v43, v16;
	v5 =	vadd.f32 v52, v59;
	v52 =	vld [tilespmem:s4+$0x32C0];
	[tilespmem:s2+$0x10040] =	vst v6  }
0x2b3: {  	v9 =	vsub.f32 $1.500000000e+00, v9;
	v6 =	vadd.f32 v8, v15;
	v54 =	vld [tilespmem:s4+$0x98D0];
	[tilespmem:s2+$0x10050] =	vst v10  }
0x2b4: {  	v13 =	vmul.f32 v35, v20;
	v20 =	vmov v49;
	v45 =	vmul.f32 v53, v45;
	v55 =	vld [tilespmem:s4+$0x32D0];
	[tilespmem:s2+$0x10060] =	vst v5  }
0x2b5: {  	p0 =	sne.s32 s5, $0xC400;
	v49 =	vadd.f32 v42, v19;
	v36 =	vadd.f32 v4, v36;
	v35 =	vmul.f32 v9, v7;
	v56 =	vld [tilespmem:s4+$0x98E0];
	[tilespmem:s2+$0x10070] =	vst v6  }
.Ltmp4:
0x2b6: {  	v53 =	vmul.f32 v45, v40;
	v16 =	vadd.f32 v46, v38;
	v5 =	vadd.f32 v11, v17;
	v58 =	vld [tilespmem:s4+$0x32E0];
	[tilespmem:s2+$0x10090] =	vst v48;
	(pc) =	sbr.rel @p0 .LBB2_7-.Ltmp4, $4  }
0x2b7: {  	v46 =	vadd.f32 v13, v59;
	v9 =	vmul.f32 v35, v63;
	v11 =	vadd.f32 v37, v47;
	v59 =	vld [tilespmem:s4+$0x98F0];
	[tilespmem:s2+$0x100A0] =	vst v49  }
0x2b8: {  	v43 =	vmul.f32 v35, v14;
	v17 =	vmul.f32 v53, v45;
	v47 =	vsub.f32 v39, v41;
	v39 =	vld [tilespmem:s4+$0x32F0];
	[tilespmem:s2+$0x100B0] =	vst v5  }
0x2b9: {  	v38 =	vadd.f32 v60, v12;
	v42 =	vmul.f32 v35, v18;
	v41 =	vmul.f32 v35, v62;
	v53 =	vld [tilespmem:s4+$0x9800];
	[tilespmem:s2+$0x100C0] =	vst v11  }
0x2ba: {  	s5 =	sadd.s32 $0x400, s5;
	v37 =	vadd.f32 v61, v57;
	v48 =	vmul.f32 v9, v47;
	v49 =	vsub.f32 $1.500000000e+00, v17;
	v60 =	vld [tilespmem:s4+$0x3200];
	[tilespmem:s2+$0x100D0] =	vst v16  }
0x2bb: {  	v15 =	vld [tilespmem:$0x1FF40];
	_ =	sdelay $0x4  }
0x2bc: {  	v4 =	vld [tilespmem:s4+$0x9810];
	[tilespmem:s2+$0x100E0] =	vst v46;
	v5 =	vadd.f32 v48, v15  }
0x2bd: {  	v6 =	vld [tilespmem:s4+$0x3210]  }
0x2be: {  	v7 =	vld [tilespmem:s4+$0x9820];
	[tilespmem:s7+$0x100F0] =	vst v5  }
0x2bf: {  	v5 =	vld [tilespmem:s4+$0x3220]  }
0x2c0: {  	v47 =	vadd.f32 v52, v51;
	v46 =	vadd.f32 v55, v54;
	v8 =	vld [tilespmem:s4+$0x9830]  }
0x2c1: {  	v12 =	vmul.f32 v38, v38;
	v10 =	vadd.f32 v37, v38;
	v39 =	vadd.f32 v39, v59;
	v9 =	vld [tilespmem:s4+$0x3230]  }
0x2c2: {  	v52 =	vmul.f32 v36, v36;
	v48 =	vadd.f32 v50, v44;
	v44 =	vadd.f32 v58, v56;
	v13 =	vld [tilespmem:s4+$0x9840]  }
0x2c3: {  	v51 =	vmul.f32 v37, v37;
	v57 =	vmul.f32 v47, v47;
	v50 =	vadd.f32 v46, v47;
	v54 =	vld [tilespmem:s4+$0x3240]  }
0x2c4: {  	v59 =	vmul.f32 v46, v46;
	v11 =	vadd.f32 v48, v36;
	v55 =	vadd.f32 v39, v44;
	v58 =	vld [tilespmem:s4+$0x9850]  }
0x2c5: {  	v12 =	vadd.f32 v51, v12;
	v53 =	vadd.f32 v60, v53;
	v56 =	vmul.f32 v48, v48;
	v61 =	vld [tilespmem:s4+$0x3250]  }
0x2c6: {  	v63 =	vmul.f32 v39, v39;
	v10 =	vadd.f32 v11, v10;
	v11 =	vadd.f32 v55, v50;
	v55 =	vld [tilespmem:s4+$0x9860]  }
0x2c7: {  	v4 =	vadd.f32 v6, v4;
	v60 =	vmul.f32 v44, v44;
	v51 =	vadd.f32 v56, v52;
	v52 =	vld [tilespmem:s4+$0x3260]  }
0x2c8: {  	v56 =	vadd.f32 v59, v57;
	v57 =	vld [tilespmem:s4+$0x9870]  }
0x2c9: {  	v50 =	vadd.f32 v63, v60;
	v63 =	vld [tilespmem:s4+$0x3270];
	v60 =	vadd.f32 v4, v53  }
0x2ca: {  	v6 =	vadd.f32 v11, v10;
	v11 =	vadd.f32 v51, v12  }
0x2cb: {  	v12 =	vadd.f32 v50, v56;
	v5 =	vadd.f32 v5, v7  }
0x2cc: {  	v50 =	vmul.f32 v4, v4;
	v7 =	vadd.f32 v9, v8;
	v9 =	vadd.f32 v54, v13  }
0x2cd: {  	v8 =	vmul.f32 v53, v53;
	v13 =	vadd.f32 v61, v58;
	v52 =	vadd.f32 v52, v55  }
0x2ce: {  	v10 =	vadd.f32 v63, v57;
	v61 =	vadd.f32 v7, v5;
	v56 =	vmul.f32 v5, v5  }
0x2cf: {  	v55 =	vadd.f32 v13, v9;
	v57 =	vmul.f32 v7, v7;
	v58 =	vmul.f32 v9, v9  }
0x2d0: {  	v59 =	vmul.f32 v13, v13;
	v8 =	vadd.f32 v50, v8;
	v54 =	vadd.f32 v10, v52  }
0x2d1: {  	v63 =	vmul.f32 v10, v10;
	v51 =	vadd.f32 v61, v60;
	v60 =	vmul.f32 v52, v52  }
0x2d2: {  	v56 =	vadd.f32 v57, v56;
	v57 =	vadd.f32 v59, v58  }
0x2d3: {  	v54 =	vadd.f32 v54, v55;
	v50 =	vadd.f32 v63, v60  }
0x2d4: {  	v11 =	vadd.f32 v12, v11;
	v8 =	vadd.f32 v56, v8  }
0x2d5: {  	v58 =	vperm.xlane v6, v0;
	v12 =	vadd.f32 v54, v51;
	v50 =	vadd.f32 v50, v57  }
0x2d6: {  	v59 =	vperm.xlane v11, v0  }
0x2d7: {  	v6 =	vadd.f32 v6, v58;
	v60 =	vperm.xlane v12, v0;
	v8 =	vadd.f32 v50, v8  }
0x2d8: {  	v11 =	vadd.f32 v59, v11  }
0x2d9: {  	v61 =	vperm.xlane v6, v1;
	v12 =	vadd.f32 v12, v60;
	v63 =	vperm.xlane v8, v0  }
0x2da: {  	v54 =	vperm.xlane v11, v1  }
0x2db: {  	v6 =	vadd.f32 v6, v61;
	v57 =	vperm.xlane v12, v1;
	v8 =	vadd.f32 v63, v8  }
0x2dc: {  	v11 =	vadd.f32 v54, v11  }
0x2dd: {  	v58 =	vperm.xlane v6, v2;
	v12 =	vadd.f32 v12, v57;
	v59 =	vperm.xlane v8, v1  }
0x2de: {  	v54 =	vperm.xlane v11, v2  }
0x2df: {  	v6 =	vadd.f32 v6, v58;
	v60 =	vperm.xlane v12, v2;
	v8 =	vadd.f32 v59, v8  }
0x2e0: {  	v45 =	vmul.f32 v49, v45;
	v11 =	vadd.f32 v54, v11  }
0x2e1: {  	v55 =	vld [tilespmem:$0x1FF30];
	v61 =	vperm.xlane v6, v3;
	v12 =	vadd.f32 v12, v60;
	v63 =	vperm.xlane v8, v2  }
0x2e2: {  	v40 =	vmul.f32 v45, v40;
	v54 =	vperm.xlane v11, v3  }
0x2e3: {  	v6 =	vadd.f32 v6, v61;
	v56 =	vperm.xlane v12, v3;
	v8 =	vadd.f32 v63, v8  }
0x2e4: {  	v40 =	vmul.f32 v40, v45;
	v11 =	vadd.f32 v54, v11  }
0x2e5: {  	v6 =	vmul.f32 $7.812500000e-03, v6;
	v12 =	vadd.f32 v12, v56;
	v57 =	vperm.xlane v8, v3  }
0x2e6: {  	v49 =	vmul.f32 v35, v55;
	v11 =	vmul.f32 $7.812500000e-03, v11  }
0x2e7: {  	v58 =	vmul.f32 v6, v6;
	v12 =	vmul.f32 $7.812500000e-03, v12;
	v8 =	vadd.f32 v57, v8  }
0x2e8: {  	v32 =	vmul.f32 v43, v32;
	v40 =	vsub.f32 $1.500000000e+00, v40;
	v23 =	vmul.f32 v49, v23  }
0x2e9: {  	v49 =	vld [tilespmem:$0x1FFF0];
	v11 =	vsub.f32 v11, v58;
	v59 =	vmul.f32 v12, v12;
	v8 =	vmul.f32 $7.812500000e-03, v8  }
0x2ea: {  	v34 =	vmul.f32 v41, v34;
	v40 =	vmul.f32 v40, v45  }
0x2eb: {  	v33 =	vmul.f32 v42, v33;
	v11 =	vadd.f32 $9.999999960e-13, v11;
	v8 =	vsub.f32 v8, v59  }
0x2ec: {  	v42 =	vmul.f32 v40, v55;
	v54 =	vmul.f32 v40, v14  }
0x2ed: {  	v60 =	vshra.s32 v11, $0x1;
	v11 =	vmul.f32 $5.000000000e-01, v11;
	v8 =	vadd.f32 $9.999999960e-13, v8  }
0x2ee: {  	v32 =	vadd.f32 v32, v49;
	v31 =	vmul.f32 v54, v31;
	v43 =	vsub.s32 $0x5F3759DF, v60  }
0x2ef: {  	v18 =	vld [tilespmem:$0x1FF20];
	v61 =	vmul.f32 v43, v11;
	v63 =	vshra.s32 v8, $0x1;
	v8 =	vmul.f32 $5.000000000e-01, v8  }
0x2f0: {  	v54 =	vld [tilespmem:$0x1FF50];
	v53 =	vsub.f32 v53, v12;
	v4 =	vsub.f32 v4, v12;
	v50 =	vsub.s32 $0x5F3759DF, v63  }
0x2f1: {  	v16 =	vld [tilespmem:$0x1FF60];
	v5 =	vsub.f32 v5, v12;
	v45 =	vmul.f32 v43, v61;
	v56 =	vmul.f32 v50, v8  }
0x2f2: {  	v26 =	vmul.f32 v42, v26;
	v7 =	vsub.f32 v7, v12;
	v9 =	vsub.f32 v9, v12  }
0x2f3: {  	v13 =	vsub.f32 v13, v12;
	v58 =	vsub.f32 $1.500000000e+00, v45;
	v59 =	vmul.f32 v50, v56  }
0x2f4: {  	v57 =	vmul.f32 v40, v62;
	v52 =	vsub.f32 v52, v12;
	v10 =	vsub.f32 v10, v12  }
0x2f5: {  	v17 =	vld [tilespmem:$0x1FF70];
	v12 =	vmul.f32 v40, v54;
	v41 =	vmul.f32 v43, v58;
	v61 =	vsub.f32 $1.500000000e+00, v59  }
0x2f6: {  	[tilespmem:s7+$0x10080] =	vst v32;
	v32 =	vld [tilespmem:$0x1FF90];
	v60 =	vmul.f32 v40, v18;
	v63 =	vmul.f32 v40, v16  }
0x2f7: {  	v37 =	vsub.f32 v37, v6;
	v43 =	vmul.f32 v50, v61;
	v61 =	vmul.f32 v41, v11  }
0x2f8: {  	v19 =	vld [tilespmem:$0x1FFC0];
	v31 =	vadd.f32 v31, v49;
	v12 =	vmul.f32 v12, v30;
	v25 =	vmul.f32 v63, v25  }
0x2f9: {  	v36 =	vsub.f32 v36, v6;
	v56 =	vld [tilespmem:$0x1FFB0];
	v63 =	vmul.f32 v43, v8;
	v42 =	vmul.f32 v61, v41  }
0x2fa: {  	[tilespmem:s7+$0x10000] =	vst v31;
	v31 =	vsub.f32 v48, v6;
	v27 =	vmul.f32 v60, v27;
	v60 =	vmul.f32 v40, v17  }
0x2fb: {  	v26 =	vadd.f32 v26, v32;
	v45 =	vmul.f32 v63, v43;
	v42 =	vsub.f32 $1.500000000e+00, v42  }
0x2fc: {  	v28 =	vmul.f32 v57, v28;
	v12 =	vadd.f32 v12, v15;
	v29 =	vmul.f32 v60, v29  }
0x2fd: {  	v60 =	vmul.f32 v35, v16;
	v57 =	vsub.f32 $1.500000000e+00, v45;
	v58 =	vmul.f32 v42, v41;
	v41 =	vld [tilespmem:$0x1FF80]  }
0x2fe: {  	v27 =	vadd.f32 v27, v19;
	[tilespmem:s7+$0x10070] =	vst v12;
	v12 =	vmul.f32 v35, v17;
	v59 =	vmul.f32 v40, v56;
	v42 =	vld [tilespmem:$0x1FFA0]  }
0x2ff: {  	v23 =	vadd.f32 v23, v32;
	v45 =	vld [tilespmem:$0x1FFE0];
	v30 =	vmul.f32 v57, v43;
	v11 =	vmul.f32 v58, v11  }
0x300: {  	[tilespmem:s7+$0x10020] =	vst v27;
	v27 =	vsub.f32 v46, v6;
	v61 =	vmul.f32 v35, v56;
	v24 =	vmul.f32 v59, v24  }
0x301: {  	v35 =	vadd.f32 v33, v19;
	v11 =	vmul.f32 v11, v58;
	v8 =	vmul.f32 v30, v8  }
0x302: {  	[tilespmem:s7+$0x10030] =	vst v26;
	v21 =	vmul.f32 v60, v21;
	v59 =	vsub.f32 v38, v6;
	v28 =	vadd.f32 v28, v41  }
0x303: {  	[tilespmem:s7+$0x100B0] =	vst v23;
	v43 =	vld [tilespmem:$0x1FFD0];
	v24 =	vadd.f32 v24, v42;
	v11 =	vsub.f32 $1.500000000e+00, v11;
	v8 =	vmul.f32 v8, v30  }
0x304: {  	v22 =	vmul.f32 v61, v22;
	[tilespmem:s7+$0x100A0] =	vst v35;
	v63 =	vadd.f32 v29, v45;
	v29 =	vsub.f32 v44, v6  }
0x305: {  	v34 =	vadd.f32 v34, v41;
	[tilespmem:s7+$0x10010] =	vst v28;
	v11 =	vmul.f32 v11, v58;
	v8 =	vsub.f32 $1.500000000e+00, v8  }
0x306: {  	v12 =	vmul.f32 v12, v20;
	v22 =	vadd.f32 v22, v42;
	v28 =	vsub.f32 v47, v6;
	[tilespmem:s7+$0x10050] =	vst v24  }
0x307: {  	[tilespmem:s7+$0x10060] =	vst v63;
	v6 =	vsub.f32 v39, v6;
	v8 =	vmul.f32 v8, v30;
	v39 =	vmul.f32 v11, v54  }
0x308: {  	[tilespmem:s7+$0x10090] =	vst v34;
	v20 =	vadd.f32 v21, v43;
	v40 =	vmul.f32 v11, v14  }
0x309: {  	v12 =	vadd.f32 v12, v45;
	[tilespmem:s7+$0x100D0] =	vst v22;
	v6 =	vmul.f32 v39, v6;
	v44 =	vmul.f32 v8, v14  }
0x30a: {  	v25 =	vadd.f32 v25, v43;
	[tilespmem:s7+$0x100C0] =	vst v20;
	v20 =	vmul.f32 v40, v59;
	v46 =	vmul.f32 v8, v62  }
0x30b: {  	[tilespmem:s7+$0x100E0] =	vst v12;
	v48 =	vmul.f32 v8, v18;
	v6 =	vadd.f32 v6, v15;
	v47 =	vmul.f32 v44, v53  }
0x30c: {  	[tilespmem:s7+$0x10040] =	vst v25;
	v12 =	vadd.f32 v20, v49;
	v4 =	vmul.f32 v46, v4;
	v20 =	vmul.f32 v8, v55  }
0x30d: {  	v50 =	vmul.f32 v8, v16;
	v5 =	vmul.f32 v48, v5;
	[tilespmem:s4+$0x100F0] =	vst v6;
	v51 =	vadd.f32 v47, v49  }
0x30e: {  	v53 =	vmul.f32 v8, v17;
	[tilespmem:s4+$0x10080] =	vst v12;
	v7 =	vmul.f32 v20, v7;
	v4 =	vadd.f32 v4, v41  }
0x30f: {  	v61 =	vmul.f32 v11, v16;
	v6 =	vmul.f32 v50, v9;
	v5 =	vadd.f32 v5, v19;
	[tilespmem:s4+$0x10000] =	vst v51  }
0x310: {  	v57 =	vmul.f32 v53, v52;
	[tilespmem:s4+$0x10010] =	vst v4;
	v4 =	vmul.f32 v8, v54;
	v7 =	vadd.f32 v7, v32  }
0x311: {  	v9 =	vmul.f32 v61, v28;
	[tilespmem:s4+$0x10020] =	vst v5;
	v5 =	vmul.f32 v11, v62;
	v6 =	vadd.f32 v6, v43  }
0x312: {  	v12 =	vmul.f32 v8, v56;
	v8 =	vadd.f32 v57, v45;
	v4 =	vmul.f32 v4, v10;
	[tilespmem:s4+$0x10030] =	vst v7  }
0x313: {  	v60 =	vmul.f32 v11, v55;
	v63 =	vadd.f32 v9, v43;
	v5 =	vmul.f32 v5, v37;
	[tilespmem:s4+$0x10040] =	vst v6  }
0x314: {  	v58 =	vmul.f32 v11, v18;
	v12 =	vmul.f32 v12, v13;
	[tilespmem:s4+$0x10060] =	vst v8;
	v4 =	vadd.f32 v4, v15  }
0x315: {  	v62 =	vmul.f32 v11, v56;
	v6 =	vmul.f32 v60, v31;
	[tilespmem:s4+$0x100C0] =	vst v63;
	v5 =	vadd.f32 v5, v41  }
0x316: {  	v59 =	vadd.f32 v12, v42;
	v7 =	vmul.f32 v58, v36;
	[tilespmem:s4+$0x10070] =	vst v4;
	v4 =	vmul.f32 v11, v17  }
0x317: {  	v8 =	vmul.f32 v62, v27;
	[tilespmem:s4+$0x10090] =	vst v5;
	v5 =	vadd.f32 v6, v32  }
0x318: {  	[tilespmem:s4+$0x10050] =	vst v59;
	v7 =	vadd.f32 v7, v19;
	v4 =	vmul.f32 v4, v29  }
.Ltmp5:
0x319: {  	[tilespmem:s4+$0x100B0] =	vst v5;
	v5 =	vadd.f32 v8, v42;
	(pc) =	sbr.rel @p1 .LBB2_10-.Ltmp5, $4  }
0x31a: {  	s7 =	smul.u32 $0x680, s3;
	[tilespmem:s4+$0x100A0] =	vst v7;
	v4 =	vadd.f32 v4, v45  }
0x31b: {  	[tilespmem:s4+$0x100D0] =	vst v5  }
0x31c: {  	s2 =	sadd.s32 s10, s7;
	[tilespmem:s4+$0x100E0] =	vst v4  }
0x31d: {  	[hbm4b:s2+s8] =	stream.linear.scatter [tilespmem:s26], [sflag:$0x4], $0x3200, $0x38;
	[tilespmem:$0x13680] =	vst v63  }
0x31e: {  	s2 =	sadd.s32 $0x3, s6  }
0x31f: {  	s3 =	sadd.s32 s9, s2;
	s2 =	sshll.u32 s2, $0x4  }
0x320: {  	s3 =	sshll.u32 s3, $0x4;
	s2 =	sand.u32 $0x70, s2  }
0x321: {  	s3 =	sand.u32 $0xFF80, s3;
	s2 =	sadd.s32 s0, s2  }
0x322: {  	s2 =	sadd.s32 s3, s2  }
0x323: {  	[tilespmem:s21], [sflag:$0x5] =	stream.linear.gather [hbm4b:s2+s8], $0x80, $0x38;
	[tilespmem:$0x13680] =	vst v63  }
.Ltmp6:
0x324: {  	_ = 	snop;
	(pc) =	sbr.rel .LBB2_4-.Ltmp6, $4  }
0x325: {  	_ =	swait.ge [sflag:s14], $0x80  }
0x326: {  	v7 =	vmov v16;
	[sflag:s14] =	ssyncset.done $0x0  }
0x327: {  	v18 =	vmovc v56;
	v9 =	vmovc v17;
	v4 =	vmov v54;
	v5 =	vmov v41;
	v12 =	vmov v19;
	s31 =	sadd.s32 $0x1, s31;
	[sflag:s14] =	ssyncadd.s32 $0xFFFFFF80  }
0x328: {  	v6 =	vmovc v32;
	v16 =	vmovc v43;
	v8 =	vmov v42;
	v15 =	vmov v45;
	v19 =	vmov v49;
	[tilespmem:s22], [sflag:$0x2] =	stream.indirect.gather [hbm4b:s1+s19], $0x80, s21, s19, $0xb8;
	[tilespmem:$0x13680] =	vst v63  }
.LBB2_11:
0x329: {  	_ =	sfence.sel $0x180000  }
0x32a: {  	[bflag:$0x0] =	sbarrier.arrive $0xFFFF  }
0x32b: {  	_ =	strace $0x90000047  }
0x32c: {  	s0 =	stileid.u32;
	[bflag:$0x2] =	sbarrier.arrive $0xFFFF  }
0x32d: {  	p0 =	sne.s32 s0, $0x0;
	s0 =	rddreg [dreg:$0x7]  }
0x32e: {  	s0 =	sadd.s32 @!p0 $0x100000, s0  }
0x32f: {  	[sflag:s0] =	ssyncadd.tile.s32 @!p0 $0x1;
	_ =	shalt  }
.Lfunc_end2:
_tile_overlayer_lowered:
.L_overlay_start_2:
0x330: {  	(tag) =	ssettag $0x2  }
0x331: {  	s0 =	rddreg [dreg:$0x0];
	s2 =	stileid.u32  }
0x332: {  	s1 =	rddreg [dreg:$0x1];
	p0 =	sne.s32 s2, $0x0  }
0x333: {  	s3 =	rddreg [dreg:$0x2];
	[bflag:$0x3] =	sbarrier.arrive $0xFFFF;
	s2 =	simm.s32 @!p0 $0x1C05  }
0x334: {  	[timem:s3], [sflag:s2] =	dma.local @!p0 [hbm:s0], s1  }
0x335: {  	s0 =	simm.s32 @!p0 $0x5  }
0x336: {  	_ =	swait.ge @!p0 [sflag:s0], s1  }
0x337: {  	s1 =	ssub.s32 @!p0 $0x0, s1;
	[sflag:s0] =	ssyncset.done @!p0 $0x0  }
0x338: {  	[sflag:s0] =	ssyncadd.s32 @!p0 s1  }
0x339: {  	[bflag:$0x3] =	sbarrier.arrive $0xFFFF  }
0x33a: {  	_ =	shalt  }

</sc_bundles>
